<compile_context>
chip_gen: v7x
topology: tpu7x:2x2x1
jax: 0.10.2.dev20260603
libtpu: 0.0.44.dev20260713+nightly
codegen_flags: <defaults>
</compile_context>

<pallas_src>
import functools

import jax
import jax.numpy as jnp
from jax import lax
from jax.experimental import pallas as pl
from jax.experimental.pallas import tpu as pltpu
from jax.experimental.pallas import tpu_sc as plsc

N_NODES = 10000
N_EDGES = 320000
NODE_IN = 128
EDGE_IN = 16
HID = 128
OUT_FEATS = 32

_LN_EPS = 1e-5
_INV_SQRT2 = 0.7071067811865476



def _gelu(x):
    return 0.5 * x * (1.0 + lax.erf(x * _INV_SQRT2))


def _proj_node_body(x_ref, w_ref, g_ref, b_ref, o_ref):
    y = jnp.dot(x_ref[...], w_ref[...], preferred_element_type=jnp.float32)
    y = _gelu(y)
    mu = jnp.mean(y, axis=-1, keepdims=True)
    var = jnp.mean((y - mu) ** 2, axis=-1, keepdims=True)
    o_ref[...] = (y - mu) * lax.rsqrt(var + _LN_EPS) * g_ref[...] + b_ref[...]


def _proj_edge_body(x_ref, w_ref, g_ref, b_ref, o_ref):
    y = jnp.dot(x_ref[...], w_ref[...], preferred_element_type=jnp.float32)
    mu = jnp.mean(y, axis=-1, keepdims=True)
    var = jnp.mean((y - mu) ** 2, axis=-1, keepdims=True)
    o_ref[...] = jnp.exp((y - mu) * lax.rsqrt(var + _LN_EPS) * g_ref[...] + b_ref[...])


def _proj_out_body(h0_ref, h1_ref, w_ref, g_ref, b_ref, o_ref):
    h = h0_ref[...] + h1_ref[...]
    y = jnp.dot(h, w_ref[...], preferred_element_type=jnp.float32)
    y = _gelu(y)
    mu = jnp.mean(y, axis=-1, keepdims=True)
    var = jnp.mean((y - mu) ** 2, axis=-1, keepdims=True)
    o_ref[...] = (y - mu) * lax.rsqrt(var + _LN_EPS) * g_ref[...] + b_ref[...]


_NODE_BLK = 1000
_EDGE_BLK = 8000


def _proj_node(x, w, g, b):
    grid = (N_NODES // _NODE_BLK,)
    return pl.pallas_call(
        _proj_node_body,
        grid=grid,
        in_specs=[
            pl.BlockSpec((_NODE_BLK, NODE_IN), lambda i: (i, 0)),
            pl.BlockSpec((NODE_IN, HID), lambda i: (0, 0)),
            pl.BlockSpec((1, HID), lambda i: (0, 0)),
            pl.BlockSpec((1, HID), lambda i: (0, 0)),
        ],
        out_specs=pl.BlockSpec((_NODE_BLK, HID), lambda i: (i, 0)),
        out_shape=jax.ShapeDtypeStruct((N_NODES, HID), jnp.float32),
    )(x, w, g, b)


def _proj_edge(x, w, g, b, n_pad_rows):
    grid = (n_pad_rows // _EDGE_BLK,)
    last = N_EDGES // _EDGE_BLK - 1
    return pl.pallas_call(
        _proj_edge_body,
        grid=grid,
        in_specs=[
            pl.BlockSpec((_EDGE_BLK, EDGE_IN), lambda i: (jnp.minimum(i, last), 0)),
            pl.BlockSpec((EDGE_IN, HID), lambda i: (0, 0)),
            pl.BlockSpec((1, HID), lambda i: (0, 0)),
            pl.BlockSpec((1, HID), lambda i: (0, 0)),
        ],
        out_specs=pl.BlockSpec((_EDGE_BLK, HID), lambda i: (i, 0)),
        out_shape=jax.ShapeDtypeStruct((n_pad_rows, HID), jnp.float32),
    )(x, w, g, b)


def _proj_out(p0, p1, w, g, b):
    grid = (N_NODES // _NODE_BLK,)
    return pl.pallas_call(
        _proj_out_body,
        grid=grid,
        in_specs=[
            pl.BlockSpec((_NODE_BLK, HID), lambda i: (i, 0)),
            pl.BlockSpec((_NODE_BLK, HID), lambda i: (i, 0)),
            pl.BlockSpec((HID, OUT_FEATS), lambda i: (0, 0)),
            pl.BlockSpec((1, OUT_FEATS), lambda i: (0, 0)),
            pl.BlockSpec((1, OUT_FEATS), lambda i: (0, 0)),
        ],
        out_specs=pl.BlockSpec((_NODE_BLK, OUT_FEATS), lambda i: (i, 0)),
        out_shape=jax.ShapeDtypeStruct((N_NODES, OUT_FEATS), jnp.float32),
    )(p0, p1, w, g, b)



_NC = 2
_NS = 16
_NW = _NC * _NS
_C = 64
_CPT = 160
_EPT = _CPT * _C
_PAD_EDGES = _NW * _EPT
_DUMMY_NODE = N_NODES
_ROWS_PER_TILE = 632
_PAD_NODES = _ROWS_PER_TILE * _NS
_ZERO_CHUNKS = (64,) * 9 + (56,)
_LANES = HID // 16


def _sc_body(hv_hbm, he_hbm, idx_hbm, out0_hbm, out1_hbm,
             idx_v, dst_v, g_v, e_v, m_v,
             sg0, sg1, se0, se1, ss0, ss1, si0, si1, h_sh):
    c = lax.axis_index("c")
    s = lax.axis_index("s")
    w = s * _NC + c
    sg = (sg0, sg1)
    se = (se0, se1)
    ss = (ss0, ss1)
    si = (si0, si1)

    zero = jnp.zeros((16,), jnp.float32)

    def _zero_row(r, carry):
        for j in range(_LANES):
            g_v[0, r, pl.ds(j * 16, 16)] = zero
        return carry

    lax.fori_loop(0, _C, _zero_row, 0)
    off = 0
    for n in _ZERO_CHUNKS:
        pltpu.sync_copy(g_v.at[0, pl.ds(0, n)],
                        h_sh.at[pl.ds(s * _ROWS_PER_TILE + off, n)])
        off += n
    plsc.subcore_barrier()

    def _idx(cc, b):
        return pltpu.make_async_copy(
            idx_hbm.at[w * _CPT + cc], idx_v.at[b, 0], si[b])

    def _gather(cc, b):
        del cc
        return pltpu.make_async_copy(
            hv_hbm.at[idx_v.at[b, 0, pl.ds(0, _C)]], g_v.at[b], sg[b])

    def _he(cc, b):
        return pltpu.make_async_copy(
            he_hbm.at[pl.ds(w * _EPT + cc * _C, _C)], e_v.at[b], se[b])

    def _scatter(cc, b):
        del cc
        return pltpu.make_async_copy(m_v.at[b], h_sh.at[dst_v.at[b, 0]], ss[b])

    def _extract_dst(b):
        for j in range(_C // 16):
            sl = pl.ds(j * 16, 16)
            dst_v[b, 0, sl] = idx_v[b, 0, pl.ds(_C + j * 16, 16)]

    def _step(i2, b):
        cc = 2 * i2 + b
        _gather(cc, b).wait()
        _he(cc, b).wait()

        @pl.when(i2 >= 1)
        def _():
            _scatter(cc - 2, b).wait()

        _extract_dst(b)

        @pl.when(i2 <= (_CPT // 2 - 2))
        def _():
            _idx(cc + 2, b).start()

        @plsc.parallel_loop(0, _C, 1, unroll=2)
        def _mul(r):
            for j in range(_LANES):
                sl = pl.ds(j * 16, 16)
                m_v[b, r, sl] = g_v[b, r, sl] * e_v[b, r, sl]

        _scatter(cc, b).start(add=True)

        @pl.when(i2 <= (_CPT // 2 - 2))
        def _():
            _idx(cc + 2, b).wait()
            _gather(cc + 2, b).start()
            _he(cc + 2, b).start()

    for b in range(2):
        _idx(b, b).start()
        _idx(b, b).wait()
        _gather(b, b).start()
        _he(b, b).start()

    def _loop(i2, carry):
        _step(i2, 0)
        _step(i2, 1)
        return carry

    lax.fori_loop(0, _CPT // 2, _loop, 0)
    for b in range(2):
        _scatter(_CPT - 2 + b, b).wait()

    plsc.subcore_barrier()

    @pl.when(c == 0)
    def _():
        pltpu.sync_copy(h_sh.at[pl.ds(s * _ROWS_PER_TILE, _ROWS_PER_TILE)],
                        out0_hbm.at[pl.ds(s * _ROWS_PER_TILE, _ROWS_PER_TILE)])

    @pl.when(c == 1)
    def _():
        pltpu.sync_copy(h_sh.at[pl.ds(s * _ROWS_PER_TILE, _ROWS_PER_TILE)],
                        out1_hbm.at[pl.ds(s * _ROWS_PER_TILE, _ROWS_PER_TILE)])


_sc_gather_mul_scatter = functools.partial(
    pl.kernel,
    out_type=[jax.ShapeDtypeStruct((_PAD_NODES, HID), jnp.float32),
              jax.ShapeDtypeStruct((_PAD_NODES, HID), jnp.float32)],
    mesh=plsc.VectorSubcoreMesh(core_axis_name="c", subcore_axis_name="s",
                                num_cores=_NC, num_subcores=_NS),
    scratch_types=[
        pltpu.VMEM((2, 1, 2 * _C), jnp.int32),
        pltpu.VMEM((2, 1, _C), jnp.int32),
        pltpu.VMEM((2, _C, HID), jnp.float32),
        pltpu.VMEM((2, _C, HID), jnp.float32),
        pltpu.VMEM((2, _C, HID), jnp.float32),
        pltpu.SemaphoreType.DMA,
        pltpu.SemaphoreType.DMA,
        pltpu.SemaphoreType.DMA,
        pltpu.SemaphoreType.DMA,
        pltpu.SemaphoreType.DMA,
        pltpu.SemaphoreType.DMA,
        pltpu.SemaphoreType.DMA,
        pltpu.SemaphoreType.DMA,
        pltpu.VMEM_SHARED((_PAD_NODES, HID), jnp.float32),
    ],
)(_sc_body)




def kernel(node_feats, edge_feats, edge_index, W_node, g_node, b_node,
           W_edge, g_edge, b_edge, W_out, g_out, b_out):
    hv = _proj_node(node_feats, W_node,
                    g_node.reshape(1, -1), b_node.reshape(1, -1))
    n_pad = _PAD_EDGES - N_EDGES
    n_he = -(-_PAD_EDGES // _EDGE_BLK) * _EDGE_BLK
    he = _proj_edge(edge_feats, W_edge,
                    g_edge.reshape(1, -1), b_edge.reshape(1, -1), n_he)
    ei = edge_index.astype(jnp.int32)
    pad_src = jnp.arange(n_pad, dtype=jnp.int32) % _C
    src = jnp.concatenate([ei[0], pad_src])
    pad_dst = _DUMMY_NODE + pad_src
    dst = jnp.concatenate([ei[1], pad_dst])
    comb = jnp.concatenate([src.reshape(-1, _C), dst.reshape(-1, _C)], axis=1)
    p0, p1 = _sc_gather_mul_scatter(hv, he, comb)
    return _proj_out(p0, p1, W_out,
                     g_out.reshape(1, -1), b_out.reshape(1, -1))

# --- scband reference (transcript-rebuilt; emitter-appended) ---
"""Pipeline reference for scband-eblock-45853070852214 (READ-ONLY COPY).

The authoritative reference and input builder live on the scoring server;
editing this copy changes nothing except your own understanding.
"""

import jax, jax.numpy as jnp
import numpy as np

N_NODES = 10000
N_EDGES = 320000
NODE_IN = 128
EDGE_IN = 16
NUM_HEADS = 4
OUT_FEATS = 32
HID = NUM_HEADS * OUT_FEATS  # 128


def layer_norm(x, gamma, beta, eps=1e-5):
    mu = jnp.mean(x, axis=-1, keepdims=True)
    var = jnp.mean((x - mu) ** 2, axis=-1, keepdims=True)
    return (x - mu) / jnp.sqrt(var + eps) * gamma + beta


def setup_inputs(seed: int = 0) -> dict:
    key = jax.random.key(seed)
    ks = jax.random.split(key, 8)
    node_feats = jax.random.normal(ks[0], (N_NODES, NODE_IN), dtype=jnp.float32)
    edge_feats = jax.random.normal(ks[1], (N_EDGES, EDGE_IN), dtype=jnp.float32)
    edge_index = jax.random.randint(ks[2], (2, N_EDGES), 0, N_NODES, dtype=jnp.int64 if jax.config.read('jax_enable_x64') else jnp.int32)
    W_node = jax.random.normal(ks[3], (NODE_IN, HID), dtype=jnp.float32) / jnp.sqrt(NODE_IN)
    W_edge = jax.random.normal(ks[4], (EDGE_IN, HID), dtype=jnp.float32) / jnp.sqrt(EDGE_IN)
    W_out = jax.random.normal(ks[5], (HID, OUT_FEATS), dtype=jnp.float32) / jnp.sqrt(HID)
    g_node = jnp.ones((HID,), jnp.float32); b_node = jnp.zeros((HID,), jnp.float32)
    g_edge = jnp.ones((HID,), jnp.float32); b_edge = jnp.zeros((HID,), jnp.float32)
    g_out = jnp.ones((OUT_FEATS,), jnp.float32); b_out = jnp.zeros((OUT_FEATS,), jnp.float32)
    return {
        'node_feats': node_feats, 'edge_feats': edge_feats, 'edge_index': edge_index,
        'W_node': W_node, 'g_node': g_node, 'b_node': b_node,
        'W_edge': W_edge, 'g_edge': g_edge, 'b_edge': b_edge,
        'W_out': W_out, 'g_out': g_out, 'b_out': b_out,
    }


def reference(node_feats, edge_feats, edge_index, W_node, g_node, b_node,
              W_edge, g_edge, b_edge, W_out, g_out, b_out):
    # project_node: Linear -> GELU -> LayerNorm
    hv = layer_norm(jax.nn.gelu(node_feats @ W_node, approximate=False), g_node, b_node)
    hv = hv.reshape(-1, NUM_HEADS, OUT_FEATS)
    # project_edge: Linear -> LayerNorm, then exp
    he = jnp.exp(layer_norm(edge_feats @ W_edge, g_edge, b_edge))
    he = he.reshape(-1, NUM_HEADS, OUT_FEATS)
    src = edge_index[0]
    dst = edge_index[1]
    # u_mul_e: gather source node features per edge, multiply by edge gates
    m = hv[src] * he
    # sum aggregation to destination nodes
    h = jax.ops.segment_sum(m, dst, num_segments=N_NODES)
    fn = h.reshape(N_NODES, -1)
    # project_out: Linear -> GELU -> LayerNorm
    out = layer_norm(jax.nn.gelu(fn @ W_out, approximate=False), g_out, b_out)
    return out


if False:  # reference __main__ guard neutralized (emitter)
    inp = setup_inputs()
    o = reference(**inp)
    print(o.shape, o.dtype)

if __name__ == "__main__":
    import jax
    _d = setup_inputs()
    print(jax.jit(kernel)(*tuple(_d.values())))

</pallas_src>

<mosaic_0001>
#map = affine_map<(d0, d1) -> (0, 0)>
module attributes {stable_mosaic.version = 14 : i64} {
  func.func @_sc_body(%arg0: i32, %arg1: i32, %arg2: memref<10000x128xf32, #tpu.memory_space<hbm>>, %arg3: memref<328000x128xf32, #tpu.memory_space<hbm>>, %arg4: memref<5120x128xi32, #tpu.memory_space<hbm>>, %arg5: memref<10112x128xf32, #tpu.memory_space<hbm>>, %arg6: memref<10112x128xf32, #tpu.memory_space<hbm>>, %arg7: memref<2x1x128xi32, #tpu.memory_space<vmem>>, %arg8: memref<2x1x64xi32, #tpu.memory_space<vmem>>, %arg9: memref<2x64x128xf32, #tpu.memory_space<vmem>>, %arg10: memref<2x64x128xf32, #tpu.memory_space<vmem>>, %arg11: memref<2x64x128xf32, #tpu.memory_space<vmem>>, %arg12: memref<!tpu.dma_semaphore, #tpu.memory_space<semaphore_mem>>, %arg13: memref<!tpu.dma_semaphore, #tpu.memory_space<semaphore_mem>>, %arg14: memref<!tpu.dma_semaphore, #tpu.memory_space<semaphore_mem>>, %arg15: memref<!tpu.dma_semaphore, #tpu.memory_space<semaphore_mem>>, %arg16: memref<!tpu.dma_semaphore, #tpu.memory_space<semaphore_mem>>, %arg17: memref<!tpu.dma_semaphore, #tpu.memory_space<semaphore_mem>>, %arg18: memref<!tpu.dma_semaphore, #tpu.memory_space<semaphore_mem>>, %arg19: memref<!tpu.dma_semaphore, #tpu.memory_space<semaphore_mem>>, %arg20: memref<10112x128xf32, #tpu.memory_space<vmem_shared>>) attributes {dimension_semantics = [#tpu.dimension_semantics<core_parallel>, #tpu.dimension_semantics<subcore_parallel>], iteration_bounds = array<i64: 2, 16>, scalar_prefetch = 0 : i64, scratch_operands = 14 : i64, tpu.core_type = #tpu.core_type<sc_vector_subcore>, window_params = [{transform_indices = #map}, {transform_indices = #map}, {transform_indices = #map}, {transform_indices = #map}, {transform_indices = #map}]} {
    %mul3A = arith.constant 2 : i32
    %mul3A_0 = arith.muli %arg1, %mul3A : i32
    %add3A = arith.addi %mul3A_0, %arg0 : i32
    %broadcast_in_dim3A = arith.constant 0.000000e+00 : f32
    %broadcast_in_dim3A_1 = vector.broadcast %broadcast_in_dim3A : f32 to vector<16xf32>
    %scan3A = arith.constant 0 : i32
    %scan3A_2 = arith.constant 0 : i32
    %scan3A_3 = arith.constant 64 : i32
    %scan3A_4 = arith.addi %scan3A_2, %scan3A_3 : i32
    %scan3A_5 = arith.constant 1 : i32
    scf.for %scan3A_226 = %scan3A_2 to %scan3A_4 step %scan3A_5  : i32 {
      %swap3A = arith.constant 0 : i32
      %swap3A_227 = arith.index_cast %swap3A : i32 to index
      %swap3A_228 = arith.index_cast %scan3A_226 : i32 to index
      %swap3A_229 = arith.constant 0 : index
      %swap3A_230 = tpu.vector_load %arg9[%swap3A_227, %swap3A_228, %swap3A_229] {strides = array<i32>} : memref<2x64x128xf32, #tpu.memory_space<vmem>>, vector<1x1x16xf32>,
      %swap3A_231 = vector.shape_cast %swap3A_230 : vector<1x1x16xf32> to vector<16xf32>
      %swap3A_232 = vector.shape_cast %broadcast_in_dim3A_1 : vector<16xf32> to vector<1x1x16xf32>
      tpu.vector_store %arg9[%swap3A_227, %swap3A_228, %swap3A_229], %swap3A_232 {strides = array<i32>} : memref<2x64x128xf32, #tpu.memory_space<vmem>>, vector<1x1x16xf32>,
      %swap3A_233 = arith.constant 0 : i32
      %swap3A_234 = arith.index_cast %swap3A_233 : i32 to index
      %swap3A_235 = arith.index_cast %scan3A_226 : i32 to index
      %swap3A_236 = arith.constant 16 : index
      %swap3A_237 = tpu.vector_load %arg9[%swap3A_234, %swap3A_235, %swap3A_236] {strides = array<i32>} : memref<2x64x128xf32, #tpu.memory_space<vmem>>, vector<1x1x16xf32>,
      %swap3A_238 = vector.shape_cast %swap3A_237 : vector<1x1x16xf32> to vector<16xf32>
      %swap3A_239 = vector.shape_cast %broadcast_in_dim3A_1 : vector<16xf32> to vector<1x1x16xf32>
      tpu.vector_store %arg9[%swap3A_234, %swap3A_235, %swap3A_236], %swap3A_239 {strides = array<i32>} : memref<2x64x128xf32, #tpu.memory_space<vmem>>, vector<1x1x16xf32>,
      %swap3A_240 = arith.constant 0 : i32
      %swap3A_241 = arith.index_cast %swap3A_240 : i32 to index
      %swap3A_242 = arith.index_cast %scan3A_226 : i32 to index
      %swap3A_243 = arith.constant 32 : index
      %swap3A_244 = tpu.vector_load %arg9[%swap3A_241, %swap3A_242, %swap3A_243] {strides = array<i32>} : memref<2x64x128xf32, #tpu.memory_space<vmem>>, vector<1x1x16xf32>,
      %swap3A_245 = vector.shape_cast %swap3A_244 : vector<1x1x16xf32> to vector<16xf32>
      %swap3A_246 = vector.shape_cast %broadcast_in_dim3A_1 : vector<16xf32> to vector<1x1x16xf32>
      tpu.vector_store %arg9[%swap3A_241, %swap3A_242, %swap3A_243], %swap3A_246 {strides = array<i32>} : memref<2x64x128xf32, #tpu.memory_space<vmem>>, vector<1x1x16xf32>,
      %swap3A_247 = arith.constant 0 : i32
      %swap3A_248 = arith.index_cast %swap3A_247 : i32 to index
      %swap3A_249 = arith.index_cast %scan3A_226 : i32 to index
      %swap3A_250 = arith.constant 48 : index
      %swap3A_251 = tpu.vector_load %arg9[%swap3A_248, %swap3A_249, %swap3A_250] {strides = array<i32>} : memref<2x64x128xf32, #tpu.memory_space<vmem>>, vector<1x1x16xf32>,
      %swap3A_252 = vector.shape_cast %swap3A_251 : vector<1x1x16xf32> to vector<16xf32>
      %swap3A_253 = vector.shape_cast %broadcast_in_dim3A_1 : vector<16xf32> to vector<1x1x16xf32>
      tpu.vector_store %arg9[%swap3A_248, %swap3A_249, %swap3A_250], %swap3A_253 {strides = array<i32>} : memref<2x64x128xf32, #tpu.memory_space<vmem>>, vector<1x1x16xf32>,
      %swap3A_254 = arith.constant 0 : i32
      %swap3A_255 = arith.index_cast %swap3A_254 : i32 to index
      %swap3A_256 = arith.index_cast %scan3A_226 : i32 to index
      %swap3A_257 = arith.constant 64 : index
      %swap3A_258 = tpu.vector_load %arg9[%swap3A_255, %swap3A_256, %swap3A_257] {strides = array<i32>} : memref<2x64x128xf32, #tpu.memory_space<vmem>>, vector<1x1x16xf32>,
      %swap3A_259 = vector.shape_cast %swap3A_258 : vector<1x1x16xf32> to vector<16xf32>
      %swap3A_260 = vector.shape_cast %broadcast_in_dim3A_1 : vector<16xf32> to vector<1x1x16xf32>
      tpu.vector_store %arg9[%swap3A_255, %swap3A_256, %swap3A_257], %swap3A_260 {strides = array<i32>} : memref<2x64x128xf32, #tpu.memory_space<vmem>>, vector<1x1x16xf32>,
      %swap3A_261 = arith.constant 0 : i32
      %swap3A_262 = arith.index_cast %swap3A_261 : i32 to index
      %swap3A_263 = arith.index_cast %scan3A_226 : i32 to index
      %swap3A_264 = arith.constant 80 : index
      %swap3A_265 = tpu.vector_load %arg9[%swap3A_262, %swap3A_263, %swap3A_264] {strides = array<i32>} : memref<2x64x128xf32, #tpu.memory_space<vmem>>, vector<1x1x16xf32>,
      %swap3A_266 = vector.shape_cast %swap3A_265 : vector<1x1x16xf32> to vector<16xf32>
      %swap3A_267 = vector.shape_cast %broadcast_in_dim3A_1 : vector<16xf32> to vector<1x1x16xf32>
      tpu.vector_store %arg9[%swap3A_262, %swap3A_263, %swap3A_264], %swap3A_267 {strides = array<i32>} : memref<2x64x128xf32, #tpu.memory_space<vmem>>, vector<1x1x16xf32>,
      %swap3A_268 = arith.constant 0 : i32
      %swap3A_269 = arith.index_cast %swap3A_268 : i32 to index
      %swap3A_270 = arith.index_cast %scan3A_226 : i32 to index
      %swap3A_271 = arith.constant 96 : index
      %swap3A_272 = tpu.vector_load %arg9[%swap3A_269, %swap3A_270, %swap3A_271] {strides = array<i32>} : memref<2x64x128xf32, #tpu.memory_space<vmem>>, vector<1x1x16xf32>,
      %swap3A_273 = vector.shape_cast %swap3A_272 : vector<1x1x16xf32> to vector<16xf32>
      %swap3A_274 = vector.shape_cast %broadcast_in_dim3A_1 : vector<16xf32> to vector<1x1x16xf32>
      tpu.vector_store %arg9[%swap3A_269, %swap3A_270, %swap3A_271], %swap3A_274 {strides = array<i32>} : memref<2x64x128xf32, #tpu.memory_space<vmem>>, vector<1x1x16xf32>,
      %swap3A_275 = arith.constant 0 : i32
      %swap3A_276 = arith.index_cast %swap3A_275 : i32 to index
      %swap3A_277 = arith.index_cast %scan3A_226 : i32 to index
      %swap3A_278 = arith.constant 112 : index
      %swap3A_279 = tpu.vector_load %arg9[%swap3A_276, %swap3A_277, %swap3A_278] {strides = array<i32>} : memref<2x64x128xf32, #tpu.memory_space<vmem>>, vector<1x1x16xf32>,
      %swap3A_280 = vector.shape_cast %swap3A_279 : vector<1x1x16xf32> to vector<16xf32>
      %swap3A_281 = vector.shape_cast %broadcast_in_dim3A_1 : vector<16xf32> to vector<1x1x16xf32>
      tpu.vector_store %arg9[%swap3A_276, %swap3A_277, %swap3A_278], %swap3A_281 {strides = array<i32>} : memref<2x64x128xf32, #tpu.memory_space<vmem>>, vector<1x1x16xf32>,
    }
    %scan3A_6 = arith.constant 64 : i32
    %mul3A_7 = arith.constant 632 : i32
    %mul3A_8 = arith.muli %arg1, %mul3A_7 : i32
    %add3A_9 = arith.constant 0 : i32
    %add3A_10 = arith.addi %mul3A_8, %add3A_9 : i32
    %run_scoped3A = arith.constant 0 : i32
    "tpu.region"() ({
      %run_scoped3A_226 = tpu.sem_alloc : memref<!tpu.dma_semaphore, #tpu.memory_space<semaphore_mem>>
      %dma_start3A_227 = arith.constant 0 : i32
      %dma_start3A_228 = arith.constant 0 : i32
      %dma_start3A_229 = tpu.memref_slice %arg9[%run_scoped3A, %dma_start3A_227, %dma_start3A_228] : memref<2x64x128xf32, #tpu.memory_space<vmem>> -> memref<1x64x128xf32, #tpu.memory_space<vmem>>
      %dma_start3A_230 = tpu.memref_squeeze %dma_start3A_229 : memref<1x64x128xf32, #tpu.memory_space<vmem>> -> memref<64x128xf32, #tpu.memory_space<vmem>>
      %dma_start3A_231 = arith.constant 0 : i32
      %dma_start3A_232 = tpu.memref_slice %arg20[%add3A_10, %dma_start3A_231] : memref<10112x128xf32, #tpu.memory_space<vmem_shared>> -> memref<64x128xf32, #tpu.memory_space<vmem_shared>>
      %dma_start3A_233 = arith.constant 0 : i32
      %dma_start3A_234 = tpu.memref_slice %arg20[%add3A_10, %dma_start3A_233] : memref<10112x128xf32, #tpu.memory_space<vmem_shared>> -> memref<64x128xf32, #tpu.memory_space<vmem_shared>>
      %dma_start3A_235 = arith.constant 0 : i32
      %dma_start3A_236 = arith.constant 0 : i32
      %dma_start3A_237 = tpu.memref_slice %arg9[%run_scoped3A, %dma_start3A_235, %dma_start3A_236] : memref<2x64x128xf32, #tpu.memory_space<vmem>> -> memref<1x64x128xf32, #tpu.memory_space<vmem>>
      %dma_start3A_238 = tpu.memref_squeeze %dma_start3A_237 : memref<1x64x128xf32, #tpu.memory_space<vmem>> -> memref<64x128xf32, #tpu.memory_space<vmem>>
      tpu.enqueue_dma source(%dma_start3A_238 : memref<64x128xf32, #tpu.memory_space<vmem>>) target(%dma_start3A_234 : memref<64x128xf32, #tpu.memory_space<vmem_shared>>) target_semaphore(%run_scoped3A_226 : memref<!tpu.dma_semaphore, #tpu.memory_space<semaphore_mem>>)
      %dma_wait3A_239 = arith.constant 0 : i32
      %dma_wait3A_240 = arith.constant 0 : i32
      %dma_wait3A_241 = tpu.memref_slice %arg9[%run_scoped3A, %dma_wait3A_239, %dma_wait3A_240] : memref<2x64x128xf32, #tpu.memory_space<vmem>> -> memref<1x64x128xf32, #tpu.memory_space<vmem>>
      %dma_wait3A_242 = tpu.memref_squeeze %dma_wait3A_241 : memref<1x64x128xf32, #tpu.memory_space<vmem>> -> memref<64x128xf32, #tpu.memory_space<vmem>>
      %dma_wait3A_243 = arith.constant 0 : i32
      %dma_wait3A_244 = tpu.memref_slice %arg20[%add3A_10, %dma_wait3A_243] : memref<10112x128xf32, #tpu.memory_space<vmem_shared>> -> memref<64x128xf32, #tpu.memory_space<vmem_shared>>
      %dma_wait3A_245 = arith.constant 0 : i32
      %dma_wait3A_246 = tpu.memref_slice %arg20[%add3A_10, %dma_wait3A_245] : memref<10112x128xf32, #tpu.memory_space<vmem_shared>> -> memref<64x128xf32, #tpu.memory_space<vmem_shared>>
      %dma_wait3A_247 = arith.constant 0 : i32
      %dma_wait3A_248 = arith.constant 0 : i32
      %dma_wait3A_249 = tpu.memref_slice %arg9[%run_scoped3A, %dma_wait3A_247, %dma_wait3A_248] : memref<2x64x128xf32, #tpu.memory_space<vmem>> -> memref<1x64x128xf32, #tpu.memory_space<vmem>>
      %dma_wait3A_250 = tpu.memref_squeeze %dma_wait3A_249 : memref<1x64x128xf32, #tpu.memory_space<vmem>> -> memref<64x128xf32, #tpu.memory_space<vmem>>
      tpu.wait_dma2 semaphore(%run_scoped3A_226 : memref<!tpu.dma_semaphore, #tpu.memory_space<semaphore_mem>>) src(%dma_wait3A_250 : memref<64x128xf32, #tpu.memory_space<vmem>>) dst(%dma_wait3A_246 : memref<64x128xf32, #tpu.memory_space<vmem_shared>>)
      tpu.yield
    }) : () -> ()
    %mul3A_11 = arith.constant 632 : i32
    %mul3A_12 = arith.muli %arg1, %mul3A_11 : i32
    %add3A_13 = arith.constant 64 : i32
    %add3A_14 = arith.addi %mul3A_12, %add3A_13 : i32
    %run_scoped3A_15 = arith.constant 0 : i32
    "tpu.region"() ({
      %run_scoped3A_226 = tpu.sem_alloc : memref<!tpu.dma_semaphore, #tpu.memory_space<semaphore_mem>>
      %dma_start3A_227 = arith.constant 0 : i32
      %dma_start3A_228 = arith.constant 0 : i32
      %dma_start3A_229 = tpu.memref_slice %arg9[%run_scoped3A_15, %dma_start3A_227, %dma_start3A_228] : memref<2x64x128xf32, #tpu.memory_space<vmem>> -> memref<1x64x128xf32, #tpu.memory_space<vmem>>
      %dma_start3A_230 = tpu.memref_squeeze %dma_start3A_229 : memref<1x64x128xf32, #tpu.memory_space<vmem>> -> memref<64x128xf32, #tpu.memory_space<vmem>>
      %dma_start3A_231 = arith.constant 0 : i32
      %dma_start3A_232 = tpu.memref_slice %arg20[%add3A_14, %dma_start3A_231] : memref<10112x128xf32, #tpu.memory_space<vmem_shared>> -> memref<64x128xf32, #tpu.memory_space<vmem_shared>>
      %dma_start3A_233 = arith.constant 0 : i32
      %dma_start3A_234 = tpu.memref_slice %arg20[%add3A_14, %dma_start3A_233] : memref<10112x128xf32, #tpu.memory_space<vmem_shared>> -> memref<64x128xf32, #tpu.memory_space<vmem_shared>>
      %dma_start3A_235 = arith.constant 0 : i32
      %dma_start3A_236 = arith.constant 0 : i32
      %dma_start3A_237 = tpu.memref_slice %arg9[%run_scoped3A_15, %dma_start3A_235, %dma_start3A_236] : memref<2x64x128xf32, #tpu.memory_space<vmem>> -> memref<1x64x128xf32, #tpu.memory_space<vmem>>
      %dma_start3A_238 = tpu.memref_squeeze %dma_start3A_237 : memref<1x64x128xf32, #tpu.memory_space<vmem>> -> memref<64x128xf32, #tpu.memory_space<vmem>>
      tpu.enqueue_dma source(%dma_start3A_238 : memref<64x128xf32, #tpu.memory_space<vmem>>) target(%dma_start3A_234 : memref<64x128xf32, #tpu.memory_space<vmem_shared>>) target_semaphore(%run_scoped3A_226 : memref<!tpu.dma_semaphore, #tpu.memory_space<semaphore_mem>>)
      %dma_wait3A_239 = arith.constant 0 : i32
      %dma_wait3A_240 = arith.constant 0 : i32
      %dma_wait3A_241 = tpu.memref_slice %arg9[%run_scoped3A_15, %dma_wait3A_239, %dma_wait3A_240] : memref<2x64x128xf32, #tpu.memory_space<vmem>> -> memref<1x64x128xf32, #tpu.memory_space<vmem>>
      %dma_wait3A_242 = tpu.memref_squeeze %dma_wait3A_241 : memref<1x64x128xf32, #tpu.memory_space<vmem>> -> memref<64x128xf32, #tpu.memory_space<vmem>>
      %dma_wait3A_243 = arith.constant 0 : i32
      %dma_wait3A_244 = tpu.memref_slice %arg20[%add3A_14, %dma_wait3A_243] : memref<10112x128xf32, #tpu.memory_space<vmem_shared>> -> memref<64x128xf32, #tpu.memory_space<vmem_shared>>
      %dma_wait3A_245 = arith.constant 0 : i32
      %dma_wait3A_246 = tpu.memref_slice %arg20[%add3A_14, %dma_wait3A_245] : memref<10112x128xf32, #tpu.memory_space<vmem_shared>> -> memref<64x128xf32, #tpu.memory_space<vmem_shared>>
      %dma_wait3A_247 = arith.constant 0 : i32
      %dma_wait3A_248 = arith.constant 0 : i32
      %dma_wait3A_249 = tpu.memref_slice %arg9[%run_scoped3A_15, %dma_wait3A_247, %dma_wait3A_248] : memref<2x64x128xf32, #tpu.memory_space<vmem>> -> memref<1x64x128xf32, #tpu.memory_space<vmem>>
      %dma_wait3A_250 = tpu.memref_squeeze %dma_wait3A_249 : memref<1x64x128xf32, #tpu.memory_space<vmem>> -> memref<64x128xf32, #tpu.memory_space<vmem>>
      tpu.wait_dma2 semaphore(%run_scoped3A_226 : memref<!tpu.dma_semaphore, #tpu.memory_space<semaphore_mem>>) src(%dma_wait3A_250 : memref<64x128xf32, #tpu.memory_space<vmem>>) dst(%dma_wait3A_246 : memref<64x128xf32, #tpu.memory_space<vmem_shared>>)
      tpu.yield
    }) : () -> ()
    %mul3A_16 = arith.constant 632 : i32
    %mul3A_17 = arith.muli %arg1, %mul3A_16 : i32
    %add3A_18 = arith.constant 128 : i32
    %add3A_19 = arith.addi %mul3A_17, %add3A_18 : i32
    %run_scoped3A_20 = arith.constant 0 : i32
    "tpu.region"() ({
      %run_scoped3A_226 = tpu.sem_alloc : memref<!tpu.dma_semaphore, #tpu.memory_space<semaphore_mem>>
      %dma_start3A_227 = arith.constant 0 : i32
      %dma_start3A_228 = arith.constant 0 : i32
      %dma_start3A_229 = tpu.memref_slice %arg9[%run_scoped3A_20, %dma_start3A_227, %dma_start3A_228] : memref<2x64x128xf32, #tpu.memory_space<vmem>> -> memref<1x64x128xf32, #tpu.memory_space<vmem>>
      %dma_start3A_230 = tpu.memref_squeeze %dma_start3A_229 : memref<1x64x128xf32, #tpu.memory_space<vmem>> -> memref<64x128xf32, #tpu.memory_space<vmem>>
      %dma_start3A_231 = arith.constant 0 : i32
      %dma_start3A_232 = tpu.memref_slice %arg20[%add3A_19, %dma_start3A_231] : memref<10112x128xf32, #tpu.memory_space<vmem_shared>> -> memref<64x128xf32, #tpu.memory_space<vmem_shared>>
      %dma_start3A_233 = arith.constant 0 : i32
      %dma_start3A_234 = tpu.memref_slice %arg20[%add3A_19, %dma_start3A_233] : memref<10112x128xf32, #tpu.memory_space<vmem_shared>> -> memref<64x128xf32, #tpu.memory_space<vmem_shared>>
      %dma_start3A_235 = arith.constant 0 : i32
      %dma_start3A_236 = arith.constant 0 : i32
      %dma_start3A_237 = tpu.memref_slice %arg9[%run_scoped3A_20, %dma_start3A_235, %dma_start3A_236] : memref<2x64x128xf32, #tpu.memory_space<vmem>> -> memref<1x64x128xf32, #tpu.memory_space<vmem>>
      %dma_start3A_238 = tpu.memref_squeeze %dma_start3A_237 : memref<1x64x128xf32, #tpu.memory_space<vmem>> -> memref<64x128xf32, #tpu.memory_space<vmem>>
      tpu.enqueue_dma source(%dma_start3A_238 : memref<64x128xf32, #tpu.memory_space<vmem>>) target(%dma_start3A_234 : memref<64x128xf32, #tpu.memory_space<vmem_shared>>) target_semaphore(%run_scoped3A_226 : memref<!tpu.dma_semaphore, #tpu.memory_space<semaphore_mem>>)
      %dma_wait3A_239 = arith.constant 0 : i32
      %dma_wait3A_240 = arith.constant 0 : i32
      %dma_wait3A_241 = tpu.memref_slice %arg9[%run_scoped3A_20, %dma_wait3A_239, %dma_wait3A_240] : memref<2x64x128xf32, #tpu.memory_space<vmem>> -> memref<1x64x128xf32, #tpu.memory_space<vmem>>
      %dma_wait3A_242 = tpu.memref_squeeze %dma_wait3A_241 : memref<1x64x128xf32, #tpu.memory_space<vmem>> -> memref<64x128xf32, #tpu.memory_space<vmem>>
      %dma_wait3A_243 = arith.constant 0 : i32
      %dma_wait3A_244 = tpu.memref_slice %arg20[%add3A_19, %dma_wait3A_243] : memref<10112x128xf32, #tpu.memory_space<vmem_shared>> -> memref<64x128xf32, #tpu.memory_space<vmem_shared>>
      %dma_wait3A_245 = arith.constant 0 : i32
      %dma_wait3A_246 = tpu.memref_slice %arg20[%add3A_19, %dma_wait3A_245] : memref<10112x128xf32, #tpu.memory_space<vmem_shared>> -> memref<64x128xf32, #tpu.memory_space<vmem_shared>>
      %dma_wait3A_247 = arith.constant 0 : i32
      %dma_wait3A_248 = arith.constant 0 : i32
      %dma_wait3A_249 = tpu.memref_slice %arg9[%run_scoped3A_20, %dma_wait3A_247, %dma_wait3A_248] : memref<2x64x128xf32, #tpu.memory_space<vmem>> -> memref<1x64x128xf32, #tpu.memory_space<vmem>>
      %dma_wait3A_250 = tpu.memref_squeeze %dma_wait3A_249 : memref<1x64x128xf32, #tpu.memory_space<vmem>> -> memref<64x128xf32, #tpu.memory_space<vmem>>
      tpu.wait_dma2 semaphore(%run_scoped3A_226 : memref<!tpu.dma_semaphore, #tpu.memory_space<semaphore_mem>>) src(%dma_wait3A_250 : memref<64x128xf32, #tpu.memory_space<vmem>>) dst(%dma_wait3A_246 : memref<64x128xf32, #tpu.memory_space<vmem_shared>>)
      tpu.yield
    }) : () -> ()
    %mul3A_21 = arith.constant 632 : i32
    %mul3A_22 = arith.muli %arg1, %mul3A_21 : i32
    %add3A_23 = arith.constant 192 : i32
    %add3A_24 = arith.addi %mul3A_22, %add3A_23 : i32
    %run_scoped3A_25 = arith.constant 0 : i32
    "tpu.region"() ({
      %run_scoped3A_226 = tpu.sem_alloc : memref<!tpu.dma_semaphore, #tpu.memory_space<semaphore_mem>>
      %dma_start3A_227 = arith.constant 0 : i32
      %dma_start3A_228 = arith.constant 0 : i32
      %dma_start3A_229 = tpu.memref_slice %arg9[%run_scoped3A_25, %dma_start3A_227, %dma_start3A_228] : memref<2x64x128xf32, #tpu.memory_space<vmem>> -> memref<1x64x128xf32, #tpu.memory_space<vmem>>
      %dma_start3A_230 = tpu.memref_squeeze %dma_start3A_229 : memref<1x64x128xf32, #tpu.memory_space<vmem>> -> memref<64x128xf32, #tpu.memory_space<vmem>>
      %dma_start3A_231 = arith.constant 0 : i32
      %dma_start3A_232 = tpu.memref_slice %arg20[%add3A_24, %dma_start3A_231] : memref<10112x128xf32, #tpu.memory_space<vmem_shared>> -> memref<64x128xf32, #tpu.memory_space<vmem_shared>>
      %dma_start3A_233 = arith.constant 0 : i32
      %dma_start3A_234 = tpu.memref_slice %arg20[%add3A_24, %dma_start3A_233] : memref<10112x128xf32, #tpu.memory_space<vmem_shared>> -> memref<64x128xf32, #tpu.memory_space<vmem_shared>>
      %dma_start3A_235 = arith.constant 0 : i32
      %dma_start3A_236 = arith.constant 0 : i32
      %dma_start3A_237 = tpu.memref_slice %arg9[%run_scoped3A_25, %dma_start3A_235, %dma_start3A_236] : memref<2x64x128xf32, #tpu.memory_space<vmem>> -> memref<1x64x128xf32, #tpu.memory_space<vmem>>
      %dma_start3A_238 = tpu.memref_squeeze %dma_start3A_237 : memref<1x64x128xf32, #tpu.memory_space<vmem>> -> memref<64x128xf32, #tpu.memory_space<vmem>>
      tpu.enqueue_dma source(%dma_start3A_238 : memref<64x128xf32, #tpu.memory_space<vmem>>) target(%dma_start3A_234 : memref<64x128xf32, #tpu.memory_space<vmem_shared>>) target_semaphore(%run_scoped3A_226 : memref<!tpu.dma_semaphore, #tpu.memory_space<semaphore_mem>>)
      %dma_wait3A_239 = arith.constant 0 : i32
      %dma_wait3A_240 = arith.constant 0 : i32
      %dma_wait3A_241 = tpu.memref_slice %arg9[%run_scoped3A_25, %dma_wait3A_239, %dma_wait3A_240] : memref<2x64x128xf32, #tpu.memory_space<vmem>> -> memref<1x64x128xf32, #tpu.memory_space<vmem>>
      %dma_wait3A_242 = tpu.memref_squeeze %dma_wait3A_241 : memref<1x64x128xf32, #tpu.memory_space<vmem>> -> memref<64x128xf32, #tpu.memory_space<vmem>>
      %dma_wait3A_243 = arith.constant 0 : i32
      %dma_wait3A_244 = tpu.memref_slice %arg20[%add3A_24, %dma_wait3A_243] : memref<10112x128xf32, #tpu.memory_space<vmem_shared>> -> memref<64x128xf32, #tpu.memory_space<vmem_shared>>
      %dma_wait3A_245 = arith.constant 0 : i32
      %dma_wait3A_246 = tpu.memref_slice %arg20[%add3A_24, %dma_wait3A_245] : memref<10112x128xf32, #tpu.memory_space<vmem_shared>> -> memref<64x128xf32, #tpu.memory_space<vmem_shared>>
      %dma_wait3A_247 = arith.constant 0 : i32
      %dma_wait3A_248 = arith.constant 0 : i32
      %dma_wait3A_249 = tpu.memref_slice %arg9[%run_scoped3A_25, %dma_wait3A_247, %dma_wait3A_248] : memref<2x64x128xf32, #tpu.memory_space<vmem>> -> memref<1x64x128xf32, #tpu.memory_space<vmem>>
      %dma_wait3A_250 = tpu.memref_squeeze %dma_wait3A_249 : memref<1x64x128xf32, #tpu.memory_space<vmem>> -> memref<64x128xf32, #tpu.memory_space<vmem>>
      tpu.wait_dma2 semaphore(%run_scoped3A_226 : memref<!tpu.dma_semaphore, #tpu.memory_space<semaphore_mem>>) src(%dma_wait3A_250 : memref<64x128xf32, #tpu.memory_space<vmem>>) dst(%dma_wait3A_246 : memref<64x128xf32, #tpu.memory_space<vmem_shared>>)
      tpu.yield
    }) : () -> ()
    %mul3A_26 = arith.constant 632 : i32
    %mul3A_27 = arith.muli %arg1, %mul3A_26 : i32
    %add3A_28 = arith.constant 256 : i32
    %add3A_29 = arith.addi %mul3A_27, %add3A_28 : i32
    %run_scoped3A_30 = arith.constant 0 : i32
    "tpu.region"() ({
      %run_scoped3A_226 = tpu.sem_alloc : memref<!tpu.dma_semaphore, #tpu.memory_space<semaphore_mem>>
      %dma_start3A_227 = arith.constant 0 : i32
      %dma_start3A_228 = arith.constant 0 : i32
      %dma_start3A_229 = tpu.memref_slice %arg9[%run_scoped3A_30, %dma_start3A_227, %dma_start3A_228] : memref<2x64x128xf32, #tpu.memory_space<vmem>> -> memref<1x64x128xf32, #tpu.memory_space<vmem>>
      %dma_start3A_230 = tpu.memref_squeeze %dma_start3A_229 : memref<1x64x128xf32, #tpu.memory_space<vmem>> -> memref<64x128xf32, #tpu.memory_space<vmem>>
      %dma_start3A_231 = arith.constant 0 : i32
      %dma_start3A_232 = tpu.memref_slice %arg20[%add3A_29, %dma_start3A_231] : memref<10112x128xf32, #tpu.memory_space<vmem_shared>> -> memref<64x128xf32, #tpu.memory_space<vmem_shared>>
      %dma_start3A_233 = arith.constant 0 : i32
      %dma_start3A_234 = tpu.memref_slice %arg20[%add3A_29, %dma_start3A_233] : memref<10112x128xf32, #tpu.memory_space<vmem_shared>> -> memref<64x128xf32, #tpu.memory_space<vmem_shared>>
      %dma_start3A_235 = arith.constant 0 : i32
      %dma_start3A_236 = arith.constant 0 : i32
      %dma_start3A_237 = tpu.memref_slice %arg9[%run_scoped3A_30, %dma_start3A_235, %dma_start3A_236] : memref<2x64x128xf32, #tpu.memory_space<vmem>> -> memref<1x64x128xf32, #tpu.memory_space<vmem>>
      %dma_start3A_238 = tpu.memref_squeeze %dma_start3A_237 : memref<1x64x128xf32, #tpu.memory_space<vmem>> -> memref<64x128xf32, #tpu.memory_space<vmem>>
      tpu.enqueue_dma source(%dma_start3A_238 : memref<64x128xf32, #tpu.memory_space<vmem>>) target(%dma_start3A_234 : memref<64x128xf32, #tpu.memory_space<vmem_shared>>) target_semaphore(%run_scoped3A_226 : memref<!tpu.dma_semaphore, #tpu.memory_space<semaphore_mem>>)
      %dma_wait3A_239 = arith.constant 0 : i32
      %dma_wait3A_240 = arith.constant 0 : i32
      %dma_wait3A_241 = tpu.memref_slice %arg9[%run_scoped3A_30, %dma_wait3A_239, %dma_wait3A_240] : memref<2x64x128xf32, #tpu.memory_space<vmem>> -> memref<1x64x128xf32, #tpu.memory_space<vmem>>
      %dma_wait3A_242 = tpu.memref_squeeze %dma_wait3A_241 : memref<1x64x128xf32, #tpu.memory_space<vmem>> -> memref<64x128xf32, #tpu.memory_space<vmem>>
      %dma_wait3A_243 = arith.constant 0 : i32
      %dma_wait3A_244 = tpu.memref_slice %arg20[%add3A_29, %dma_wait3A_243] : memref<10112x128xf32, #tpu.memory_space<vmem_shared>> -> memref<64x128xf32, #tpu.memory_space<vmem_shared>>
      %dma_wait3A_245 = arith.constant 0 : i32
      %dma_wait3A_246 = tpu.memref_slice %arg20[%add3A_29, %dma_wait3A_245] : memref<10112x128xf32, #tpu.memory_space<vmem_shared>> -> memref<64x128xf32, #tpu.memory_space<vmem_shared>>
      %dma_wait3A_247 = arith.constant 0 : i32
      %dma_wait3A_248 = arith.constant 0 : i32
      %dma_wait3A_249 = tpu.memref_slice %arg9[%run_scoped3A_30, %dma_wait3A_247, %dma_wait3A_248] : memref<2x64x128xf32, #tpu.memory_space<vmem>> -> memref<1x64x128xf32, #tpu.memory_space<vmem>>
      %dma_wait3A_250 = tpu.memref_squeeze %dma_wait3A_249 : memref<1x64x128xf32, #tpu.memory_space<vmem>> -> memref<64x128xf32, #tpu.memory_space<vmem>>
      tpu.wait_dma2 semaphore(%run_scoped3A_226 : memref<!tpu.dma_semaphore, #tpu.memory_space<semaphore_mem>>) src(%dma_wait3A_250 : memref<64x128xf32, #tpu.memory_space<vmem>>) dst(%dma_wait3A_246 : memref<64x128xf32, #tpu.memory_space<vmem_shared>>)
      tpu.yield
    }) : () -> ()
    %mul3A_31 = arith.constant 632 : i32
    %mul3A_32 = arith.muli %arg1, %mul3A_31 : i32
    %add3A_33 = arith.constant 320 : i32
    %add3A_34 = arith.addi %mul3A_32, %add3A_33 : i32
    %run_scoped3A_35 = arith.constant 0 : i32
    "tpu.region"() ({
      %run_scoped3A_226 = tpu.sem_alloc : memref<!tpu.dma_semaphore, #tpu.memory_space<semaphore_mem>>
      %dma_start3A_227 = arith.constant 0 : i32
      %dma_start3A_228 = arith.constant 0 : i32
      %dma_start3A_229 = tpu.memref_slice %arg9[%run_scoped3A_35, %dma_start3A_227, %dma_start3A_228] : memref<2x64x128xf32, #tpu.memory_space<vmem>> -> memref<1x64x128xf32, #tpu.memory_space<vmem>>
      %dma_start3A_230 = tpu.memref_squeeze %dma_start3A_229 : memref<1x64x128xf32, #tpu.memory_space<vmem>> -> memref<64x128xf32, #tpu.memory_space<vmem>>
      %dma_start3A_231 = arith.constant 0 : i32
      %dma_start3A_232 = tpu.memref_slice %arg20[%add3A_34, %dma_start3A_231] : memref<10112x128xf32, #tpu.memory_space<vmem_shared>> -> memref<64x128xf32, #tpu.memory_space<vmem_shared>>
      %dma_start3A_233 = arith.constant 0 : i32
      %dma_start3A_234 = tpu.memref_slice %arg20[%add3A_34, %dma_start3A_233] : memref<10112x128xf32, #tpu.memory_space<vmem_shared>> -> memref<64x128xf32, #tpu.memory_space<vmem_shared>>
      %dma_start3A_235 = arith.constant 0 : i32
      %dma_start3A_236 = arith.constant 0 : i32
      %dma_start3A_237 = tpu.memref_slice %arg9[%run_scoped3A_35, %dma_start3A_235, %dma_start3A_236] : memref<2x64x128xf32, #tpu.memory_space<vmem>> -> memref<1x64x128xf32, #tpu.memory_space<vmem>>
      %dma_start3A_238 = tpu.memref_squeeze %dma_start3A_237 : memref<1x64x128xf32, #tpu.memory_space<vmem>> -> memref<64x128xf32, #tpu.memory_space<vmem>>
      tpu.enqueue_dma source(%dma_start3A_238 : memref<64x128xf32, #tpu.memory_space<vmem>>) target(%dma_start3A_234 : memref<64x128xf32, #tpu.memory_space<vmem_shared>>) target_semaphore(%run_scoped3A_226 : memref<!tpu.dma_semaphore, #tpu.memory_space<semaphore_mem>>)
      %dma_wait3A_239 = arith.constant 0 : i32
      %dma_wait3A_240 = arith.constant 0 : i32
      %dma_wait3A_241 = tpu.memref_slice %arg9[%run_scoped3A_35, %dma_wait3A_239, %dma_wait3A_240] : memref<2x64x128xf32, #tpu.memory_space<vmem>> -> memref<1x64x128xf32, #tpu.memory_space<vmem>>
      %dma_wait3A_242 = tpu.memref_squeeze %dma_wait3A_241 : memref<1x64x128xf32, #tpu.memory_space<vmem>> -> memref<64x128xf32, #tpu.memory_space<vmem>>
      %dma_wait3A_243 = arith.constant 0 : i32
      %dma_wait3A_244 = tpu.memref_slice %arg20[%add3A_34, %dma_wait3A_243] : memref<10112x128xf32, #tpu.memory_space<vmem_shared>> -> memref<64x128xf32, #tpu.memory_space<vmem_shared>>
      %dma_wait3A_245 = arith.constant 0 : i32
      %dma_wait3A_246 = tpu.memref_slice %arg20[%add3A_34, %dma_wait3A_245] : memref<10112x128xf32, #tpu.memory_space<vmem_shared>> -> memref<64x128xf32, #tpu.memory_space<vmem_shared>>
      %dma_wait3A_247 = arith.constant 0 : i32
      %dma_wait3A_248 = arith.constant 0 : i32
      %dma_wait3A_249 = tpu.memref_slice %arg9[%run_scoped3A_35, %dma_wait3A_247, %dma_wait3A_248] : memref<2x64x128xf32, #tpu.memory_space<vmem>> -> memref<1x64x128xf32, #tpu.memory_space<vmem>>
      %dma_wait3A_250 = tpu.memref_squeeze %dma_wait3A_249 : memref<1x64x128xf32, #tpu.memory_space<vmem>> -> memref<64x128xf32, #tpu.memory_space<vmem>>
      tpu.wait_dma2 semaphore(%run_scoped3A_226 : memref<!tpu.dma_semaphore, #tpu.memory_space<semaphore_mem>>) src(%dma_wait3A_250 : memref<64x128xf32, #tpu.memory_space<vmem>>) dst(%dma_wait3A_246 : memref<64x128xf32, #tpu.memory_space<vmem_shared>>)
      tpu.yield
    }) : () -> ()
    %mul3A_36 = arith.constant 632 : i32
    %mul3A_37 = arith.muli %arg1, %mul3A_36 : i32
    %add3A_38 = arith.constant 384 : i32
    %add3A_39 = arith.addi %mul3A_37, %add3A_38 : i32
    %run_scoped3A_40 = arith.constant 0 : i32
    "tpu.region"() ({
      %run_scoped3A_226 = tpu.sem_alloc : memref<!tpu.dma_semaphore, #tpu.memory_space<semaphore_mem>>
      %dma_start3A_227 = arith.constant 0 : i32
      %dma_start3A_228 = arith.constant 0 : i32
      %dma_start3A_229 = tpu.memref_slice %arg9[%run_scoped3A_40, %dma_start3A_227, %dma_start3A_228] : memref<2x64x128xf32, #tpu.memory_space<vmem>> -> memref<1x64x128xf32, #tpu.memory_space<vmem>>
      %dma_start3A_230 = tpu.memref_squeeze %dma_start3A_229 : memref<1x64x128xf32, #tpu.memory_space<vmem>> -> memref<64x128xf32, #tpu.memory_space<vmem>>
      %dma_start3A_231 = arith.constant 0 : i32
      %dma_start3A_232 = tpu.memref_slice %arg20[%add3A_39, %dma_start3A_231] : memref<10112x128xf32, #tpu.memory_space<vmem_shared>> -> memref<64x128xf32, #tpu.memory_space<vmem_shared>>
      %dma_start3A_233 = arith.constant 0 : i32
      %dma_start3A_234 = tpu.memref_slice %arg20[%add3A_39, %dma_start3A_233] : memref<10112x128xf32, #tpu.memory_space<vmem_shared>> -> memref<64x128xf32, #tpu.memory_space<vmem_shared>>
      %dma_start3A_235 = arith.constant 0 : i32
      %dma_start3A_236 = arith.constant 0 : i32
      %dma_start3A_237 = tpu.memref_slice %arg9[%run_scoped3A_40, %dma_start3A_235, %dma_start3A_236] : memref<2x64x128xf32, #tpu.memory_space<vmem>> -> memref<1x64x128xf32, #tpu.memory_space<vmem>>
      %dma_start3A_238 = tpu.memref_squeeze %dma_start3A_237 : memref<1x64x128xf32, #tpu.memory_space<vmem>> -> memref<64x128xf32, #tpu.memory_space<vmem>>
      tpu.enqueue_dma source(%dma_start3A_238 : memref<64x128xf32, #tpu.memory_space<vmem>>) target(%dma_start3A_234 : memref<64x128xf32, #tpu.memory_space<vmem_shared>>) target_semaphore(%run_scoped3A_226 : memref<!tpu.dma_semaphore, #tpu.memory_space<semaphore_mem>>)
      %dma_wait3A_239 = arith.constant 0 : i32
      %dma_wait3A_240 = arith.constant 0 : i32
      %dma_wait3A_241 = tpu.memref_slice %arg9[%run_scoped3A_40, %dma_wait3A_239, %dma_wait3A_240] : memref<2x64x128xf32, #tpu.memory_space<vmem>> -> memref<1x64x128xf32, #tpu.memory_space<vmem>>
      %dma_wait3A_242 = tpu.memref_squeeze %dma_wait3A_241 : memref<1x64x128xf32, #tpu.memory_space<vmem>> -> memref<64x128xf32, #tpu.memory_space<vmem>>
      %dma_wait3A_243 = arith.constant 0 : i32
      %dma_wait3A_244 = tpu.memref_slice %arg20[%add3A_39, %dma_wait3A_243] : memref<10112x128xf32, #tpu.memory_space<vmem_shared>> -> memref<64x128xf32, #tpu.memory_space<vmem_shared>>
      %dma_wait3A_245 = arith.constant 0 : i32
      %dma_wait3A_246 = tpu.memref_slice %arg20[%add3A_39, %dma_wait3A_245] : memref<10112x128xf32, #tpu.memory_space<vmem_shared>> -> memref<64x128xf32, #tpu.memory_space<vmem_shared>>
      %dma_wait3A_247 = arith.constant 0 : i32
      %dma_wait3A_248 = arith.constant 0 : i32
      %dma_wait3A_249 = tpu.memref_slice %arg9[%run_scoped3A_40, %dma_wait3A_247, %dma_wait3A_248] : memref<2x64x128xf32, #tpu.memory_space<vmem>> -> memref<1x64x128xf32, #tpu.memory_space<vmem>>
      %dma_wait3A_250 = tpu.memref_squeeze %dma_wait3A_249 : memref<1x64x128xf32, #tpu.memory_space<vmem>> -> memref<64x128xf32, #tpu.memory_space<vmem>>
      tpu.wait_dma2 semaphore(%run_scoped3A_226 : memref<!tpu.dma_semaphore, #tpu.memory_space<semaphore_mem>>) src(%dma_wait3A_250 : memref<64x128xf32, #tpu.memory_space<vmem>>) dst(%dma_wait3A_246 : memref<64x128xf32, #tpu.memory_space<vmem_shared>>)
      tpu.yield
    }) : () -> ()
    %mul3A_41 = arith.constant 632 : i32
    %mul3A_42 = arith.muli %arg1, %mul3A_41 : i32
    %add3A_43 = arith.constant 448 : i32
    %add3A_44 = arith.addi %mul3A_42, %add3A_43 : i32
    %run_scoped3A_45 = arith.constant 0 : i32
    "tpu.region"() ({
      %run_scoped3A_226 = tpu.sem_alloc : memref<!tpu.dma_semaphore, #tpu.memory_space<semaphore_mem>>
      %dma_start3A_227 = arith.constant 0 : i32
      %dma_start3A_228 = arith.constant 0 : i32
      %dma_start3A_229 = tpu.memref_slice %arg9[%run_scoped3A_45, %dma_start3A_227, %dma_start3A_228] : memref<2x64x128xf32, #tpu.memory_space<vmem>> -> memref<1x64x128xf32, #tpu.memory_space<vmem>>
      %dma_start3A_230 = tpu.memref_squeeze %dma_start3A_229 : memref<1x64x128xf32, #tpu.memory_space<vmem>> -> memref<64x128xf32, #tpu.memory_space<vmem>>
      %dma_start3A_231 = arith.constant 0 : i32
      %dma_start3A_232 = tpu.memref_slice %arg20[%add3A_44, %dma_start3A_231] : memref<10112x128xf32, #tpu.memory_space<vmem_shared>> -> memref<64x128xf32, #tpu.memory_space<vmem_shared>>
      %dma_start3A_233 = arith.constant 0 : i32
      %dma_start3A_234 = tpu.memref_slice %arg20[%add3A_44, %dma_start3A_233] : memref<10112x128xf32, #tpu.memory_space<vmem_shared>> -> memref<64x128xf32, #tpu.memory_space<vmem_shared>>
      %dma_start3A_235 = arith.constant 0 : i32
      %dma_start3A_236 = arith.constant 0 : i32
      %dma_start3A_237 = tpu.memref_slice %arg9[%run_scoped3A_45, %dma_start3A_235, %dma_start3A_236] : memref<2x64x128xf32, #tpu.memory_space<vmem>> -> memref<1x64x128xf32, #tpu.memory_space<vmem>>
      %dma_start3A_238 = tpu.memref_squeeze %dma_start3A_237 : memref<1x64x128xf32, #tpu.memory_space<vmem>> -> memref<64x128xf32, #tpu.memory_space<vmem>>
      tpu.enqueue_dma source(%dma_start3A_238 : memref<64x128xf32, #tpu.memory_space<vmem>>) target(%dma_start3A_234 : memref<64x128xf32, #tpu.memory_space<vmem_shared>>) target_semaphore(%run_scoped3A_226 : memref<!tpu.dma_semaphore, #tpu.memory_space<semaphore_mem>>)
      %dma_wait3A_239 = arith.constant 0 : i32
      %dma_wait3A_240 = arith.constant 0 : i32
      %dma_wait3A_241 = tpu.memref_slice %arg9[%run_scoped3A_45, %dma_wait3A_239, %dma_wait3A_240] : memref<2x64x128xf32, #tpu.memory_space<vmem>> -> memref<1x64x128xf32, #tpu.memory_space<vmem>>
      %dma_wait3A_242 = tpu.memref_squeeze %dma_wait3A_241 : memref<1x64x128xf32, #tpu.memory_space<vmem>> -> memref<64x128xf32, #tpu.memory_space<vmem>>
      %dma_wait3A_243 = arith.constant 0 : i32
      %dma_wait3A_244 = tpu.memref_slice %arg20[%add3A_44, %dma_wait3A_243] : memref<10112x128xf32, #tpu.memory_space<vmem_shared>> -> memref<64x128xf32, #tpu.memory_space<vmem_shared>>
      %dma_wait3A_245 = arith.constant 0 : i32
      %dma_wait3A_246 = tpu.memref_slice %arg20[%add3A_44, %dma_wait3A_245] : memref<10112x128xf32, #tpu.memory_space<vmem_shared>> -> memref<64x128xf32, #tpu.memory_space<vmem_shared>>
      %dma_wait3A_247 = arith.constant 0 : i32
      %dma_wait3A_248 = arith.constant 0 : i32
      %dma_wait3A_249 = tpu.memref_slice %arg9[%run_scoped3A_45, %dma_wait3A_247, %dma_wait3A_248] : memref<2x64x128xf32, #tpu.memory_space<vmem>> -> memref<1x64x128xf32, #tpu.memory_space<vmem>>
      %dma_wait3A_250 = tpu.memref_squeeze %dma_wait3A_249 : memref<1x64x128xf32, #tpu.memory_space<vmem>> -> memref<64x128xf32, #tpu.memory_space<vmem>>
      tpu.wait_dma2 semaphore(%run_scoped3A_226 : memref<!tpu.dma_semaphore, #tpu.memory_space<semaphore_mem>>) src(%dma_wait3A_250 : memref<64x128xf32, #tpu.memory_space<vmem>>) dst(%dma_wait3A_246 : memref<64x128xf32, #tpu.memory_space<vmem_shared>>)
      tpu.yield
    }) : () -> ()
    %mul3A_46 = arith.constant 632 : i32
    %mul3A_47 = arith.muli %arg1, %mul3A_46 : i32
    %add3A_48 = arith.constant 512 : i32
    %add3A_49 = arith.addi %mul3A_47, %add3A_48 : i32
    %run_scoped3A_50 = arith.constant 0 : i32
    "tpu.region"() ({
      %run_scoped3A_226 = tpu.sem_alloc : memref<!tpu.dma_semaphore, #tpu.memory_space<semaphore_mem>>
      %dma_start3A_227 = arith.constant 0 : i32
      %dma_start3A_228 = arith.constant 0 : i32
      %dma_start3A_229 = tpu.memref_slice %arg9[%run_scoped3A_50, %dma_start3A_227, %dma_start3A_228] : memref<2x64x128xf32, #tpu.memory_space<vmem>> -> memref<1x64x128xf32, #tpu.memory_space<vmem>>
      %dma_start3A_230 = tpu.memref_squeeze %dma_start3A_229 : memref<1x64x128xf32, #tpu.memory_space<vmem>> -> memref<64x128xf32, #tpu.memory_space<vmem>>
      %dma_start3A_231 = arith.constant 0 : i32
      %dma_start3A_232 = tpu.memref_slice %arg20[%add3A_49, %dma_start3A_231] : memref<10112x128xf32, #tpu.memory_space<vmem_shared>> -> memref<64x128xf32, #tpu.memory_space<vmem_shared>>
      %dma_start3A_233 = arith.constant 0 : i32
      %dma_start3A_234 = tpu.memref_slice %arg20[%add3A_49, %dma_start3A_233] : memref<10112x128xf32, #tpu.memory_space<vmem_shared>> -> memref<64x128xf32, #tpu.memory_space<vmem_shared>>
      %dma_start3A_235 = arith.constant 0 : i32
      %dma_start3A_236 = arith.constant 0 : i32
      %dma_start3A_237 = tpu.memref_slice %arg9[%run_scoped3A_50, %dma_start3A_235, %dma_start3A_236] : memref<2x64x128xf32, #tpu.memory_space<vmem>> -> memref<1x64x128xf32, #tpu.memory_space<vmem>>
      %dma_start3A_238 = tpu.memref_squeeze %dma_start3A_237 : memref<1x64x128xf32, #tpu.memory_space<vmem>> -> memref<64x128xf32, #tpu.memory_space<vmem>>
      tpu.enqueue_dma source(%dma_start3A_238 : memref<64x128xf32, #tpu.memory_space<vmem>>) target(%dma_start3A_234 : memref<64x128xf32, #tpu.memory_space<vmem_shared>>) target_semaphore(%run_scoped3A_226 : memref<!tpu.dma_semaphore, #tpu.memory_space<semaphore_mem>>)
      %dma_wait3A_239 = arith.constant 0 : i32
      %dma_wait3A_240 = arith.constant 0 : i32
      %dma_wait3A_241 = tpu.memref_slice %arg9[%run_scoped3A_50, %dma_wait3A_239, %dma_wait3A_240] : memref<2x64x128xf32, #tpu.memory_space<vmem>> -> memref<1x64x128xf32, #tpu.memory_space<vmem>>
      %dma_wait3A_242 = tpu.memref_squeeze %dma_wait3A_241 : memref<1x64x128xf32, #tpu.memory_space<vmem>> -> memref<64x128xf32, #tpu.memory_space<vmem>>
      %dma_wait3A_243 = arith.constant 0 : i32
      %dma_wait3A_244 = tpu.memref_slice %arg20[%add3A_49, %dma_wait3A_243] : memref<10112x128xf32, #tpu.memory_space<vmem_shared>> -> memref<64x128xf32, #tpu.memory_space<vmem_shared>>
      %dma_wait3A_245 = arith.constant 0 : i32
      %dma_wait3A_246 = tpu.memref_slice %arg20[%add3A_49, %dma_wait3A_245] : memref<10112x128xf32, #tpu.memory_space<vmem_shared>> -> memref<64x128xf32, #tpu.memory_space<vmem_shared>>
      %dma_wait3A_247 = arith.constant 0 : i32
      %dma_wait3A_248 = arith.constant 0 : i32
      %dma_wait3A_249 = tpu.memref_slice %arg9[%run_scoped3A_50, %dma_wait3A_247, %dma_wait3A_248] : memref<2x64x128xf32, #tpu.memory_space<vmem>> -> memref<1x64x128xf32, #tpu.memory_space<vmem>>
      %dma_wait3A_250 = tpu.memref_squeeze %dma_wait3A_249 : memref<1x64x128xf32, #tpu.memory_space<vmem>> -> memref<64x128xf32, #tpu.memory_space<vmem>>
      tpu.wait_dma2 semaphore(%run_scoped3A_226 : memref<!tpu.dma_semaphore, #tpu.memory_space<semaphore_mem>>) src(%dma_wait3A_250 : memref<64x128xf32, #tpu.memory_space<vmem>>) dst(%dma_wait3A_246 : memref<64x128xf32, #tpu.memory_space<vmem_shared>>)
      tpu.yield
    }) : () -> ()
    %mul3A_51 = arith.constant 632 : i32
    %mul3A_52 = arith.muli %arg1, %mul3A_51 : i32
    %add3A_53 = arith.constant 576 : i32
    %add3A_54 = arith.addi %mul3A_52, %add3A_53 : i32
    %run_scoped3A_55 = arith.constant 0 : i32
    "tpu.region"() ({
      %run_scoped3A_226 = tpu.sem_alloc : memref<!tpu.dma_semaphore, #tpu.memory_space<semaphore_mem>>
      %dma_start3A_227 = arith.constant 0 : i32
      %dma_start3A_228 = arith.constant 0 : i32
      %dma_start3A_229 = tpu.memref_slice %arg9[%run_scoped3A_55, %dma_start3A_227, %dma_start3A_228] : memref<2x64x128xf32, #tpu.memory_space<vmem>> -> memref<1x56x128xf32, #tpu.memory_space<vmem>>
      %dma_start3A_230 = tpu.memref_squeeze %dma_start3A_229 : memref<1x56x128xf32, #tpu.memory_space<vmem>> -> memref<56x128xf32, #tpu.memory_space<vmem>>
      %dma_start3A_231 = arith.constant 0 : i32
      %dma_start3A_232 = tpu.memref_slice %arg20[%add3A_54, %dma_start3A_231] : memref<10112x128xf32, #tpu.memory_space<vmem_shared>> -> memref<56x128xf32, #tpu.memory_space<vmem_shared>>
      %dma_start3A_233 = arith.constant 0 : i32
      %dma_start3A_234 = tpu.memref_slice %arg20[%add3A_54, %dma_start3A_233] : memref<10112x128xf32, #tpu.memory_space<vmem_shared>> -> memref<56x128xf32, #tpu.memory_space<vmem_shared>>
      %dma_start3A_235 = arith.constant 0 : i32
      %dma_start3A_236 = arith.constant 0 : i32
      %dma_start3A_237 = tpu.memref_slice %arg9[%run_scoped3A_55, %dma_start3A_235, %dma_start3A_236] : memref<2x64x128xf32, #tpu.memory_space<vmem>> -> memref<1x56x128xf32, #tpu.memory_space<vmem>>
      %dma_start3A_238 = tpu.memref_squeeze %dma_start3A_237 : memref<1x56x128xf32, #tpu.memory_space<vmem>> -> memref<56x128xf32, #tpu.memory_space<vmem>>
      tpu.enqueue_dma source(%dma_start3A_238 : memref<56x128xf32, #tpu.memory_space<vmem>>) target(%dma_start3A_234 : memref<56x128xf32, #tpu.memory_space<vmem_shared>>) target_semaphore(%run_scoped3A_226 : memref<!tpu.dma_semaphore, #tpu.memory_space<semaphore_mem>>)
      %dma_wait3A_239 = arith.constant 0 : i32
      %dma_wait3A_240 = arith.constant 0 : i32
      %dma_wait3A_241 = tpu.memref_slice %arg9[%run_scoped3A_55, %dma_wait3A_239, %dma_wait3A_240] : memref<2x64x128xf32, #tpu.memory_space<vmem>> -> memref<1x56x128xf32, #tpu.memory_space<vmem>>
      %dma_wait3A_242 = tpu.memref_squeeze %dma_wait3A_241 : memref<1x56x128xf32, #tpu.memory_space<vmem>> -> memref<56x128xf32, #tpu.memory_space<vmem>>
      %dma_wait3A_243 = arith.constant 0 : i32
      %dma_wait3A_244 = tpu.memref_slice %arg20[%add3A_54, %dma_wait3A_243] : memref<10112x128xf32, #tpu.memory_space<vmem_shared>> -> memref<56x128xf32, #tpu.memory_space<vmem_shared>>
      %dma_wait3A_245 = arith.constant 0 : i32
      %dma_wait3A_246 = tpu.memref_slice %arg20[%add3A_54, %dma_wait3A_245] : memref<10112x128xf32, #tpu.memory_space<vmem_shared>> -> memref<56x128xf32, #tpu.memory_space<vmem_shared>>
      %dma_wait3A_247 = arith.constant 0 : i32
      %dma_wait3A_248 = arith.constant 0 : i32
      %dma_wait3A_249 = tpu.memref_slice %arg9[%run_scoped3A_55, %dma_wait3A_247, %dma_wait3A_248] : memref<2x64x128xf32, #tpu.memory_space<vmem>> -> memref<1x56x128xf32, #tpu.memory_space<vmem>>
      %dma_wait3A_250 = tpu.memref_squeeze %dma_wait3A_249 : memref<1x56x128xf32, #tpu.memory_space<vmem>> -> memref<56x128xf32, #tpu.memory_space<vmem>>
      tpu.wait_dma2 semaphore(%run_scoped3A_226 : memref<!tpu.dma_semaphore, #tpu.memory_space<semaphore_mem>>) src(%dma_wait3A_250 : memref<56x128xf32, #tpu.memory_space<vmem>>) dst(%dma_wait3A_246 : memref<56x128xf32, #tpu.memory_space<vmem_shared>>)
      tpu.yield
    }) : () -> ()
    %barrier3A = arith.constant 0 : index
    tpu.barrier barrier_id(%barrier3A)
    %mul3A_56 = arith.constant 160 : i32
    %mul3A_57 = arith.muli %add3A, %mul3A_56 : i32
    %add3A_58 = arith.constant 0 : i32
    %add3A_59 = arith.addi %mul3A_57, %add3A_58 : i32
    %dma_start3A = arith.constant 0 : i32
    %dma_start3A_60 = arith.constant 0 : i32
    %dma_start3A_61 = arith.constant 0 : i32
    %dma_start3A_62 = tpu.memref_slice %arg7[%dma_start3A, %dma_start3A_60, %dma_start3A_61] : memref<2x1x128xi32, #tpu.memory_space<vmem>> -> memref<1x1x128xi32, #tpu.memory_space<vmem>>
    %dma_start3A_63 = tpu.memref_squeeze %dma_start3A_62 : memref<1x1x128xi32, #tpu.memory_space<vmem>> -> memref<128xi32, #tpu.memory_space<vmem>>
    %dma_start3A_64 = arith.constant 0 : i32
    %dma_start3A_65 = tpu.memref_slice %arg4[%add3A_59, %dma_start3A_64] : memref<5120x128xi32, #tpu.memory_space<hbm>> -> memref<1x128xi32, #tpu.memory_space<hbm>>
    %dma_start3A_66 = tpu.memref_squeeze %dma_start3A_65 : memref<1x128xi32, #tpu.memory_space<hbm>> -> memref<128xi32, #tpu.memory_space<hbm>>
    %dma_start3A_67 = arith.constant 0 : i32
    %dma_start3A_68 = tpu.memref_slice %arg7[%dma_start3A, %dma_start3A_60, %dma_start3A_67] : memref<2x1x128xi32, #tpu.memory_space<vmem>> -> memref<1x1x128xi32, #tpu.memory_space<vmem>>
    %dma_start3A_69 = tpu.memref_squeeze %dma_start3A_68 : memref<1x1x128xi32, #tpu.memory_space<vmem>> -> memref<128xi32, #tpu.memory_space<vmem>>
    %dma_start3A_70 = arith.constant 0 : i32
    %dma_start3A_71 = tpu.memref_slice %arg4[%add3A_59, %dma_start3A_70] : memref<5120x128xi32, #tpu.memory_space<hbm>> -> memref<1x128xi32, #tpu.memory_space<hbm>>
    %dma_start3A_72 = tpu.memref_squeeze %dma_start3A_71 : memref<1x128xi32, #tpu.memory_space<hbm>> -> memref<128xi32, #tpu.memory_space<hbm>>
    tpu.enqueue_dma source(%dma_start3A_72 : memref<128xi32, #tpu.memory_space<hbm>>) target(%dma_start3A_69 : memref<128xi32, #tpu.memory_space<vmem>>) target_semaphore(%arg18 : memref<!tpu.dma_semaphore, #tpu.memory_space<semaphore_mem>>)
    %mul3A_73 = arith.constant 160 : i32
    %mul3A_74 = arith.muli %add3A, %mul3A_73 : i32
    %add3A_75 = arith.constant 0 : i32
    %add3A_76 = arith.addi %mul3A_74, %add3A_75 : i32
    %dma_wait3A = arith.constant 0 : i32
    %dma_wait3A_77 = arith.constant 0 : i32
    %dma_wait3A_78 = arith.constant 0 : i32
    %dma_wait3A_79 = tpu.memref_slice %arg7[%dma_wait3A, %dma_wait3A_77, %dma_wait3A_78] : memref<2x1x128xi32, #tpu.memory_space<vmem>> -> memref<1x1x128xi32, #tpu.memory_space<vmem>>
    %dma_wait3A_80 = tpu.memref_squeeze %dma_wait3A_79 : memref<1x1x128xi32, #tpu.memory_space<vmem>> -> memref<128xi32, #tpu.memory_space<vmem>>
    %dma_wait3A_81 = arith.constant 0 : i32
    %dma_wait3A_82 = tpu.memref_slice %arg4[%add3A_76, %dma_wait3A_81] : memref<5120x128xi32, #tpu.memory_space<hbm>> -> memref<1x128xi32, #tpu.memory_space<hbm>>
    %dma_wait3A_83 = tpu.memref_squeeze %dma_wait3A_82 : memref<1x128xi32, #tpu.memory_space<hbm>> -> memref<128xi32, #tpu.memory_space<hbm>>
    %dma_wait3A_84 = arith.constant 0 : i32
    %dma_wait3A_85 = tpu.memref_slice %arg7[%dma_wait3A, %dma_wait3A_77, %dma_wait3A_84] : memref<2x1x128xi32, #tpu.memory_space<vmem>> -> memref<1x1x128xi32, #tpu.memory_space<vmem>>
    %dma_wait3A_86 = tpu.memref_squeeze %dma_wait3A_85 : memref<1x1x128xi32, #tpu.memory_space<vmem>> -> memref<128xi32, #tpu.memory_space<vmem>>
    %dma_wait3A_87 = arith.constant 0 : i32
    %dma_wait3A_88 = tpu.memref_slice %arg4[%add3A_76, %dma_wait3A_87] : memref<5120x128xi32, #tpu.memory_space<hbm>> -> memref<1x128xi32, #tpu.memory_space<hbm>>
    %dma_wait3A_89 = tpu.memref_squeeze %dma_wait3A_88 : memref<1x128xi32, #tpu.memory_space<hbm>> -> memref<128xi32, #tpu.memory_space<hbm>>
    tpu.wait_dma2 semaphore(%arg18 : memref<!tpu.dma_semaphore, #tpu.memory_space<semaphore_mem>>) src(%dma_wait3A_89 : memref<128xi32, #tpu.memory_space<hbm>>) dst(%dma_wait3A_86 : memref<128xi32, #tpu.memory_space<vmem>>)
    %dma_start3A_90 = arith.constant 0 : i32
    %dma_start3A_91 = arith.constant 0 : i32
    %dma_start3A_92 = arith.constant 0 : i32
    %dma_start3A_93 = arith.constant 0 : i32
    %dma_start3A_94 = arith.constant 0 : i32
    %dma_start3A_95 = tpu.memref_slice %arg9[%dma_start3A_92, %dma_start3A_93, %dma_start3A_94] : memref<2x64x128xf32, #tpu.memory_space<vmem>> -> memref<1x64x128xf32, #tpu.memory_space<vmem>>
    %dma_start3A_96 = tpu.memref_squeeze %dma_start3A_95 : memref<1x64x128xf32, #tpu.memory_space<vmem>> -> memref<64x128xf32, #tpu.memory_space<vmem>>
    %dma_start3A_97 = arith.constant 0 : i32
    %dma_start3A_98 = tpu.memref_slice %arg7[%dma_start3A_90, %dma_start3A_91, %dma_start3A_97] : memref<2x1x128xi32, #tpu.memory_space<vmem>> -> memref<1x1x64xi32, #tpu.memory_space<vmem>>
    %dma_start3A_99 = tpu.memref_squeeze %dma_start3A_98 : memref<1x1x64xi32, #tpu.memory_space<vmem>> -> memref<64xi32, #tpu.memory_space<vmem>>
    %dma_start3A_100 = arith.constant 0 : i32
    %dma_start3A_101 = arith.constant 0 : i32
    %dma_start3A_102 = tpu.memref_slice %arg2[%dma_start3A_100, %dma_start3A_101] : memref<10000x128xf32, #tpu.memory_space<hbm>> -> memref<10000x128xf32, #tpu.memory_space<hbm>>
    tpu.enqueue_indirect_dma source(%dma_start3A_102 : memref<10000x128xf32, #tpu.memory_space<hbm>>) target(%dma_start3A_96 : memref<64x128xf32, #tpu.memory_space<vmem>>) offsets(%dma_start3A_99 : memref<64xi32, #tpu.memory_space<vmem>>) semaphore(%arg12 : memref<!tpu.dma_semaphore, #tpu.memory_space<semaphore_mem>>)
    %mul3A_103 = arith.constant 10240 : i32
    %mul3A_104 = arith.muli %add3A, %mul3A_103 : i32
    %add3A_105 = arith.constant 0 : i32
    %add3A_106 = arith.addi %mul3A_104, %add3A_105 : i32
    %dma_start3A_107 = arith.constant 0 : i32
    %dma_start3A_108 = arith.constant 0 : i32
    %dma_start3A_109 = arith.constant 0 : i32
    %dma_start3A_110 = tpu.memref_slice %arg10[%dma_start3A_107, %dma_start3A_108, %dma_start3A_109] : memref<2x64x128xf32, #tpu.memory_space<vmem>> -> memref<1x64x128xf32, #tpu.memory_space<vmem>>
    %dma_start3A_111 = tpu.memref_squeeze %dma_start3A_110 : memref<1x64x128xf32, #tpu.memory_space<vmem>> -> memref<64x128xf32, #tpu.memory_space<vmem>>
    %dma_start3A_112 = arith.constant 0 : i32
    %dma_start3A_113 = tpu.memref_slice %arg3[%add3A_106, %dma_start3A_112] : memref<328000x128xf32, #tpu.memory_space<hbm>> -> memref<64x128xf32, #tpu.memory_space<hbm>>
    %dma_start3A_114 = arith.constant 0 : i32
    %dma_start3A_115 = arith.constant 0 : i32
    %dma_start3A_116 = tpu.memref_slice %arg10[%dma_start3A_107, %dma_start3A_114, %dma_start3A_115] : memref<2x64x128xf32, #tpu.memory_space<vmem>> -> memref<1x64x128xf32, #tpu.memory_space<vmem>>
    %dma_start3A_117 = tpu.memref_squeeze %dma_start3A_116 : memref<1x64x128xf32, #tpu.memory_space<vmem>> -> memref<64x128xf32, #tpu.memory_space<vmem>>
    %dma_start3A_118 = arith.constant 0 : i32
    %dma_start3A_119 = tpu.memref_slice %arg3[%add3A_106, %dma_start3A_118] : memref<328000x128xf32, #tpu.memory_space<hbm>> -> memref<64x128xf32, #tpu.memory_space<hbm>>
    tpu.enqueue_dma source(%dma_start3A_119 : memref<64x128xf32, #tpu.memory_space<hbm>>) target(%dma_start3A_117 : memref<64x128xf32, #tpu.memory_space<vmem>>) target_semaphore(%arg14 : memref<!tpu.dma_semaphore, #tpu.memory_space<semaphore_mem>>)
    %mul3A_120 = arith.constant 160 : i32
    %mul3A_121 = arith.muli %add3A, %mul3A_120 : i32
    %add3A_122 = arith.constant 1 : i32
    %add3A_123 = arith.addi %mul3A_121, %add3A_122 : i32
    %dma_start3A_124 = arith.constant 1 : i32
    %dma_start3A_125 = arith.constant 0 : i32
    %dma_start3A_126 = arith.constant 0 : i32
    %dma_start3A_127 = tpu.memref_slice %arg7[%dma_start3A_124, %dma_start3A_125, %dma_start3A_126] : memref<2x1x128xi32, #tpu.memory_space<vmem>> -> memref<1x1x128xi32, #tpu.memory_space<vmem>>
    %dma_start3A_128 = tpu.memref_squeeze %dma_start3A_127 : memref<1x1x128xi32, #tpu.memory_space<vmem>> -> memref<128xi32, #tpu.memory_space<vmem>>
    %dma_start3A_129 = arith.constant 0 : i32
    %dma_start3A_130 = tpu.memref_slice %arg4[%add3A_123, %dma_start3A_129] : memref<5120x128xi32, #tpu.memory_space<hbm>> -> memref<1x128xi32, #tpu.memory_space<hbm>>
    %dma_start3A_131 = tpu.memref_squeeze %dma_start3A_130 : memref<1x128xi32, #tpu.memory_space<hbm>> -> memref<128xi32, #tpu.memory_space<hbm>>
    %dma_start3A_132 = arith.constant 0 : i32
    %dma_start3A_133 = tpu.memref_slice %arg7[%dma_start3A_124, %dma_start3A_125, %dma_start3A_132] : memref<2x1x128xi32, #tpu.memory_space<vmem>> -> memref<1x1x128xi32, #tpu.memory_space<vmem>>
    %dma_start3A_134 = tpu.memref_squeeze %dma_start3A_133 : memref<1x1x128xi32, #tpu.memory_space<vmem>> -> memref<128xi32, #tpu.memory_space<vmem>>
    %dma_start3A_135 = arith.constant 0 : i32
    %dma_start3A_136 = tpu.memref_slice %arg4[%add3A_123, %dma_start3A_135] : memref<5120x128xi32, #tpu.memory_space<hbm>> -> memref<1x128xi32, #tpu.memory_space<hbm>>
    %dma_start3A_137 = tpu.memref_squeeze %dma_start3A_136 : memref<1x128xi32, #tpu.memory_space<hbm>> -> memref<128xi32, #tpu.memory_space<hbm>>
    tpu.enqueue_dma source(%dma_start3A_137 : memref<128xi32, #tpu.memory_space<hbm>>) target(%dma_start3A_134 : memref<128xi32, #tpu.memory_space<vmem>>) target_semaphore(%arg19 : memref<!tpu.dma_semaphore, #tpu.memory_space<semaphore_mem>>)
    %mul3A_138 = arith.constant 160 : i32
    %mul3A_139 = arith.muli %add3A, %mul3A_138 : i32
    %add3A_140 = arith.constant 1 : i32
    %add3A_141 = arith.addi %mul3A_139, %add3A_140 : i32
    %dma_wait3A_142 = arith.constant 1 : i32
    %dma_wait3A_143 = arith.constant 0 : i32
    %dma_wait3A_144 = arith.constant 0 : i32
    %dma_wait3A_145 = tpu.memref_slice %arg7[%dma_wait3A_142, %dma_wait3A_143, %dma_wait3A_144] : memref<2x1x128xi32, #tpu.memory_space<vmem>> -> memref<1x1x128xi32, #tpu.memory_space<vmem>>
    %dma_wait3A_146 = tpu.memref_squeeze %dma_wait3A_145 : memref<1x1x128xi32, #tpu.memory_space<vmem>> -> memref<128xi32, #tpu.memory_space<vmem>>
    %dma_wait3A_147 = arith.constant 0 : i32
    %dma_wait3A_148 = tpu.memref_slice %arg4[%add3A_141, %dma_wait3A_147] : memref<5120x128xi32, #tpu.memory_space<hbm>> -> memref<1x128xi32, #tpu.memory_space<hbm>>
    %dma_wait3A_149 = tpu.memref_squeeze %dma_wait3A_148 : memref<1x128xi32, #tpu.memory_space<hbm>> -> memref<128xi32, #tpu.memory_space<hbm>>
    %dma_wait3A_150 = arith.constant 0 : i32
    %dma_wait3A_151 = tpu.memref_slice %arg7[%dma_wait3A_142, %dma_wait3A_143, %dma_wait3A_150] : memref<2x1x128xi32, #tpu.memory_space<vmem>> -> memref<1x1x128xi32, #tpu.memory_space<vmem>>
    %dma_wait3A_152 = tpu.memref_squeeze %dma_wait3A_151 : memref<1x1x128xi32, #tpu.memory_space<vmem>> -> memref<128xi32, #tpu.memory_space<vmem>>
    %dma_wait3A_153 = arith.constant 0 : i32
    %dma_wait3A_154 = tpu.memref_slice %arg4[%add3A_141, %dma_wait3A_153] : memref<5120x128xi32, #tpu.memory_space<hbm>> -> memref<1x128xi32, #tpu.memory_space<hbm>>
    %dma_wait3A_155 = tpu.memref_squeeze %dma_wait3A_154 : memref<1x128xi32, #tpu.memory_space<hbm>> -> memref<128xi32, #tpu.memory_space<hbm>>
    tpu.wait_dma2 semaphore(%arg19 : memref<!tpu.dma_semaphore, #tpu.memory_space<semaphore_mem>>) src(%dma_wait3A_155 : memref<128xi32, #tpu.memory_space<hbm>>) dst(%dma_wait3A_152 : memref<128xi32, #tpu.memory_space<vmem>>)
    %dma_start3A_156 = arith.constant 1 : i32
    %dma_start3A_157 = arith.constant 0 : i32
    %dma_start3A_158 = arith.constant 1 : i32
    %dma_start3A_159 = arith.constant 0 : i32
    %dma_start3A_160 = arith.constant 0 : i32
    %dma_start3A_161 = tpu.memref_slice %arg9[%dma_start3A_158, %dma_start3A_159, %dma_start3A_160] : memref<2x64x128xf32, #tpu.memory_space<vmem>> -> memref<1x64x128xf32, #tpu.memory_space<vmem>>
    %dma_start3A_162 = tpu.memref_squeeze %dma_start3A_161 : memref<1x64x128xf32, #tpu.memory_space<vmem>> -> memref<64x128xf32, #tpu.memory_space<vmem>>
    %dma_start3A_163 = arith.constant 0 : i32
    %dma_start3A_164 = tpu.memref_slice %arg7[%dma_start3A_156, %dma_start3A_157, %dma_start3A_163] : memref<2x1x128xi32, #tpu.memory_space<vmem>> -> memref<1x1x64xi32, #tpu.memory_space<vmem>>
    %dma_start3A_165 = tpu.memref_squeeze %dma_start3A_164 : memref<1x1x64xi32, #tpu.memory_space<vmem>> -> memref<64xi32, #tpu.memory_space<vmem>>
    %dma_start3A_166 = arith.constant 0 : i32
    %dma_start3A_167 = arith.constant 0 : i32
    %dma_start3A_168 = tpu.memref_slice %arg2[%dma_start3A_166, %dma_start3A_167] : memref<10000x128xf32, #tpu.memory_space<hbm>> -> memref<10000x128xf32, #tpu.memory_space<hbm>>
    tpu.enqueue_indirect_dma source(%dma_start3A_168 : memref<10000x128xf32, #tpu.memory_space<hbm>>) target(%dma_start3A_162 : memref<64x128xf32, #tpu.memory_space<vmem>>) offsets(%dma_start3A_165 : memref<64xi32, #tpu.memory_space<vmem>>) semaphore(%arg13 : memref<!tpu.dma_semaphore, #tpu.memory_space<semaphore_mem>>)
    %mul3A_169 = arith.constant 10240 : i32
    %mul3A_170 = arith.muli %add3A, %mul3A_169 : i32
    %add3A_171 = arith.constant 64 : i32
    %add3A_172 = arith.addi %mul3A_170, %add3A_171 : i32
    %dma_start3A_173 = arith.constant 1 : i32
    %dma_start3A_174 = arith.constant 0 : i32
    %dma_start3A_175 = arith.constant 0 : i32
    %dma_start3A_176 = tpu.memref_slice %arg10[%dma_start3A_173, %dma_start3A_174, %dma_start3A_175] : memref<2x64x128xf32, #tpu.memory_space<vmem>> -> memref<1x64x128xf32, #tpu.memory_space<vmem>>
    %dma_start3A_177 = tpu.memref_squeeze %dma_start3A_176 : memref<1x64x128xf32, #tpu.memory_space<vmem>> -> memref<64x128xf32, #tpu.memory_space<vmem>>
    %dma_start3A_178 = arith.constant 0 : i32
    %dma_start3A_179 = tpu.memref_slice %arg3[%add3A_172, %dma_start3A_178] : memref<328000x128xf32, #tpu.memory_space<hbm>> -> memref<64x128xf32, #tpu.memory_space<hbm>>
    %dma_start3A_180 = arith.constant 0 : i32
    %dma_start3A_181 = arith.constant 0 : i32
    %dma_start3A_182 = tpu.memref_slice %arg10[%dma_start3A_173, %dma_start3A_180, %dma_start3A_181] : memref<2x64x128xf32, #tpu.memory_space<vmem>> -> memref<1x64x128xf32, #tpu.memory_space<vmem>>
    %dma_start3A_183 = tpu.memref_squeeze %dma_start3A_182 : memref<1x64x128xf32, #tpu.memory_space<vmem>> -> memref<64x128xf32, #tpu.memory_space<vmem>>
    %dma_start3A_184 = arith.constant 0 : i32
    %dma_start3A_185 = tpu.memref_slice %arg3[%add3A_172, %dma_start3A_184] : memref<328000x128xf32, #tpu.memory_space<hbm>> -> memref<64x128xf32, #tpu.memory_space<hbm>>
    tpu.enqueue_dma source(%dma_start3A_185 : memref<64x128xf32, #tpu.memory_space<hbm>>) target(%dma_start3A_183 : memref<64x128xf32, #tpu.memory_space<vmem>>) target_semaphore(%arg15 : memref<!tpu.dma_semaphore, #tpu.memory_space<semaphore_mem>>)
    %scan3A_186 = arith.constant 0 : i32
    %scan3A_187 = arith.constant 0 : i32
    %scan3A_188 = arith.constant 80 : i32
    %scan3A_189 = arith.addi %scan3A_187, %scan3A_188 : i32
    %scan3A_190 = arith.constant 1 : i32
    scf.for %scan3A_226 = %scan3A_187 to %scan3A_189 step %scan3A_190  : i32 {
      %mul3A_227 = arith.constant 2 : i32
      %mul3A_228 = arith.muli %mul3A_227, %scan3A_226 : i32
      %add3A_229 = arith.constant 0 : i32
      %add3A_230 = arith.addi %mul3A_228, %add3A_229 : i32
      %dma_wait3A_231 = arith.constant 0 : i32
      %dma_wait3A_232 = arith.constant 0 : i32
      %dma_wait3A_233 = arith.constant 0 : i32
      %dma_wait3A_234 = arith.constant 0 : i32
      %dma_wait3A_235 = arith.constant 0 : i32
      %dma_wait3A_236 = tpu.memref_slice %arg9[%dma_wait3A_233, %dma_wait3A_234, %dma_wait3A_235] : memref<2x64x128xf32, #tpu.memory_space<vmem>> -> memref<1x64x128xf32, #tpu.memory_space<vmem>>
      %dma_wait3A_237 = tpu.memref_squeeze %dma_wait3A_236 : memref<1x64x128xf32, #tpu.memory_space<vmem>> -> memref<64x128xf32, #tpu.memory_space<vmem>>
      %dma_wait3A_238 = arith.constant 0 : i32
      %dma_wait3A_239 = tpu.memref_slice %arg7[%dma_wait3A_231, %dma_wait3A_232, %dma_wait3A_238] : memref<2x1x128xi32, #tpu.memory_space<vmem>> -> memref<1x1x64xi32, #tpu.memory_space<vmem>>
      %dma_wait3A_240 = tpu.memref_squeeze %dma_wait3A_239 : memref<1x1x64xi32, #tpu.memory_space<vmem>> -> memref<64xi32, #tpu.memory_space<vmem>>
      %dma_wait3A_241 = arith.constant 0 : i32
      %dma_wait3A_242 = arith.constant 0 : i32
      %dma_wait3A_243 = tpu.memref_slice %arg2[%dma_wait3A_241, %dma_wait3A_242] : memref<10000x128xf32, #tpu.memory_space<hbm>> -> memref<10000x128xf32, #tpu.memory_space<hbm>>
      tpu.wait_indirect_dma semaphore(%arg12 : memref<!tpu.dma_semaphore, #tpu.memory_space<semaphore_mem>>) src(%dma_wait3A_243 : memref<10000x128xf32, #tpu.memory_space<hbm>>) dst(%dma_wait3A_237 : memref<64x128xf32, #tpu.memory_space<vmem>>)
      %mul3A_244 = arith.constant 10240 : i32
      %mul3A_245 = arith.muli %add3A, %mul3A_244 : i32
      %mul3A_246 = arith.constant 64 : i32
      %mul3A_247 = arith.muli %add3A_230, %mul3A_246 : i32
      %add3A_248 = arith.addi %mul3A_245, %mul3A_247 : i32
      %dma_wait3A_249 = arith.constant 0 : i32
      %dma_wait3A_250 = arith.constant 0 : i32
      %dma_wait3A_251 = arith.constant 0 : i32
      %dma_wait3A_252 = tpu.memref_slice %arg10[%dma_wait3A_249, %dma_wait3A_250, %dma_wait3A_251] : memref<2x64x128xf32, #tpu.memory_space<vmem>> -> memref<1x64x128xf32, #tpu.memory_space<vmem>>
      %dma_wait3A_253 = tpu.memref_squeeze %dma_wait3A_252 : memref<1x64x128xf32, #tpu.memory_space<vmem>> -> memref<64x128xf32, #tpu.memory_space<vmem>>
      %dma_wait3A_254 = arith.constant 0 : i32
      %dma_wait3A_255 = tpu.memref_slice %arg3[%add3A_248, %dma_wait3A_254] : memref<328000x128xf32, #tpu.memory_space<hbm>> -> memref<64x128xf32, #tpu.memory_space<hbm>>
      %dma_wait3A_256 = arith.constant 0 : i32
      %dma_wait3A_257 = arith.constant 0 : i32
      %dma_wait3A_258 = tpu.memref_slice %arg10[%dma_wait3A_249, %dma_wait3A_256, %dma_wait3A_257] : memref<2x64x128xf32, #tpu.memory_space<vmem>> -> memref<1x64x128xf32, #tpu.memory_space<vmem>>
      %dma_wait3A_259 = tpu.memref_squeeze %dma_wait3A_258 : memref<1x64x128xf32, #tpu.memory_space<vmem>> -> memref<64x128xf32, #tpu.memory_space<vmem>>
      %dma_wait3A_260 = arith.constant 0 : i32
      %dma_wait3A_261 = tpu.memref_slice %arg3[%add3A_248, %dma_wait3A_260] : memref<328000x128xf32, #tpu.memory_space<hbm>> -> memref<64x128xf32, #tpu.memory_space<hbm>>
      tpu.wait_dma2 semaphore(%arg14 : memref<!tpu.dma_semaphore, #tpu.memory_space<semaphore_mem>>) src(%dma_wait3A_261 : memref<64x128xf32, #tpu.memory_space<hbm>>) dst(%dma_wait3A_259 : memref<64x128xf32, #tpu.memory_space<vmem>>)
      %ge3A = arith.constant 1 : i32
      %ge3A_262 = arith.cmpi sge, %scan3A_226, %ge3A : i32
      %convert_element_type3A_263 = arith.extui %ge3A_262 : i1 to i32
      %cond3A_264 = arith.constant 0 : i32
      %cond3A_265 = arith.cmpi ne, %convert_element_type3A_263, %cond3A_264 : i32
      scf.if %cond3A_265 {
        %sub3A = arith.constant 2 : i32
        %sub3A_474 = arith.subi %add3A_230, %sub3A : i32
        %dma_wait3A_475 = arith.constant 0 : i32
        %dma_wait3A_476 = arith.constant 0 : i32
        %dma_wait3A_477 = arith.constant 0 : i32
        %dma_wait3A_478 = arith.constant 0 : i32
        %dma_wait3A_479 = arith.constant 0 : i32
        %dma_wait3A_480 = tpu.memref_slice %arg11[%dma_wait3A_475, %dma_wait3A_478, %dma_wait3A_479] : memref<2x64x128xf32, #tpu.memory_space<vmem>> -> memref<1x64x128xf32, #tpu.memory_space<vmem>>
        %dma_wait3A_481 = tpu.memref_squeeze %dma_wait3A_480 : memref<1x64x128xf32, #tpu.memory_space<vmem>> -> memref<64x128xf32, #tpu.memory_space<vmem>>
        %dma_wait3A_482 = arith.constant 0 : i32
        %dma_wait3A_483 = tpu.memref_slice %arg8[%dma_wait3A_476, %dma_wait3A_477, %dma_wait3A_482] : memref<2x1x64xi32, #tpu.memory_space<vmem>> -> memref<1x1x64xi32, #tpu.memory_space<vmem>>
        %dma_wait3A_484 = tpu.memref_squeeze %dma_wait3A_483 : memref<1x1x64xi32, #tpu.memory_space<vmem>> -> memref<64xi32, #tpu.memory_space<vmem>>
        %dma_wait3A_485 = arith.constant 0 : i32
        %dma_wait3A_486 = arith.constant 0 : i32
        %dma_wait3A_487 = tpu.memref_slice %arg20[%dma_wait3A_485, %dma_wait3A_486] : memref<10112x128xf32, #tpu.memory_space<vmem_shared>> -> memref<10112x128xf32, #tpu.memory_space<vmem_shared>>
        tpu.wait_indirect_dma semaphore(%arg16 : memref<!tpu.dma_semaphore, #tpu.memory_space<semaphore_mem>>) src(%dma_wait3A_481 : memref<64x128xf32, #tpu.memory_space<vmem>>) dst(%dma_wait3A_487 : memref<10112x128xf32, #tpu.memory_space<vmem_shared>>)
      } else {
      }
      %get3A = arith.constant 0 : i32
      %get3A_266 = arith.constant 0 : i32
      %get3A_267 = arith.index_cast %get3A : i32 to index
      %get3A_268 = arith.index_cast %get3A_266 : i32 to index
      %get3A_269 = arith.constant 64 : index
      %get3A_270 = tpu.vector_load %arg7[%get3A_267, %get3A_268, %get3A_269] {strides = array<i32>} : memref<2x1x128xi32, #tpu.memory_space<vmem>>, vector<1x1x16xi32>,
      %get3A_271 = vector.shape_cast %get3A_270 : vector<1x1x16xi32> to vector<16xi32>
      %swap3A = arith.constant 0 : i32
      %swap3A_272 = arith.constant 0 : i32
      %swap3A_273 = arith.index_cast %swap3A : i32 to index
      %swap3A_274 = arith.index_cast %swap3A_272 : i32 to index
      %swap3A_275 = arith.constant 0 : index
      %swap3A_276 = tpu.vector_load %arg8[%swap3A_273, %swap3A_274, %swap3A_275] {strides = array<i32>} : memref<2x1x64xi32, #tpu.memory_space<vmem>>, vector<1x1x16xi32>,
      %swap3A_277 = vector.shape_cast %swap3A_276 : vector<1x1x16xi32> to vector<16xi32>
      %swap3A_278 = vector.shape_cast %get3A_271 : vector<16xi32> to vector<1x1x16xi32>
      tpu.vector_store %arg8[%swap3A_273, %swap3A_274, %swap3A_275], %swap3A_278 {strides = array<i32>} : memref<2x1x64xi32, #tpu.memory_space<vmem>>, vector<1x1x16xi32>,
      %get3A_279 = arith.constant 0 : i32
      %get3A_280 = arith.constant 0 : i32
      %get3A_281 = arith.index_cast %get3A_279 : i32 to index
      %get3A_282 = arith.index_cast %get3A_280 : i32 to index
      %get3A_283 = arith.constant 80 : index
      %get3A_284 = tpu.vector_load %arg7[%get3A_281, %get3A_282, %get3A_283] {strides = array<i32>} : memref<2x1x128xi32, #tpu.memory_space<vmem>>, vector<1x1x16xi32>,
      %get3A_285 = vector.shape_cast %get3A_284 : vector<1x1x16xi32> to vector<16xi32>
      %swap3A_286 = arith.constant 0 : i32
      %swap3A_287 = arith.constant 0 : i32
      %swap3A_288 = arith.index_cast %swap3A_286 : i32 to index
      %swap3A_289 = arith.index_cast %swap3A_287 : i32 to index
      %swap3A_290 = arith.constant 16 : index
      %swap3A_291 = tpu.vector_load %arg8[%swap3A_288, %swap3A_289, %swap3A_290] {strides = array<i32>} : memref<2x1x64xi32, #tpu.memory_space<vmem>>, vector<1x1x16xi32>,
      %swap3A_292 = vector.shape_cast %swap3A_291 : vector<1x1x16xi32> to vector<16xi32>
      %swap3A_293 = vector.shape_cast %get3A_285 : vector<16xi32> to vector<1x1x16xi32>
      tpu.vector_store %arg8[%swap3A_288, %swap3A_289, %swap3A_290], %swap3A_293 {strides = array<i32>} : memref<2x1x64xi32, #tpu.memory_space<vmem>>, vector<1x1x16xi32>,
      %get3A_294 = arith.constant 0 : i32
      %get3A_295 = arith.constant 0 : i32
      %get3A_296 = arith.index_cast %get3A_294 : i32 to index
      %get3A_297 = arith.index_cast %get3A_295 : i32 to index
      %get3A_298 = arith.constant 96 : index
      %get3A_299 = tpu.vector_load %arg7[%get3A_296, %get3A_297, %get3A_298] {strides = array<i32>} : memref<2x1x128xi32, #tpu.memory_space<vmem>>, vector<1x1x16xi32>,
      %get3A_300 = vector.shape_cast %get3A_299 : vector<1x1x16xi32> to vector<16xi32>
      %swap3A_301 = arith.constant 0 : i32
      %swap3A_302 = arith.constant 0 : i32
      %swap3A_303 = arith.index_cast %swap3A_301 : i32 to index
      %swap3A_304 = arith.index_cast %swap3A_302 : i32 to index
      %swap3A_305 = arith.constant 32 : index
      %swap3A_306 = tpu.vector_load %arg8[%swap3A_303, %swap3A_304, %swap3A_305] {strides = array<i32>} : memref<2x1x64xi32, #tpu.memory_space<vmem>>, vector<1x1x16xi32>,
      %swap3A_307 = vector.shape_cast %swap3A_306 : vector<1x1x16xi32> to vector<16xi32>
      %swap3A_308 = vector.shape_cast %get3A_300 : vector<16xi32> to vector<1x1x16xi32>
      tpu.vector_store %arg8[%swap3A_303, %swap3A_304, %swap3A_305], %swap3A_308 {strides = array<i32>} : memref<2x1x64xi32, #tpu.memory_space<vmem>>, vector<1x1x16xi32>,
      %get3A_309 = arith.constant 0 : i32
      %get3A_310 = arith.constant 0 : i32
      %get3A_311 = arith.index_cast %get3A_309 : i32 to index
      %get3A_312 = arith.index_cast %get3A_310 : i32 to index
      %get3A_313 = arith.constant 112 : index
      %get3A_314 = tpu.vector_load %arg7[%get3A_311, %get3A_312, %get3A_313] {strides = array<i32>} : memref<2x1x128xi32, #tpu.memory_space<vmem>>, vector<1x1x16xi32>,
      %get3A_315 = vector.shape_cast %get3A_314 : vector<1x1x16xi32> to vector<16xi32>
      %swap3A_316 = arith.constant 0 : i32
      %swap3A_317 = arith.constant 0 : i32
      %swap3A_318 = arith.index_cast %swap3A_316 : i32 to index
      %swap3A_319 = arith.index_cast %swap3A_317 : i32 to index
      %swap3A_320 = arith.constant 48 : index
      %swap3A_321 = tpu.vector_load %arg8[%swap3A_318, %swap3A_319, %swap3A_320] {strides = array<i32>} : memref<2x1x64xi32, #tpu.memory_space<vmem>>, vector<1x1x16xi32>,
      %swap3A_322 = vector.shape_cast %swap3A_321 : vector<1x1x16xi32> to vector<16xi32>
      %swap3A_323 = vector.shape_cast %get3A_315 : vector<16xi32> to vector<1x1x16xi32>
      tpu.vector_store %arg8[%swap3A_318, %swap3A_319, %swap3A_320], %swap3A_323 {strides = array<i32>} : memref<2x1x64xi32, #tpu.memory_space<vmem>>, vector<1x1x16xi32>,
      %le3A = arith.constant 78 : i32
      %le3A_324 = arith.cmpi sle, %scan3A_226, %le3A : i32
      %convert_element_type3A_325 = arith.extui %le3A_324 : i1 to i32
      %cond3A_326 = arith.constant 0 : i32
      %cond3A_327 = arith.cmpi ne, %convert_element_type3A_325, %cond3A_326 : i32
      scf.if %cond3A_327 {
        %add3A_474 = arith.constant 2 : i32
        %add3A_475 = arith.addi %add3A_230, %add3A_474 : i32
        %mul3A_476 = arith.constant 160 : i32
        %mul3A_477 = arith.muli %add3A, %mul3A_476 : i32
        %add3A_478 = arith.addi %mul3A_477, %add3A_475 : i32
        %dma_start3A_479 = arith.constant 0 : i32
        %dma_start3A_480 = arith.constant 0 : i32
        %dma_start3A_481 = arith.constant 0 : i32
        %dma_start3A_482 = tpu.memref_slice %arg7[%dma_start3A_479, %dma_start3A_480, %dma_start3A_481] : memref<2x1x128xi32, #tpu.memory_space<vmem>> -> memref<1x1x128xi32, #tpu.memory_space<vmem>>
        %dma_start3A_483 = tpu.memref_squeeze %dma_start3A_482 : memref<1x1x128xi32, #tpu.memory_space<vmem>> -> memref<128xi32, #tpu.memory_space<vmem>>
        %dma_start3A_484 = arith.constant 0 : i32
        %dma_start3A_485 = tpu.memref_slice %arg4[%add3A_478, %dma_start3A_484] : memref<5120x128xi32, #tpu.memory_space<hbm>> -> memref<1x128xi32, #tpu.memory_space<hbm>>
        %dma_start3A_486 = tpu.memref_squeeze %dma_start3A_485 : memref<1x128xi32, #tpu.memory_space<hbm>> -> memref<128xi32, #tpu.memory_space<hbm>>
        %dma_start3A_487 = arith.constant 0 : i32
        %dma_start3A_488 = tpu.memref_slice %arg7[%dma_start3A_479, %dma_start3A_480, %dma_start3A_487] : memref<2x1x128xi32, #tpu.memory_space<vmem>> -> memref<1x1x128xi32, #tpu.memory_space<vmem>>
        %dma_start3A_489 = tpu.memref_squeeze %dma_start3A_488 : memref<1x1x128xi32, #tpu.memory_space<vmem>> -> memref<128xi32, #tpu.memory_space<vmem>>
        %dma_start3A_490 = arith.constant 0 : i32
        %dma_start3A_491 = tpu.memref_slice %arg4[%add3A_478, %dma_start3A_490] : memref<5120x128xi32, #tpu.memory_space<hbm>> -> memref<1x128xi32, #tpu.memory_space<hbm>>
        %dma_start3A_492 = tpu.memref_squeeze %dma_start3A_491 : memref<1x128xi32, #tpu.memory_space<hbm>> -> memref<128xi32, #tpu.memory_space<hbm>>
        tpu.enqueue_dma source(%dma_start3A_492 : memref<128xi32, #tpu.memory_space<hbm>>) target(%dma_start3A_489 : memref<128xi32, #tpu.memory_space<vmem>>) target_semaphore(%arg18 : memref<!tpu.dma_semaphore, #tpu.memory_space<semaphore_mem>>)
      } else {
      }
      %parallel_loop3A = arith.constant 0 : i32
      %parallel_loop3A_328 = arith.constant 64 : i32
      %parallel_loop3A_329 = arith.constant 1 : i32
      scf.for %parallel_loop3A_474 = %parallel_loop3A to %parallel_loop3A_328 step %parallel_loop3A_329  : i32 {
        %parallel_loop3A_475 = arith.constant 0 : i32
        %parallel_loop3A_476 = arith.index_cast %parallel_loop3A_475 : i32 to index
        %parallel_loop3A_477 = arith.index_cast %parallel_loop3A_474 : i32 to index
        %parallel_loop3A_478 = arith.constant 0 : index
        %parallel_loop3A_479 = tpu.vector_load %arg9[%parallel_loop3A_476, %parallel_loop3A_477, %parallel_loop3A_478] {strides = array<i32>} : memref<2x64x128xf32, #tpu.memory_space<vmem>>, vector<1x1x16xf32>,
        %parallel_loop3A_480 = vector.shape_cast %parallel_loop3A_479 : vector<1x1x16xf32> to vector<16xf32>
        %parallel_loop3A_481 = arith.constant 0 : i32
        %parallel_loop3A_482 = arith.index_cast %parallel_loop3A_481 : i32 to index
        %parallel_loop3A_483 = arith.index_cast %parallel_loop3A_474 : i32 to index
        %parallel_loop3A_484 = arith.constant 0 : index
        %parallel_loop3A_485 = tpu.vector_load %arg10[%parallel_loop3A_482, %parallel_loop3A_483, %parallel_loop3A_484] {strides = array<i32>} : memref<2x64x128xf32, #tpu.memory_space<vmem>>, vector<1x1x16xf32>,
        %parallel_loop3A_486 = vector.shape_cast %parallel_loop3A_485 : vector<1x1x16xf32> to vector<16xf32>
        %parallel_loop3A_487 = arith.mulf %parallel_loop3A_480, %parallel_loop3A_486 : vector<16xf32>
        %parallel_loop3A_488 = arith.constant 0 : i32
        %parallel_loop3A_489 = arith.index_cast %parallel_loop3A_488 : i32 to index
        %parallel_loop3A_490 = arith.index_cast %parallel_loop3A_474 : i32 to index
        %parallel_loop3A_491 = arith.constant 0 : index
        %parallel_loop3A_492 = tpu.vector_load %arg11[%parallel_loop3A_489, %parallel_loop3A_490, %parallel_loop3A_491] {strides = array<i32>} : memref<2x64x128xf32, #tpu.memory_space<vmem>>, vector<1x1x16xf32>,
        %parallel_loop3A_493 = vector.shape_cast %parallel_loop3A_492 : vector<1x1x16xf32> to vector<16xf32>
        %parallel_loop3A_494 = vector.shape_cast %parallel_loop3A_487 : vector<16xf32> to vector<1x1x16xf32>
        tpu.vector_store %arg11[%parallel_loop3A_489, %parallel_loop3A_490, %parallel_loop3A_491], %parallel_loop3A_494 {strides = array<i32>} : memref<2x64x128xf32, #tpu.memory_space<vmem>>, vector<1x1x16xf32>,
        %parallel_loop3A_495 = arith.constant 0 : i32
        %parallel_loop3A_496 = arith.index_cast %parallel_loop3A_495 : i32 to index
        %parallel_loop3A_497 = arith.index_cast %parallel_loop3A_474 : i32 to index
        %parallel_loop3A_498 = arith.constant 16 : index
        %parallel_loop3A_499 = tpu.vector_load %arg9[%parallel_loop3A_496, %parallel_loop3A_497, %parallel_loop3A_498] {strides = array<i32>} : memref<2x64x128xf32, #tpu.memory_space<vmem>>, vector<1x1x16xf32>,
        %parallel_loop3A_500 = vector.shape_cast %parallel_loop3A_499 : vector<1x1x16xf32> to vector<16xf32>
        %parallel_loop3A_501 = arith.constant 0 : i32
        %parallel_loop3A_502 = arith.index_cast %parallel_loop3A_501 : i32 to index
        %parallel_loop3A_503 = arith.index_cast %parallel_loop3A_474 : i32 to index
        %parallel_loop3A_504 = arith.constant 16 : index
        %parallel_loop3A_505 = tpu.vector_load %arg10[%parallel_loop3A_502, %parallel_loop3A_503, %parallel_loop3A_504] {strides = array<i32>} : memref<2x64x128xf32, #tpu.memory_space<vmem>>, vector<1x1x16xf32>,
        %parallel_loop3A_506 = vector.shape_cast %parallel_loop3A_505 : vector<1x1x16xf32> to vector<16xf32>
        %parallel_loop3A_507 = arith.mulf %parallel_loop3A_500, %parallel_loop3A_506 : vector<16xf32>
        %parallel_loop3A_508 = arith.constant 0 : i32
        %parallel_loop3A_509 = arith.index_cast %parallel_loop3A_508 : i32 to index
        %parallel_loop3A_510 = arith.index_cast %parallel_loop3A_474 : i32 to index
        %parallel_loop3A_511 = arith.constant 16 : index
        %parallel_loop3A_512 = tpu.vector_load %arg11[%parallel_loop3A_509, %parallel_loop3A_510, %parallel_loop3A_511] {strides = array<i32>} : memref<2x64x128xf32, #tpu.memory_space<vmem>>, vector<1x1x16xf32>,
        %parallel_loop3A_513 = vector.shape_cast %parallel_loop3A_512 : vector<1x1x16xf32> to vector<16xf32>
        %parallel_loop3A_514 = vector.shape_cast %parallel_loop3A_507 : vector<16xf32> to vector<1x1x16xf32>
        tpu.vector_store %arg11[%parallel_loop3A_509, %parallel_loop3A_510, %parallel_loop3A_511], %parallel_loop3A_514 {strides = array<i32>} : memref<2x64x128xf32, #tpu.memory_space<vmem>>, vector<1x1x16xf32>,
        %parallel_loop3A_515 = arith.constant 0 : i32
        %parallel_loop3A_516 = arith.index_cast %parallel_loop3A_515 : i32 to index
        %parallel_loop3A_517 = arith.index_cast %parallel_loop3A_474 : i32 to index
        %parallel_loop3A_518 = arith.constant 32 : index
        %parallel_loop3A_519 = tpu.vector_load %arg9[%parallel_loop3A_516, %parallel_loop3A_517, %parallel_loop3A_518] {strides = array<i32>} : memref<2x64x128xf32, #tpu.memory_space<vmem>>, vector<1x1x16xf32>,
        %parallel_loop3A_520 = vector.shape_cast %parallel_loop3A_519 : vector<1x1x16xf32> to vector<16xf32>
        %parallel_loop3A_521 = arith.constant 0 : i32
        %parallel_loop3A_522 = arith.index_cast %parallel_loop3A_521 : i32 to index
        %parallel_loop3A_523 = arith.index_cast %parallel_loop3A_474 : i32 to index
        %parallel_loop3A_524 = arith.constant 32 : index
        %parallel_loop3A_525 = tpu.vector_load %arg10[%parallel_loop3A_522, %parallel_loop3A_523, %parallel_loop3A_524] {strides = array<i32>} : memref<2x64x128xf32, #tpu.memory_space<vmem>>, vector<1x1x16xf32>,
        %parallel_loop3A_526 = vector.shape_cast %parallel_loop3A_525 : vector<1x1x16xf32> to vector<16xf32>
        %parallel_loop3A_527 = arith.mulf %parallel_loop3A_520, %parallel_loop3A_526 : vector<16xf32>
        %parallel_loop3A_528 = arith.constant 0 : i32
        %parallel_loop3A_529 = arith.index_cast %parallel_loop3A_528 : i32 to index
        %parallel_loop3A_530 = arith.index_cast %parallel_loop3A_474 : i32 to index
        %parallel_loop3A_531 = arith.constant 32 : index
        %parallel_loop3A_532 = tpu.vector_load %arg11[%parallel_loop3A_529, %parallel_loop3A_530, %parallel_loop3A_531] {strides = array<i32>} : memref<2x64x128xf32, #tpu.memory_space<vmem>>, vector<1x1x16xf32>,
        %parallel_loop3A_533 = vector.shape_cast %parallel_loop3A_532 : vector<1x1x16xf32> to vector<16xf32>
        %parallel_loop3A_534 = vector.shape_cast %parallel_loop3A_527 : vector<16xf32> to vector<1x1x16xf32>
        tpu.vector_store %arg11[%parallel_loop3A_529, %parallel_loop3A_530, %parallel_loop3A_531], %parallel_loop3A_534 {strides = array<i32>} : memref<2x64x128xf32, #tpu.memory_space<vmem>>, vector<1x1x16xf32>,
        %parallel_loop3A_535 = arith.constant 0 : i32
        %parallel_loop3A_536 = arith.index_cast %parallel_loop3A_535 : i32 to index
        %parallel_loop3A_537 = arith.index_cast %parallel_loop3A_474 : i32 to index
        %parallel_loop3A_538 = arith.constant 48 : index
        %parallel_loop3A_539 = tpu.vector_load %arg9[%parallel_loop3A_536, %parallel_loop3A_537, %parallel_loop3A_538] {strides = array<i32>} : memref<2x64x128xf32, #tpu.memory_space<vmem>>, vector<1x1x16xf32>,
        %parallel_loop3A_540 = vector.shape_cast %parallel_loop3A_539 : vector<1x1x16xf32> to vector<16xf32>
        %parallel_loop3A_541 = arith.constant 0 : i32
        %parallel_loop3A_542 = arith.index_cast %parallel_loop3A_541 : i32 to index
        %parallel_loop3A_543 = arith.index_cast %parallel_loop3A_474 : i32 to index
        %parallel_loop3A_544 = arith.constant 48 : index
        %parallel_loop3A_545 = tpu.vector_load %arg10[%parallel_loop3A_542, %parallel_loop3A_543, %parallel_loop3A_544] {strides = array<i32>} : memref<2x64x128xf32, #tpu.memory_space<vmem>>, vector<1x1x16xf32>,
        %parallel_loop3A_546 = vector.shape_cast %parallel_loop3A_545 : vector<1x1x16xf32> to vector<16xf32>
        %parallel_loop3A_547 = arith.mulf %parallel_loop3A_540, %parallel_loop3A_546 : vector<16xf32>
        %parallel_loop3A_548 = arith.constant 0 : i32
        %parallel_loop3A_549 = arith.index_cast %parallel_loop3A_548 : i32 to index
        %parallel_loop3A_550 = arith.index_cast %parallel_loop3A_474 : i32 to index
        %parallel_loop3A_551 = arith.constant 48 : index
        %parallel_loop3A_552 = tpu.vector_load %arg11[%parallel_loop3A_549, %parallel_loop3A_550, %parallel_loop3A_551] {strides = array<i32>} : memref<2x64x128xf32, #tpu.memory_space<vmem>>, vector<1x1x16xf32>,
        %parallel_loop3A_553 = vector.shape_cast %parallel_loop3A_552 : vector<1x1x16xf32> to vector<16xf32>
        %parallel_loop3A_554 = vector.shape_cast %parallel_loop3A_547 : vector<16xf32> to vector<1x1x16xf32>
        tpu.vector_store %arg11[%parallel_loop3A_549, %parallel_loop3A_550, %parallel_loop3A_551], %parallel_loop3A_554 {strides = array<i32>} : memref<2x64x128xf32, #tpu.memory_space<vmem>>, vector<1x1x16xf32>,
        %parallel_loop3A_555 = arith.constant 0 : i32
        %parallel_loop3A_556 = arith.index_cast %parallel_loop3A_555 : i32 to index
        %parallel_loop3A_557 = arith.index_cast %parallel_loop3A_474 : i32 to index
        %parallel_loop3A_558 = arith.constant 64 : index
        %parallel_loop3A_559 = tpu.vector_load %arg9[%parallel_loop3A_556, %parallel_loop3A_557, %parallel_loop3A_558] {strides = array<i32>} : memref<2x64x128xf32, #tpu.memory_space<vmem>>, vector<1x1x16xf32>,
        %parallel_loop3A_560 = vector.shape_cast %parallel_loop3A_559 : vector<1x1x16xf32> to vector<16xf32>
        %parallel_loop3A_561 = arith.constant 0 : i32
        %parallel_loop3A_562 = arith.index_cast %parallel_loop3A_561 : i32 to index
        %parallel_loop3A_563 = arith.index_cast %parallel_loop3A_474 : i32 to index
        %parallel_loop3A_564 = arith.constant 64 : index
        %parallel_loop3A_565 = tpu.vector_load %arg10[%parallel_loop3A_562, %parallel_loop3A_563, %parallel_loop3A_564] {strides = array<i32>} : memref<2x64x128xf32, #tpu.memory_space<vmem>>, vector<1x1x16xf32>,
        %parallel_loop3A_566 = vector.shape_cast %parallel_loop3A_565 : vector<1x1x16xf32> to vector<16xf32>
        %parallel_loop3A_567 = arith.mulf %parallel_loop3A_560, %parallel_loop3A_566 : vector<16xf32>
        %parallel_loop3A_568 = arith.constant 0 : i32
        %parallel_loop3A_569 = arith.index_cast %parallel_loop3A_568 : i32 to index
        %parallel_loop3A_570 = arith.index_cast %parallel_loop3A_474 : i32 to index
        %parallel_loop3A_571 = arith.constant 64 : index
        %parallel_loop3A_572 = tpu.vector_load %arg11[%parallel_loop3A_569, %parallel_loop3A_570, %parallel_loop3A_571] {strides = array<i32>} : memref<2x64x128xf32, #tpu.memory_space<vmem>>, vector<1x1x16xf32>,
        %parallel_loop3A_573 = vector.shape_cast %parallel_loop3A_572 : vector<1x1x16xf32> to vector<16xf32>
        %parallel_loop3A_574 = vector.shape_cast %parallel_loop3A_567 : vector<16xf32> to vector<1x1x16xf32>
        tpu.vector_store %arg11[%parallel_loop3A_569, %parallel_loop3A_570, %parallel_loop3A_571], %parallel_loop3A_574 {strides = array<i32>} : memref<2x64x128xf32, #tpu.memory_space<vmem>>, vector<1x1x16xf32>,
        %parallel_loop3A_575 = arith.constant 0 : i32
        %parallel_loop3A_576 = arith.index_cast %parallel_loop3A_575 : i32 to index
        %parallel_loop3A_577 = arith.index_cast %parallel_loop3A_474 : i32 to index
        %parallel_loop3A_578 = arith.constant 80 : index
        %parallel_loop3A_579 = tpu.vector_load %arg9[%parallel_loop3A_576, %parallel_loop3A_577, %parallel_loop3A_578] {strides = array<i32>} : memref<2x64x128xf32, #tpu.memory_space<vmem>>, vector<1x1x16xf32>,
        %parallel_loop3A_580 = vector.shape_cast %parallel_loop3A_579 : vector<1x1x16xf32> to vector<16xf32>
        %parallel_loop3A_581 = arith.constant 0 : i32
        %parallel_loop3A_582 = arith.index_cast %parallel_loop3A_581 : i32 to index
        %parallel_loop3A_583 = arith.index_cast %parallel_loop3A_474 : i32 to index
        %parallel_loop3A_584 = arith.constant 80 : index
        %parallel_loop3A_585 = tpu.vector_load %arg10[%parallel_loop3A_582, %parallel_loop3A_583, %parallel_loop3A_584] {strides = array<i32>} : memref<2x64x128xf32, #tpu.memory_space<vmem>>, vector<1x1x16xf32>,
        %parallel_loop3A_586 = vector.shape_cast %parallel_loop3A_585 : vector<1x1x16xf32> to vector<16xf32>
        %parallel_loop3A_587 = arith.mulf %parallel_loop3A_580, %parallel_loop3A_586 : vector<16xf32>
        %parallel_loop3A_588 = arith.constant 0 : i32
        %parallel_loop3A_589 = arith.index_cast %parallel_loop3A_588 : i32 to index
        %parallel_loop3A_590 = arith.index_cast %parallel_loop3A_474 : i32 to index
        %parallel_loop3A_591 = arith.constant 80 : index
        %parallel_loop3A_592 = tpu.vector_load %arg11[%parallel_loop3A_589, %parallel_loop3A_590, %parallel_loop3A_591] {strides = array<i32>} : memref<2x64x128xf32, #tpu.memory_space<vmem>>, vector<1x1x16xf32>,
        %parallel_loop3A_593 = vector.shape_cast %parallel_loop3A_592 : vector<1x1x16xf32> to vector<16xf32>
        %parallel_loop3A_594 = vector.shape_cast %parallel_loop3A_587 : vector<16xf32> to vector<1x1x16xf32>
        tpu.vector_store %arg11[%parallel_loop3A_589, %parallel_loop3A_590, %parallel_loop3A_591], %parallel_loop3A_594 {strides = array<i32>} : memref<2x64x128xf32, #tpu.memory_space<vmem>>, vector<1x1x16xf32>,
        %parallel_loop3A_595 = arith.constant 0 : i32
        %parallel_loop3A_596 = arith.index_cast %parallel_loop3A_595 : i32 to index
        %parallel_loop3A_597 = arith.index_cast %parallel_loop3A_474 : i32 to index
        %parallel_loop3A_598 = arith.constant 96 : index
        %parallel_loop3A_599 = tpu.vector_load %arg9[%parallel_loop3A_596, %parallel_loop3A_597, %parallel_loop3A_598] {strides = array<i32>} : memref<2x64x128xf32, #tpu.memory_space<vmem>>, vector<1x1x16xf32>,
        %parallel_loop3A_600 = vector.shape_cast %parallel_loop3A_599 : vector<1x1x16xf32> to vector<16xf32>
        %parallel_loop3A_601 = arith.constant 0 : i32
        %parallel_loop3A_602 = arith.index_cast %parallel_loop3A_601 : i32 to index
        %parallel_loop3A_603 = arith.index_cast %parallel_loop3A_474 : i32 to index
        %parallel_loop3A_604 = arith.constant 96 : index
        %parallel_loop3A_605 = tpu.vector_load %arg10[%parallel_loop3A_602, %parallel_loop3A_603, %parallel_loop3A_604] {strides = array<i32>} : memref<2x64x128xf32, #tpu.memory_space<vmem>>, vector<1x1x16xf32>,
        %parallel_loop3A_606 = vector.shape_cast %parallel_loop3A_605 : vector<1x1x16xf32> to vector<16xf32>
        %parallel_loop3A_607 = arith.mulf %parallel_loop3A_600, %parallel_loop3A_606 : vector<16xf32>
        %parallel_loop3A_608 = arith.constant 0 : i32
        %parallel_loop3A_609 = arith.index_cast %parallel_loop3A_608 : i32 to index
        %parallel_loop3A_610 = arith.index_cast %parallel_loop3A_474 : i32 to index
        %parallel_loop3A_611 = arith.constant 96 : index
        %parallel_loop3A_612 = tpu.vector_load %arg11[%parallel_loop3A_609, %parallel_loop3A_610, %parallel_loop3A_611] {strides = array<i32>} : memref<2x64x128xf32, #tpu.memory_space<vmem>>, vector<1x1x16xf32>,
        %parallel_loop3A_613 = vector.shape_cast %parallel_loop3A_612 : vector<1x1x16xf32> to vector<16xf32>
        %parallel_loop3A_614 = vector.shape_cast %parallel_loop3A_607 : vector<16xf32> to vector<1x1x16xf32>
        tpu.vector_store %arg11[%parallel_loop3A_609, %parallel_loop3A_610, %parallel_loop3A_611], %parallel_loop3A_614 {strides = array<i32>} : memref<2x64x128xf32, #tpu.memory_space<vmem>>, vector<1x1x16xf32>,
        %parallel_loop3A_615 = arith.constant 0 : i32
        %parallel_loop3A_616 = arith.index_cast %parallel_loop3A_615 : i32 to index
        %parallel_loop3A_617 = arith.index_cast %parallel_loop3A_474 : i32 to index
        %parallel_loop3A_618 = arith.constant 112 : index
        %parallel_loop3A_619 = tpu.vector_load %arg9[%parallel_loop3A_616, %parallel_loop3A_617, %parallel_loop3A_618] {strides = array<i32>} : memref<2x64x128xf32, #tpu.memory_space<vmem>>, vector<1x1x16xf32>,
        %parallel_loop3A_620 = vector.shape_cast %parallel_loop3A_619 : vector<1x1x16xf32> to vector<16xf32>
        %parallel_loop3A_621 = arith.constant 0 : i32
        %parallel_loop3A_622 = arith.index_cast %parallel_loop3A_621 : i32 to index
        %parallel_loop3A_623 = arith.index_cast %parallel_loop3A_474 : i32 to index
        %parallel_loop3A_624 = arith.constant 112 : index
        %parallel_loop3A_625 = tpu.vector_load %arg10[%parallel_loop3A_622, %parallel_loop3A_623, %parallel_loop3A_624] {strides = array<i32>} : memref<2x64x128xf32, #tpu.memory_space<vmem>>, vector<1x1x16xf32>,
        %parallel_loop3A_626 = vector.shape_cast %parallel_loop3A_625 : vector<1x1x16xf32> to vector<16xf32>
        %parallel_loop3A_627 = arith.mulf %parallel_loop3A_620, %parallel_loop3A_626 : vector<16xf32>
        %parallel_loop3A_628 = arith.constant 0 : i32
        %parallel_loop3A_629 = arith.index_cast %parallel_loop3A_628 : i32 to index
        %parallel_loop3A_630 = arith.index_cast %parallel_loop3A_474 : i32 to index
        %parallel_loop3A_631 = arith.constant 112 : index
        %parallel_loop3A_632 = tpu.vector_load %arg11[%parallel_loop3A_629, %parallel_loop3A_630, %parallel_loop3A_631] {strides = array<i32>} : memref<2x64x128xf32, #tpu.memory_space<vmem>>, vector<1x1x16xf32>,
        %parallel_loop3A_633 = vector.shape_cast %parallel_loop3A_632 : vector<1x1x16xf32> to vector<16xf32>
        %parallel_loop3A_634 = vector.shape_cast %parallel_loop3A_627 : vector<16xf32> to vector<1x1x16xf32>
        tpu.vector_store %arg11[%parallel_loop3A_629, %parallel_loop3A_630, %parallel_loop3A_631], %parallel_loop3A_634 {strides = array<i32>} : memref<2x64x128xf32, #tpu.memory_space<vmem>>, vector<1x1x16xf32>,
      } {sc.loop_unroll_factor = 2 : i64, sc.parallel_access}
      %dma_start3A_330 = arith.constant 0 : i32
      %dma_start3A_331 = arith.constant 0 : i32
      %dma_start3A_332 = arith.constant 0 : i32
      %dma_start3A_333 = arith.constant 0 : i32
      %dma_start3A_334 = arith.constant 0 : i32
      %dma_start3A_335 = tpu.memref_slice %arg11[%dma_start3A_330, %dma_start3A_333, %dma_start3A_334] : memref<2x64x128xf32, #tpu.memory_space<vmem>> -> memref<1x64x128xf32, #tpu.memory_space<vmem>>
      %dma_start3A_336 = tpu.memref_squeeze %dma_start3A_335 : memref<1x64x128xf32, #tpu.memory_space<vmem>> -> memref<64x128xf32, #tpu.memory_space<vmem>>
      %dma_start3A_337 = arith.constant 0 : i32
      %dma_start3A_338 = tpu.memref_slice %arg8[%dma_start3A_331, %dma_start3A_332, %dma_start3A_337] : memref<2x1x64xi32, #tpu.memory_space<vmem>> -> memref<1x1x64xi32, #tpu.memory_space<vmem>>
      %dma_start3A_339 = tpu.memref_squeeze %dma_start3A_338 : memref<1x1x64xi32, #tpu.memory_space<vmem>> -> memref<64xi32, #tpu.memory_space<vmem>>
      %dma_start3A_340 = arith.constant 0 : i32
      %dma_start3A_341 = arith.constant 0 : i32
      %dma_start3A_342 = tpu.memref_slice %arg20[%dma_start3A_340, %dma_start3A_341] : memref<10112x128xf32, #tpu.memory_space<vmem_shared>> -> memref<10112x128xf32, #tpu.memory_space<vmem_shared>>
      tpu.enqueue_indirect_dma source(%dma_start3A_336 : memref<64x128xf32, #tpu.memory_space<vmem>>) target(%dma_start3A_342 : memref<10112x128xf32, #tpu.memory_space<vmem_shared>>) offsets(%dma_start3A_339 : memref<64xi32, #tpu.memory_space<vmem>>) semaphore(%arg16 : memref<!tpu.dma_semaphore, #tpu.memory_space<semaphore_mem>>) {add = true}
      %le3A_343 = arith.constant 78 : i32
      %le3A_344 = arith.cmpi sle, %scan3A_226, %le3A_343 : i32
      %convert_element_type3A_345 = arith.extui %le3A_344 : i1 to i32
      %cond3A_346 = arith.constant 0 : i32
      %cond3A_347 = arith.cmpi ne, %convert_element_type3A_345, %cond3A_346 : i32
      scf.if %cond3A_347 {
        %add3A_474 = arith.constant 2 : i32
        %add3A_475 = arith.addi %add3A_230, %add3A_474 : i32
        %mul3A_476 = arith.constant 160 : i32
        %mul3A_477 = arith.muli %add3A, %mul3A_476 : i32
        %add3A_478 = arith.addi %mul3A_477, %add3A_475 : i32
        %dma_wait3A_479 = arith.constant 0 : i32
        %dma_wait3A_480 = arith.constant 0 : i32
        %dma_wait3A_481 = arith.constant 0 : i32
        %dma_wait3A_482 = tpu.memref_slice %arg7[%dma_wait3A_479, %dma_wait3A_480, %dma_wait3A_481] : memref<2x1x128xi32, #tpu.memory_space<vmem>> -> memref<1x1x128xi32, #tpu.memory_space<vmem>>
        %dma_wait3A_483 = tpu.memref_squeeze %dma_wait3A_482 : memref<1x1x128xi32, #tpu.memory_space<vmem>> -> memref<128xi32, #tpu.memory_space<vmem>>
        %dma_wait3A_484 = arith.constant 0 : i32
        %dma_wait3A_485 = tpu.memref_slice %arg4[%add3A_478, %dma_wait3A_484] : memref<5120x128xi32, #tpu.memory_space<hbm>> -> memref<1x128xi32, #tpu.memory_space<hbm>>
        %dma_wait3A_486 = tpu.memref_squeeze %dma_wait3A_485 : memref<1x128xi32, #tpu.memory_space<hbm>> -> memref<128xi32, #tpu.memory_space<hbm>>
        %dma_wait3A_487 = arith.constant 0 : i32
        %dma_wait3A_488 = tpu.memref_slice %arg7[%dma_wait3A_479, %dma_wait3A_480, %dma_wait3A_487] : memref<2x1x128xi32, #tpu.memory_space<vmem>> -> memref<1x1x128xi32, #tpu.memory_space<vmem>>
        %dma_wait3A_489 = tpu.memref_squeeze %dma_wait3A_488 : memref<1x1x128xi32, #tpu.memory_space<vmem>> -> memref<128xi32, #tpu.memory_space<vmem>>
        %dma_wait3A_490 = arith.constant 0 : i32
        %dma_wait3A_491 = tpu.memref_slice %arg4[%add3A_478, %dma_wait3A_490] : memref<5120x128xi32, #tpu.memory_space<hbm>> -> memref<1x128xi32, #tpu.memory_space<hbm>>
        %dma_wait3A_492 = tpu.memref_squeeze %dma_wait3A_491 : memref<1x128xi32, #tpu.memory_space<hbm>> -> memref<128xi32, #tpu.memory_space<hbm>>
        tpu.wait_dma2 semaphore(%arg18 : memref<!tpu.dma_semaphore, #tpu.memory_space<semaphore_mem>>) src(%dma_wait3A_492 : memref<128xi32, #tpu.memory_space<hbm>>) dst(%dma_wait3A_489 : memref<128xi32, #tpu.memory_space<vmem>>)
        %add3A_493 = arith.constant 2 : i32
        %add3A_494 = arith.addi %add3A_230, %add3A_493 : i32
        %dma_start3A_495 = arith.constant 0 : i32
        %dma_start3A_496 = arith.constant 0 : i32
        %dma_start3A_497 = arith.constant 0 : i32
        %dma_start3A_498 = arith.constant 0 : i32
        %dma_start3A_499 = arith.constant 0 : i32
        %dma_start3A_500 = tpu.memref_slice %arg9[%dma_start3A_497, %dma_start3A_498, %dma_start3A_499] : memref<2x64x128xf32, #tpu.memory_space<vmem>> -> memref<1x64x128xf32, #tpu.memory_space<vmem>>
        %dma_start3A_501 = tpu.memref_squeeze %dma_start3A_500 : memref<1x64x128xf32, #tpu.memory_space<vmem>> -> memref<64x128xf32, #tpu.memory_space<vmem>>
        %dma_start3A_502 = arith.constant 0 : i32
        %dma_start3A_503 = tpu.memref_slice %arg7[%dma_start3A_495, %dma_start3A_496, %dma_start3A_502] : memref<2x1x128xi32, #tpu.memory_space<vmem>> -> memref<1x1x64xi32, #tpu.memory_space<vmem>>
        %dma_start3A_504 = tpu.memref_squeeze %dma_start3A_503 : memref<1x1x64xi32, #tpu.memory_space<vmem>> -> memref<64xi32, #tpu.memory_space<vmem>>
        %dma_start3A_505 = arith.constant 0 : i32
        %dma_start3A_506 = arith.constant 0 : i32
        %dma_start3A_507 = tpu.memref_slice %arg2[%dma_start3A_505, %dma_start3A_506] : memref<10000x128xf32, #tpu.memory_space<hbm>> -> memref<10000x128xf32, #tpu.memory_space<hbm>>
        tpu.enqueue_indirect_dma source(%dma_start3A_507 : memref<10000x128xf32, #tpu.memory_space<hbm>>) target(%dma_start3A_501 : memref<64x128xf32, #tpu.memory_space<vmem>>) offsets(%dma_start3A_504 : memref<64xi32, #tpu.memory_space<vmem>>) semaphore(%arg12 : memref<!tpu.dma_semaphore, #tpu.memory_space<semaphore_mem>>)
        %add3A_508 = arith.constant 2 : i32
        %add3A_509 = arith.addi %add3A_230, %add3A_508 : i32
        %mul3A_510 = arith.constant 10240 : i32
        %mul3A_511 = arith.muli %add3A, %mul3A_510 : i32
        %mul3A_512 = arith.constant 64 : i32
        %mul3A_513 = arith.muli %add3A_509, %mul3A_512 : i32
        %add3A_514 = arith.addi %mul3A_511, %mul3A_513 : i32
        %dma_start3A_515 = arith.constant 0 : i32
        %dma_start3A_516 = arith.constant 0 : i32
        %dma_start3A_517 = arith.constant 0 : i32
        %dma_start3A_518 = tpu.memref_slice %arg10[%dma_start3A_515, %dma_start3A_516, %dma_start3A_517] : memref<2x64x128xf32, #tpu.memory_space<vmem>> -> memref<1x64x128xf32, #tpu.memory_space<vmem>>
        %dma_start3A_519 = tpu.memref_squeeze %dma_start3A_518 : memref<1x64x128xf32, #tpu.memory_space<vmem>> -> memref<64x128xf32, #tpu.memory_space<vmem>>
        %dma_start3A_520 = arith.constant 0 : i32
        %dma_start3A_521 = tpu.memref_slice %arg3[%add3A_514, %dma_start3A_520] : memref<328000x128xf32, #tpu.memory_space<hbm>> -> memref<64x128xf32, #tpu.memory_space<hbm>>
        %dma_start3A_522 = arith.constant 0 : i32
        %dma_start3A_523 = arith.constant 0 : i32
        %dma_start3A_524 = tpu.memref_slice %arg10[%dma_start3A_515, %dma_start3A_522, %dma_start3A_523] : memref<2x64x128xf32, #tpu.memory_space<vmem>> -> memref<1x64x128xf32, #tpu.memory_space<vmem>>
        %dma_start3A_525 = tpu.memref_squeeze %dma_start3A_524 : memref<1x64x128xf32, #tpu.memory_space<vmem>> -> memref<64x128xf32, #tpu.memory_space<vmem>>
        %dma_start3A_526 = arith.constant 0 : i32
        %dma_start3A_527 = tpu.memref_slice %arg3[%add3A_514, %dma_start3A_526] : memref<328000x128xf32, #tpu.memory_space<hbm>> -> memref<64x128xf32, #tpu.memory_space<hbm>>
        tpu.enqueue_dma source(%dma_start3A_527 : memref<64x128xf32, #tpu.memory_space<hbm>>) target(%dma_start3A_525 : memref<64x128xf32, #tpu.memory_space<vmem>>) target_semaphore(%arg14 : memref<!tpu.dma_semaphore, #tpu.memory_space<semaphore_mem>>)
      } else {
      }
      %mul3A_348 = arith.constant 2 : i32
      %mul3A_349 = arith.muli %mul3A_348, %scan3A_226 : i32
      %add3A_350 = arith.constant 1 : i32
      %add3A_351 = arith.addi %mul3A_349, %add3A_350 : i32
      %dma_wait3A_352 = arith.constant 1 : i32
      %dma_wait3A_353 = arith.constant 0 : i32
      %dma_wait3A_354 = arith.constant 1 : i32
      %dma_wait3A_355 = arith.constant 0 : i32
      %dma_wait3A_356 = arith.constant 0 : i32
      %dma_wait3A_357 = tpu.memref_slice %arg9[%dma_wait3A_354, %dma_wait3A_355, %dma_wait3A_356] : memref<2x64x128xf32, #tpu.memory_space<vmem>> -> memref<1x64x128xf32, #tpu.memory_space<vmem>>
      %dma_wait3A_358 = tpu.memref_squeeze %dma_wait3A_357 : memref<1x64x128xf32, #tpu.memory_space<vmem>> -> memref<64x128xf32, #tpu.memory_space<vmem>>
      %dma_wait3A_359 = arith.constant 0 : i32
      %dma_wait3A_360 = tpu.memref_slice %arg7[%dma_wait3A_352, %dma_wait3A_353, %dma_wait3A_359] : memref<2x1x128xi32, #tpu.memory_space<vmem>> -> memref<1x1x64xi32, #tpu.memory_space<vmem>>
      %dma_wait3A_361 = tpu.memref_squeeze %dma_wait3A_360 : memref<1x1x64xi32, #tpu.memory_space<vmem>> -> memref<64xi32, #tpu.memory_space<vmem>>
      %dma_wait3A_362 = arith.constant 0 : i32
      %dma_wait3A_363 = arith.constant 0 : i32
      %dma_wait3A_364 = tpu.memref_slice %arg2[%dma_wait3A_362, %dma_wait3A_363] : memref<10000x128xf32, #tpu.memory_space<hbm>> -> memref<10000x128xf32, #tpu.memory_space<hbm>>
      tpu.wait_indirect_dma semaphore(%arg13 : memref<!tpu.dma_semaphore, #tpu.memory_space<semaphore_mem>>) src(%dma_wait3A_364 : memref<10000x128xf32, #tpu.memory_space<hbm>>) dst(%dma_wait3A_358 : memref<64x128xf32, #tpu.memory_space<vmem>>)
      %mul3A_365 = arith.constant 10240 : i32
      %mul3A_366 = arith.muli %add3A, %mul3A_365 : i32
      %mul3A_367 = arith.constant 64 : i32
      %mul3A_368 = arith.muli %add3A_351, %mul3A_367 : i32
      %add3A_369 = arith.addi %mul3A_366, %mul3A_368 : i32
      %dma_wait3A_370 = arith.constant 1 : i32
      %dma_wait3A_371 = arith.constant 0 : i32
      %dma_wait3A_372 = arith.constant 0 : i32
      %dma_wait3A_373 = tpu.memref_slice %arg10[%dma_wait3A_370, %dma_wait3A_371, %dma_wait3A_372] : memref<2x64x128xf32, #tpu.memory_space<vmem>> -> memref<1x64x128xf32, #tpu.memory_space<vmem>>
      %dma_wait3A_374 = tpu.memref_squeeze %dma_wait3A_373 : memref<1x64x128xf32, #tpu.memory_space<vmem>> -> memref<64x128xf32, #tpu.memory_space<vmem>>
      %dma_wait3A_375 = arith.constant 0 : i32
      %dma_wait3A_376 = tpu.memref_slice %arg3[%add3A_369, %dma_wait3A_375] : memref<328000x128xf32, #tpu.memory_space<hbm>> -> memref<64x128xf32, #tpu.memory_space<hbm>>
      %dma_wait3A_377 = arith.constant 0 : i32
      %dma_wait3A_378 = arith.constant 0 : i32
      %dma_wait3A_379 = tpu.memref_slice %arg10[%dma_wait3A_370, %dma_wait3A_377, %dma_wait3A_378] : memref<2x64x128xf32, #tpu.memory_space<vmem>> -> memref<1x64x128xf32, #tpu.memory_space<vmem>>
      %dma_wait3A_380 = tpu.memref_squeeze %dma_wait3A_379 : memref<1x64x128xf32, #tpu.memory_space<vmem>> -> memref<64x128xf32, #tpu.memory_space<vmem>>
      %dma_wait3A_381 = arith.constant 0 : i32
      %dma_wait3A_382 = tpu.memref_slice %arg3[%add3A_369, %dma_wait3A_381] : memref<328000x128xf32, #tpu.memory_space<hbm>> -> memref<64x128xf32, #tpu.memory_space<hbm>>
      tpu.wait_dma2 semaphore(%arg15 : memref<!tpu.dma_semaphore, #tpu.memory_space<semaphore_mem>>) src(%dma_wait3A_382 : memref<64x128xf32, #tpu.memory_space<hbm>>) dst(%dma_wait3A_380 : memref<64x128xf32, #tpu.memory_space<vmem>>)
      %ge3A_383 = arith.constant 1 : i32
      %ge3A_384 = arith.cmpi sge, %scan3A_226, %ge3A_383 : i32
      %convert_element_type3A_385 = arith.extui %ge3A_384 : i1 to i32
      %cond3A_386 = arith.constant 0 : i32
      %cond3A_387 = arith.cmpi ne, %convert_element_type3A_385, %cond3A_386 : i32
      scf.if %cond3A_387 {
        %sub3A = arith.constant 2 : i32
        %sub3A_474 = arith.subi %add3A_351, %sub3A : i32
        %dma_wait3A_475 = arith.constant 1 : i32
        %dma_wait3A_476 = arith.constant 1 : i32
        %dma_wait3A_477 = arith.constant 0 : i32
        %dma_wait3A_478 = arith.constant 0 : i32
        %dma_wait3A_479 = arith.constant 0 : i32
        %dma_wait3A_480 = tpu.memref_slice %arg11[%dma_wait3A_475, %dma_wait3A_478, %dma_wait3A_479] : memref<2x64x128xf32, #tpu.memory_space<vmem>> -> memref<1x64x128xf32, #tpu.memory_space<vmem>>
        %dma_wait3A_481 = tpu.memref_squeeze %dma_wait3A_480 : memref<1x64x128xf32, #tpu.memory_space<vmem>> -> memref<64x128xf32, #tpu.memory_space<vmem>>
        %dma_wait3A_482 = arith.constant 0 : i32
        %dma_wait3A_483 = tpu.memref_slice %arg8[%dma_wait3A_476, %dma_wait3A_477, %dma_wait3A_482] : memref<2x1x64xi32, #tpu.memory_space<vmem>> -> memref<1x1x64xi32, #tpu.memory_space<vmem>>
        %dma_wait3A_484 = tpu.memref_squeeze %dma_wait3A_483 : memref<1x1x64xi32, #tpu.memory_space<vmem>> -> memref<64xi32, #tpu.memory_space<vmem>>
        %dma_wait3A_485 = arith.constant 0 : i32
        %dma_wait3A_486 = arith.constant 0 : i32
        %dma_wait3A_487 = tpu.memref_slice %arg20[%dma_wait3A_485, %dma_wait3A_486] : memref<10112x128xf32, #tpu.memory_space<vmem_shared>> -> memref<10112x128xf32, #tpu.memory_space<vmem_shared>>
        tpu.wait_indirect_dma semaphore(%arg17 : memref<!tpu.dma_semaphore, #tpu.memory_space<semaphore_mem>>) src(%dma_wait3A_481 : memref<64x128xf32, #tpu.memory_space<vmem>>) dst(%dma_wait3A_487 : memref<10112x128xf32, #tpu.memory_space<vmem_shared>>)
      } else {
      }
      %get3A_388 = arith.constant 1 : i32
      %get3A_389 = arith.constant 0 : i32
      %get3A_390 = arith.index_cast %get3A_388 : i32 to index
      %get3A_391 = arith.index_cast %get3A_389 : i32 to index
      %get3A_392 = arith.constant 64 : index
      %get3A_393 = tpu.vector_load %arg7[%get3A_390, %get3A_391, %get3A_392] {strides = array<i32>} : memref<2x1x128xi32, #tpu.memory_space<vmem>>, vector<1x1x16xi32>,
      %get3A_394 = vector.shape_cast %get3A_393 : vector<1x1x16xi32> to vector<16xi32>
      %swap3A_395 = arith.constant 1 : i32
      %swap3A_396 = arith.constant 0 : i32
      %swap3A_397 = arith.index_cast %swap3A_395 : i32 to index
      %swap3A_398 = arith.index_cast %swap3A_396 : i32 to index
      %swap3A_399 = arith.constant 0 : index
      %swap3A_400 = tpu.vector_load %arg8[%swap3A_397, %swap3A_398, %swap3A_399] {strides = array<i32>} : memref<2x1x64xi32, #tpu.memory_space<vmem>>, vector<1x1x16xi32>,
      %swap3A_401 = vector.shape_cast %swap3A_400 : vector<1x1x16xi32> to vector<16xi32>
      %swap3A_402 = vector.shape_cast %get3A_394 : vector<16xi32> to vector<1x1x16xi32>
      tpu.vector_store %arg8[%swap3A_397, %swap3A_398, %swap3A_399], %swap3A_402 {strides = array<i32>} : memref<2x1x64xi32, #tpu.memory_space<vmem>>, vector<1x1x16xi32>,
      %get3A_403 = arith.constant 1 : i32
      %get3A_404 = arith.constant 0 : i32
      %get3A_405 = arith.index_cast %get3A_403 : i32 to index
      %get3A_406 = arith.index_cast %get3A_404 : i32 to index
      %get3A_407 = arith.constant 80 : index
      %get3A_408 = tpu.vector_load %arg7[%get3A_405, %get3A_406, %get3A_407] {strides = array<i32>} : memref<2x1x128xi32, #tpu.memory_space<vmem>>, vector<1x1x16xi32>,
      %get3A_409 = vector.shape_cast %get3A_408 : vector<1x1x16xi32> to vector<16xi32>
      %swap3A_410 = arith.constant 1 : i32
      %swap3A_411 = arith.constant 0 : i32
      %swap3A_412 = arith.index_cast %swap3A_410 : i32 to index
      %swap3A_413 = arith.index_cast %swap3A_411 : i32 to index
      %swap3A_414 = arith.constant 16 : index
      %swap3A_415 = tpu.vector_load %arg8[%swap3A_412, %swap3A_413, %swap3A_414] {strides = array<i32>} : memref<2x1x64xi32, #tpu.memory_space<vmem>>, vector<1x1x16xi32>,
      %swap3A_416 = vector.shape_cast %swap3A_415 : vector<1x1x16xi32> to vector<16xi32>
      %swap3A_417 = vector.shape_cast %get3A_409 : vector<16xi32> to vector<1x1x16xi32>
      tpu.vector_store %arg8[%swap3A_412, %swap3A_413, %swap3A_414], %swap3A_417 {strides = array<i32>} : memref<2x1x64xi32, #tpu.memory_space<vmem>>, vector<1x1x16xi32>,
      %get3A_418 = arith.constant 1 : i32
      %get3A_419 = arith.constant 0 : i32
      %get3A_420 = arith.index_cast %get3A_418 : i32 to index
      %get3A_421 = arith.index_cast %get3A_419 : i32 to index
      %get3A_422 = arith.constant 96 : index
      %get3A_423 = tpu.vector_load %arg7[%get3A_420, %get3A_421, %get3A_422] {strides = array<i32>} : memref<2x1x128xi32, #tpu.memory_space<vmem>>, vector<1x1x16xi32>,
      %get3A_424 = vector.shape_cast %get3A_423 : vector<1x1x16xi32> to vector<16xi32>
      %swap3A_425 = arith.constant 1 : i32
      %swap3A_426 = arith.constant 0 : i32
      %swap3A_427 = arith.index_cast %swap3A_425 : i32 to index
      %swap3A_428 = arith.index_cast %swap3A_426 : i32 to index
      %swap3A_429 = arith.constant 32 : index
      %swap3A_430 = tpu.vector_load %arg8[%swap3A_427, %swap3A_428, %swap3A_429] {strides = array<i32>} : memref<2x1x64xi32, #tpu.memory_space<vmem>>, vector<1x1x16xi32>,
      %swap3A_431 = vector.shape_cast %swap3A_430 : vector<1x1x16xi32> to vector<16xi32>
      %swap3A_432 = vector.shape_cast %get3A_424 : vector<16xi32> to vector<1x1x16xi32>
      tpu.vector_store %arg8[%swap3A_427, %swap3A_428, %swap3A_429], %swap3A_432 {strides = array<i32>} : memref<2x1x64xi32, #tpu.memory_space<vmem>>, vector<1x1x16xi32>,
      %get3A_433 = arith.constant 1 : i32
      %get3A_434 = arith.constant 0 : i32
      %get3A_435 = arith.index_cast %get3A_433 : i32 to index
      %get3A_436 = arith.index_cast %get3A_434 : i32 to index
      %get3A_437 = arith.constant 112 : index
      %get3A_438 = tpu.vector_load %arg7[%get3A_435, %get3A_436, %get3A_437] {strides = array<i32>} : memref<2x1x128xi32, #tpu.memory_space<vmem>>, vector<1x1x16xi32>,
      %get3A_439 = vector.shape_cast %get3A_438 : vector<1x1x16xi32> to vector<16xi32>
      %swap3A_440 = arith.constant 1 : i32
      %swap3A_441 = arith.constant 0 : i32
      %swap3A_442 = arith.index_cast %swap3A_440 : i32 to index
      %swap3A_443 = arith.index_cast %swap3A_441 : i32 to index
      %swap3A_444 = arith.constant 48 : index
      %swap3A_445 = tpu.vector_load %arg8[%swap3A_442, %swap3A_443, %swap3A_444] {strides = array<i32>} : memref<2x1x64xi32, #tpu.memory_space<vmem>>, vector<1x1x16xi32>,
      %swap3A_446 = vector.shape_cast %swap3A_445 : vector<1x1x16xi32> to vector<16xi32>
      %swap3A_447 = vector.shape_cast %get3A_439 : vector<16xi32> to vector<1x1x16xi32>
      tpu.vector_store %arg8[%swap3A_442, %swap3A_443, %swap3A_444], %swap3A_447 {strides = array<i32>} : memref<2x1x64xi32, #tpu.memory_space<vmem>>, vector<1x1x16xi32>,
      %le3A_448 = arith.constant 78 : i32
      %le3A_449 = arith.cmpi sle, %scan3A_226, %le3A_448 : i32
      %convert_element_type3A_450 = arith.extui %le3A_449 : i1 to i32
      %cond3A_451 = arith.constant 0 : i32
      %cond3A_452 = arith.cmpi ne, %convert_element_type3A_450, %cond3A_451 : i32
      scf.if %cond3A_452 {
        %add3A_474 = arith.constant 2 : i32
        %add3A_475 = arith.addi %add3A_351, %add3A_474 : i32
        %mul3A_476 = arith.constant 160 : i32
        %mul3A_477 = arith.muli %add3A, %mul3A_476 : i32
        %add3A_478 = arith.addi %mul3A_477, %add3A_475 : i32
        %dma_start3A_479 = arith.constant 1 : i32
        %dma_start3A_480 = arith.constant 0 : i32
        %dma_start3A_481 = arith.constant 0 : i32
        %dma_start3A_482 = tpu.memref_slice %arg7[%dma_start3A_479, %dma_start3A_480, %dma_start3A_481] : memref<2x1x128xi32, #tpu.memory_space<vmem>> -> memref<1x1x128xi32, #tpu.memory_space<vmem>>
        %dma_start3A_483 = tpu.memref_squeeze %dma_start3A_482 : memref<1x1x128xi32, #tpu.memory_space<vmem>> -> memref<128xi32, #tpu.memory_space<vmem>>
        %dma_start3A_484 = arith.constant 0 : i32
        %dma_start3A_485 = tpu.memref_slice %arg4[%add3A_478, %dma_start3A_484] : memref<5120x128xi32, #tpu.memory_space<hbm>> -> memref<1x128xi32, #tpu.memory_space<hbm>>
        %dma_start3A_486 = tpu.memref_squeeze %dma_start3A_485 : memref<1x128xi32, #tpu.memory_space<hbm>> -> memref<128xi32, #tpu.memory_space<hbm>>
        %dma_start3A_487 = arith.constant 0 : i32
        %dma_start3A_488 = tpu.memref_slice %arg7[%dma_start3A_479, %dma_start3A_480, %dma_start3A_487] : memref<2x1x128xi32, #tpu.memory_space<vmem>> -> memref<1x1x128xi32, #tpu.memory_space<vmem>>
        %dma_start3A_489 = tpu.memref_squeeze %dma_start3A_488 : memref<1x1x128xi32, #tpu.memory_space<vmem>> -> memref<128xi32, #tpu.memory_space<vmem>>
        %dma_start3A_490 = arith.constant 0 : i32
        %dma_start3A_491 = tpu.memref_slice %arg4[%add3A_478, %dma_start3A_490] : memref<5120x128xi32, #tpu.memory_space<hbm>> -> memref<1x128xi32, #tpu.memory_space<hbm>>
        %dma_start3A_492 = tpu.memref_squeeze %dma_start3A_491 : memref<1x128xi32, #tpu.memory_space<hbm>> -> memref<128xi32, #tpu.memory_space<hbm>>
        tpu.enqueue_dma source(%dma_start3A_492 : memref<128xi32, #tpu.memory_space<hbm>>) target(%dma_start3A_489 : memref<128xi32, #tpu.memory_space<vmem>>) target_semaphore(%arg19 : memref<!tpu.dma_semaphore, #tpu.memory_space<semaphore_mem>>)
      } else {
      }
      %parallel_loop3A_453 = arith.constant 0 : i32
      %parallel_loop3A_454 = arith.constant 64 : i32
      %parallel_loop3A_455 = arith.constant 1 : i32
      scf.for %parallel_loop3A_474 = %parallel_loop3A_453 to %parallel_loop3A_454 step %parallel_loop3A_455  : i32 {
        %parallel_loop3A_475 = arith.constant 1 : i32
        %parallel_loop3A_476 = arith.index_cast %parallel_loop3A_475 : i32 to index
        %parallel_loop3A_477 = arith.index_cast %parallel_loop3A_474 : i32 to index
        %parallel_loop3A_478 = arith.constant 0 : index
        %parallel_loop3A_479 = tpu.vector_load %arg9[%parallel_loop3A_476, %parallel_loop3A_477, %parallel_loop3A_478] {strides = array<i32>} : memref<2x64x128xf32, #tpu.memory_space<vmem>>, vector<1x1x16xf32>,
        %parallel_loop3A_480 = vector.shape_cast %parallel_loop3A_479 : vector<1x1x16xf32> to vector<16xf32>
        %parallel_loop3A_481 = arith.constant 1 : i32
        %parallel_loop3A_482 = arith.index_cast %parallel_loop3A_481 : i32 to index
        %parallel_loop3A_483 = arith.index_cast %parallel_loop3A_474 : i32 to index
        %parallel_loop3A_484 = arith.constant 0 : index
        %parallel_loop3A_485 = tpu.vector_load %arg10[%parallel_loop3A_482, %parallel_loop3A_483, %parallel_loop3A_484] {strides = array<i32>} : memref<2x64x128xf32, #tpu.memory_space<vmem>>, vector<1x1x16xf32>,
        %parallel_loop3A_486 = vector.shape_cast %parallel_loop3A_485 : vector<1x1x16xf32> to vector<16xf32>
        %parallel_loop3A_487 = arith.mulf %parallel_loop3A_480, %parallel_loop3A_486 : vector<16xf32>
        %parallel_loop3A_488 = arith.constant 1 : i32
        %parallel_loop3A_489 = arith.index_cast %parallel_loop3A_488 : i32 to index
        %parallel_loop3A_490 = arith.index_cast %parallel_loop3A_474 : i32 to index
        %parallel_loop3A_491 = arith.constant 0 : index
        %parallel_loop3A_492 = tpu.vector_load %arg11[%parallel_loop3A_489, %parallel_loop3A_490, %parallel_loop3A_491] {strides = array<i32>} : memref<2x64x128xf32, #tpu.memory_space<vmem>>, vector<1x1x16xf32>,
        %parallel_loop3A_493 = vector.shape_cast %parallel_loop3A_492 : vector<1x1x16xf32> to vector<16xf32>
        %parallel_loop3A_494 = vector.shape_cast %parallel_loop3A_487 : vector<16xf32> to vector<1x1x16xf32>
        tpu.vector_store %arg11[%parallel_loop3A_489, %parallel_loop3A_490, %parallel_loop3A_491], %parallel_loop3A_494 {strides = array<i32>} : memref<2x64x128xf32, #tpu.memory_space<vmem>>, vector<1x1x16xf32>,
        %parallel_loop3A_495 = arith.constant 1 : i32
        %parallel_loop3A_496 = arith.index_cast %parallel_loop3A_495 : i32 to index
        %parallel_loop3A_497 = arith.index_cast %parallel_loop3A_474 : i32 to index
        %parallel_loop3A_498 = arith.constant 16 : index
        %parallel_loop3A_499 = tpu.vector_load %arg9[%parallel_loop3A_496, %parallel_loop3A_497, %parallel_loop3A_498] {strides = array<i32>} : memref<2x64x128xf32, #tpu.memory_space<vmem>>, vector<1x1x16xf32>,
        %parallel_loop3A_500 = vector.shape_cast %parallel_loop3A_499 : vector<1x1x16xf32> to vector<16xf32>
        %parallel_loop3A_501 = arith.constant 1 : i32
        %parallel_loop3A_502 = arith.index_cast %parallel_loop3A_501 : i32 to index
        %parallel_loop3A_503 = arith.index_cast %parallel_loop3A_474 : i32 to index
        %parallel_loop3A_504 = arith.constant 16 : index
        %parallel_loop3A_505 = tpu.vector_load %arg10[%parallel_loop3A_502, %parallel_loop3A_503, %parallel_loop3A_504] {strides = array<i32>} : memref<2x64x128xf32, #tpu.memory_space<vmem>>, vector<1x1x16xf32>,
        %parallel_loop3A_506 = vector.shape_cast %parallel_loop3A_505 : vector<1x1x16xf32> to vector<16xf32>
        %parallel_loop3A_507 = arith.mulf %parallel_loop3A_500, %parallel_loop3A_506 : vector<16xf32>
        %parallel_loop3A_508 = arith.constant 1 : i32
        %parallel_loop3A_509 = arith.index_cast %parallel_loop3A_508 : i32 to index
        %parallel_loop3A_510 = arith.index_cast %parallel_loop3A_474 : i32 to index
        %parallel_loop3A_511 = arith.constant 16 : index
        %parallel_loop3A_512 = tpu.vector_load %arg11[%parallel_loop3A_509, %parallel_loop3A_510, %parallel_loop3A_511] {strides = array<i32>} : memref<2x64x128xf32, #tpu.memory_space<vmem>>, vector<1x1x16xf32>,
        %parallel_loop3A_513 = vector.shape_cast %parallel_loop3A_512 : vector<1x1x16xf32> to vector<16xf32>
        %parallel_loop3A_514 = vector.shape_cast %parallel_loop3A_507 : vector<16xf32> to vector<1x1x16xf32>
        tpu.vector_store %arg11[%parallel_loop3A_509, %parallel_loop3A_510, %parallel_loop3A_511], %parallel_loop3A_514 {strides = array<i32>} : memref<2x64x128xf32, #tpu.memory_space<vmem>>, vector<1x1x16xf32>,
        %parallel_loop3A_515 = arith.constant 1 : i32
        %parallel_loop3A_516 = arith.index_cast %parallel_loop3A_515 : i32 to index
        %parallel_loop3A_517 = arith.index_cast %parallel_loop3A_474 : i32 to index
        %parallel_loop3A_518 = arith.constant 32 : index
        %parallel_loop3A_519 = tpu.vector_load %arg9[%parallel_loop3A_516, %parallel_loop3A_517, %parallel_loop3A_518] {strides = array<i32>} : memref<2x64x128xf32, #tpu.memory_space<vmem>>, vector<1x1x16xf32>,
        %parallel_loop3A_520 = vector.shape_cast %parallel_loop3A_519 : vector<1x1x16xf32> to vector<16xf32>
        %parallel_loop3A_521 = arith.constant 1 : i32
        %parallel_loop3A_522 = arith.index_cast %parallel_loop3A_521 : i32 to index
        %parallel_loop3A_523 = arith.index_cast %parallel_loop3A_474 : i32 to index
        %parallel_loop3A_524 = arith.constant 32 : index
        %parallel_loop3A_525 = tpu.vector_load %arg10[%parallel_loop3A_522, %parallel_loop3A_523, %parallel_loop3A_524] {strides = array<i32>} : memref<2x64x128xf32, #tpu.memory_space<vmem>>, vector<1x1x16xf32>,
        %parallel_loop3A_526 = vector.shape_cast %parallel_loop3A_525 : vector<1x1x16xf32> to vector<16xf32>
        %parallel_loop3A_527 = arith.mulf %parallel_loop3A_520, %parallel_loop3A_526 : vector<16xf32>
        %parallel_loop3A_528 = arith.constant 1 : i32
        %parallel_loop3A_529 = arith.index_cast %parallel_loop3A_528 : i32 to index
        %parallel_loop3A_530 = arith.index_cast %parallel_loop3A_474 : i32 to index
        %parallel_loop3A_531 = arith.constant 32 : index
        %parallel_loop3A_532 = tpu.vector_load %arg11[%parallel_loop3A_529, %parallel_loop3A_530, %parallel_loop3A_531] {strides = array<i32>} : memref<2x64x128xf32, #tpu.memory_space<vmem>>, vector<1x1x16xf32>,
        %parallel_loop3A_533 = vector.shape_cast %parallel_loop3A_532 : vector<1x1x16xf32> to vector<16xf32>
        %parallel_loop3A_534 = vector.shape_cast %parallel_loop3A_527 : vector<16xf32> to vector<1x1x16xf32>
        tpu.vector_store %arg11[%parallel_loop3A_529, %parallel_loop3A_530, %parallel_loop3A_531], %parallel_loop3A_534 {strides = array<i32>} : memref<2x64x128xf32, #tpu.memory_space<vmem>>, vector<1x1x16xf32>,
        %parallel_loop3A_535 = arith.constant 1 : i32
        %parallel_loop3A_536 = arith.index_cast %parallel_loop3A_535 : i32 to index
        %parallel_loop3A_537 = arith.index_cast %parallel_loop3A_474 : i32 to index
        %parallel_loop3A_538 = arith.constant 48 : index
        %parallel_loop3A_539 = tpu.vector_load %arg9[%parallel_loop3A_536, %parallel_loop3A_537, %parallel_loop3A_538] {strides = array<i32>} : memref<2x64x128xf32, #tpu.memory_space<vmem>>, vector<1x1x16xf32>,
        %parallel_loop3A_540 = vector.shape_cast %parallel_loop3A_539 : vector<1x1x16xf32> to vector<16xf32>
        %parallel_loop3A_541 = arith.constant 1 : i32
        %parallel_loop3A_542 = arith.index_cast %parallel_loop3A_541 : i32 to index
        %parallel_loop3A_543 = arith.index_cast %parallel_loop3A_474 : i32 to index
        %parallel_loop3A_544 = arith.constant 48 : index
        %parallel_loop3A_545 = tpu.vector_load %arg10[%parallel_loop3A_542, %parallel_loop3A_543, %parallel_loop3A_544] {strides = array<i32>} : memref<2x64x128xf32, #tpu.memory_space<vmem>>, vector<1x1x16xf32>,
        %parallel_loop3A_546 = vector.shape_cast %parallel_loop3A_545 : vector<1x1x16xf32> to vector<16xf32>
        %parallel_loop3A_547 = arith.mulf %parallel_loop3A_540, %parallel_loop3A_546 : vector<16xf32>
        %parallel_loop3A_548 = arith.constant 1 : i32
        %parallel_loop3A_549 = arith.index_cast %parallel_loop3A_548 : i32 to index
        %parallel_loop3A_550 = arith.index_cast %parallel_loop3A_474 : i32 to index
        %parallel_loop3A_551 = arith.constant 48 : index
        %parallel_loop3A_552 = tpu.vector_load %arg11[%parallel_loop3A_549, %parallel_loop3A_550, %parallel_loop3A_551] {strides = array<i32>} : memref<2x64x128xf32, #tpu.memory_space<vmem>>, vector<1x1x16xf32>,
        %parallel_loop3A_553 = vector.shape_cast %parallel_loop3A_552 : vector<1x1x16xf32> to vector<16xf32>
        %parallel_loop3A_554 = vector.shape_cast %parallel_loop3A_547 : vector<16xf32> to vector<1x1x16xf32>
        tpu.vector_store %arg11[%parallel_loop3A_549, %parallel_loop3A_550, %parallel_loop3A_551], %parallel_loop3A_554 {strides = array<i32>} : memref<2x64x128xf32, #tpu.memory_space<vmem>>, vector<1x1x16xf32>,
        %parallel_loop3A_555 = arith.constant 1 : i32
        %parallel_loop3A_556 = arith.index_cast %parallel_loop3A_555 : i32 to index
        %parallel_loop3A_557 = arith.index_cast %parallel_loop3A_474 : i32 to index
        %parallel_loop3A_558 = arith.constant 64 : index
        %parallel_loop3A_559 = tpu.vector_load %arg9[%parallel_loop3A_556, %parallel_loop3A_557, %parallel_loop3A_558] {strides = array<i32>} : memref<2x64x128xf32, #tpu.memory_space<vmem>>, vector<1x1x16xf32>,
        %parallel_loop3A_560 = vector.shape_cast %parallel_loop3A_559 : vector<1x1x16xf32> to vector<16xf32>
        %parallel_loop3A_561 = arith.constant 1 : i32
        %parallel_loop3A_562 = arith.index_cast %parallel_loop3A_561 : i32 to index
        %parallel_loop3A_563 = arith.index_cast %parallel_loop3A_474 : i32 to index
        %parallel_loop3A_564 = arith.constant 64 : index
        %parallel_loop3A_565 = tpu.vector_load %arg10[%parallel_loop3A_562, %parallel_loop3A_563, %parallel_loop3A_564] {strides = array<i32>} : memref<2x64x128xf32, #tpu.memory_space<vmem>>, vector<1x1x16xf32>,
        %parallel_loop3A_566 = vector.shape_cast %parallel_loop3A_565 : vector<1x1x16xf32> to vector<16xf32>
        %parallel_loop3A_567 = arith.mulf %parallel_loop3A_560, %parallel_loop3A_566 : vector<16xf32>
        %parallel_loop3A_568 = arith.constant 1 : i32
        %parallel_loop3A_569 = arith.index_cast %parallel_loop3A_568 : i32 to index
        %parallel_loop3A_570 = arith.index_cast %parallel_loop3A_474 : i32 to index
        %parallel_loop3A_571 = arith.constant 64 : index
        %parallel_loop3A_572 = tpu.vector_load %arg11[%parallel_loop3A_569, %parallel_loop3A_570, %parallel_loop3A_571] {strides = array<i32>} : memref<2x64x128xf32, #tpu.memory_space<vmem>>, vector<1x1x16xf32>,
        %parallel_loop3A_573 = vector.shape_cast %parallel_loop3A_572 : vector<1x1x16xf32> to vector<16xf32>
        %parallel_loop3A_574 = vector.shape_cast %parallel_loop3A_567 : vector<16xf32> to vector<1x1x16xf32>
        tpu.vector_store %arg11[%parallel_loop3A_569, %parallel_loop3A_570, %parallel_loop3A_571], %parallel_loop3A_574 {strides = array<i32>} : memref<2x64x128xf32, #tpu.memory_space<vmem>>, vector<1x1x16xf32>,
        %parallel_loop3A_575 = arith.constant 1 : i32
        %parallel_loop3A_576 = arith.index_cast %parallel_loop3A_575 : i32 to index
        %parallel_loop3A_577 = arith.index_cast %parallel_loop3A_474 : i32 to index
        %parallel_loop3A_578 = arith.constant 80 : index
        %parallel_loop3A_579 = tpu.vector_load %arg9[%parallel_loop3A_576, %parallel_loop3A_577, %parallel_loop3A_578] {strides = array<i32>} : memref<2x64x128xf32, #tpu.memory_space<vmem>>, vector<1x1x16xf32>,
        %parallel_loop3A_580 = vector.shape_cast %parallel_loop3A_579 : vector<1x1x16xf32> to vector<16xf32>
        %parallel_loop3A_581 = arith.constant 1 : i32
        %parallel_loop3A_582 = arith.index_cast %parallel_loop3A_581 : i32 to index
        %parallel_loop3A_583 = arith.index_cast %parallel_loop3A_474 : i32 to index
        %parallel_loop3A_584 = arith.constant 80 : index
        %parallel_loop3A_585 = tpu.vector_load %arg10[%parallel_loop3A_582, %parallel_loop3A_583, %parallel_loop3A_584] {strides = array<i32>} : memref<2x64x128xf32, #tpu.memory_space<vmem>>, vector<1x1x16xf32>,
        %parallel_loop3A_586 = vector.shape_cast %parallel_loop3A_585 : vector<1x1x16xf32> to vector<16xf32>
        %parallel_loop3A_587 = arith.mulf %parallel_loop3A_580, %parallel_loop3A_586 : vector<16xf32>
        %parallel_loop3A_588 = arith.constant 1 : i32
        %parallel_loop3A_589 = arith.index_cast %parallel_loop3A_588 : i32 to index
        %parallel_loop3A_590 = arith.index_cast %parallel_loop3A_474 : i32 to index
        %parallel_loop3A_591 = arith.constant 80 : index
        %parallel_loop3A_592 = tpu.vector_load %arg11[%parallel_loop3A_589, %parallel_loop3A_590, %parallel_loop3A_591] {strides = array<i32>} : memref<2x64x128xf32, #tpu.memory_space<vmem>>, vector<1x1x16xf32>,
        %parallel_loop3A_593 = vector.shape_cast %parallel_loop3A_592 : vector<1x1x16xf32> to vector<16xf32>
        %parallel_loop3A_594 = vector.shape_cast %parallel_loop3A_587 : vector<16xf32> to vector<1x1x16xf32>
        tpu.vector_store %arg11[%parallel_loop3A_589, %parallel_loop3A_590, %parallel_loop3A_591], %parallel_loop3A_594 {strides = array<i32>} : memref<2x64x128xf32, #tpu.memory_space<vmem>>, vector<1x1x16xf32>,
        %parallel_loop3A_595 = arith.constant 1 : i32
        %parallel_loop3A_596 = arith.index_cast %parallel_loop3A_595 : i32 to index
        %parallel_loop3A_597 = arith.index_cast %parallel_loop3A_474 : i32 to index
        %parallel_loop3A_598 = arith.constant 96 : index
        %parallel_loop3A_599 = tpu.vector_load %arg9[%parallel_loop3A_596, %parallel_loop3A_597, %parallel_loop3A_598] {strides = array<i32>} : memref<2x64x128xf32, #tpu.memory_space<vmem>>, vector<1x1x16xf32>,
        %parallel_loop3A_600 = vector.shape_cast %parallel_loop3A_599 : vector<1x1x16xf32> to vector<16xf32>
        %parallel_loop3A_601 = arith.constant 1 : i32
        %parallel_loop3A_602 = arith.index_cast %parallel_loop3A_601 : i32 to index
        %parallel_loop3A_603 = arith.index_cast %parallel_loop3A_474 : i32 to index
        %parallel_loop3A_604 = arith.constant 96 : index
        %parallel_loop3A_605 = tpu.vector_load %arg10[%parallel_loop3A_602, %parallel_loop3A_603, %parallel_loop3A_604] {strides = array<i32>} : memref<2x64x128xf32, #tpu.memory_space<vmem>>, vector<1x1x16xf32>,
        %parallel_loop3A_606 = vector.shape_cast %parallel_loop3A_605 : vector<1x1x16xf32> to vector<16xf32>
        %parallel_loop3A_607 = arith.mulf %parallel_loop3A_600, %parallel_loop3A_606 : vector<16xf32>
        %parallel_loop3A_608 = arith.constant 1 : i32
        %parallel_loop3A_609 = arith.index_cast %parallel_loop3A_608 : i32 to index
        %parallel_loop3A_610 = arith.index_cast %parallel_loop3A_474 : i32 to index
        %parallel_loop3A_611 = arith.constant 96 : index
        %parallel_loop3A_612 = tpu.vector_load %arg11[%parallel_loop3A_609, %parallel_loop3A_610, %parallel_loop3A_611] {strides = array<i32>} : memref<2x64x128xf32, #tpu.memory_space<vmem>>, vector<1x1x16xf32>,
        %parallel_loop3A_613 = vector.shape_cast %parallel_loop3A_612 : vector<1x1x16xf32> to vector<16xf32>
        %parallel_loop3A_614 = vector.shape_cast %parallel_loop3A_607 : vector<16xf32> to vector<1x1x16xf32>
        tpu.vector_store %arg11[%parallel_loop3A_609, %parallel_loop3A_610, %parallel_loop3A_611], %parallel_loop3A_614 {strides = array<i32>} : memref<2x64x128xf32, #tpu.memory_space<vmem>>, vector<1x1x16xf32>,
        %parallel_loop3A_615 = arith.constant 1 : i32
        %parallel_loop3A_616 = arith.index_cast %parallel_loop3A_615 : i32 to index
        %parallel_loop3A_617 = arith.index_cast %parallel_loop3A_474 : i32 to index
        %parallel_loop3A_618 = arith.constant 112 : index
        %parallel_loop3A_619 = tpu.vector_load %arg9[%parallel_loop3A_616, %parallel_loop3A_617, %parallel_loop3A_618] {strides = array<i32>} : memref<2x64x128xf32, #tpu.memory_space<vmem>>, vector<1x1x16xf32>,
        %parallel_loop3A_620 = vector.shape_cast %parallel_loop3A_619 : vector<1x1x16xf32> to vector<16xf32>
        %parallel_loop3A_621 = arith.constant 1 : i32
        %parallel_loop3A_622 = arith.index_cast %parallel_loop3A_621 : i32 to index
        %parallel_loop3A_623 = arith.index_cast %parallel_loop3A_474 : i32 to index
        %parallel_loop3A_624 = arith.constant 112 : index
        %parallel_loop3A_625 = tpu.vector_load %arg10[%parallel_loop3A_622, %parallel_loop3A_623, %parallel_loop3A_624] {strides = array<i32>} : memref<2x64x128xf32, #tpu.memory_space<vmem>>, vector<1x1x16xf32>,
        %parallel_loop3A_626 = vector.shape_cast %parallel_loop3A_625 : vector<1x1x16xf32> to vector<16xf32>
        %parallel_loop3A_627 = arith.mulf %parallel_loop3A_620, %parallel_loop3A_626 : vector<16xf32>
        %parallel_loop3A_628 = arith.constant 1 : i32
        %parallel_loop3A_629 = arith.index_cast %parallel_loop3A_628 : i32 to index
        %parallel_loop3A_630 = arith.index_cast %parallel_loop3A_474 : i32 to index
        %parallel_loop3A_631 = arith.constant 112 : index
        %parallel_loop3A_632 = tpu.vector_load %arg11[%parallel_loop3A_629, %parallel_loop3A_630, %parallel_loop3A_631] {strides = array<i32>} : memref<2x64x128xf32, #tpu.memory_space<vmem>>, vector<1x1x16xf32>,
        %parallel_loop3A_633 = vector.shape_cast %parallel_loop3A_632 : vector<1x1x16xf32> to vector<16xf32>
        %parallel_loop3A_634 = vector.shape_cast %parallel_loop3A_627 : vector<16xf32> to vector<1x1x16xf32>
        tpu.vector_store %arg11[%parallel_loop3A_629, %parallel_loop3A_630, %parallel_loop3A_631], %parallel_loop3A_634 {strides = array<i32>} : memref<2x64x128xf32, #tpu.memory_space<vmem>>, vector<1x1x16xf32>,
      } {sc.loop_unroll_factor = 2 : i64, sc.parallel_access}
      %dma_start3A_456 = arith.constant 1 : i32
      %dma_start3A_457 = arith.constant 1 : i32
      %dma_start3A_458 = arith.constant 0 : i32
      %dma_start3A_459 = arith.constant 0 : i32
      %dma_start3A_460 = arith.constant 0 : i32
      %dma_start3A_461 = tpu.memref_slice %arg11[%dma_start3A_456, %dma_start3A_459, %dma_start3A_460] : memref<2x64x128xf32, #tpu.memory_space<vmem>> -> memref<1x64x128xf32, #tpu.memory_space<vmem>>
      %dma_start3A_462 = tpu.memref_squeeze %dma_start3A_461 : memref<1x64x128xf32, #tpu.memory_space<vmem>> -> memref<64x128xf32, #tpu.memory_space<vmem>>
      %dma_start3A_463 = arith.constant 0 : i32
      %dma_start3A_464 = tpu.memref_slice %arg8[%dma_start3A_457, %dma_start3A_458, %dma_start3A_463] : memref<2x1x64xi32, #tpu.memory_space<vmem>> -> memref<1x1x64xi32, #tpu.memory_space<vmem>>
      %dma_start3A_465 = tpu.memref_squeeze %dma_start3A_464 : memref<1x1x64xi32, #tpu.memory_space<vmem>> -> memref<64xi32, #tpu.memory_space<vmem>>
      %dma_start3A_466 = arith.constant 0 : i32
      %dma_start3A_467 = arith.constant 0 : i32
      %dma_start3A_468 = tpu.memref_slice %arg20[%dma_start3A_466, %dma_start3A_467] : memref<10112x128xf32, #tpu.memory_space<vmem_shared>> -> memref<10112x128xf32, #tpu.memory_space<vmem_shared>>
      tpu.enqueue_indirect_dma source(%dma_start3A_462 : memref<64x128xf32, #tpu.memory_space<vmem>>) target(%dma_start3A_468 : memref<10112x128xf32, #tpu.memory_space<vmem_shared>>) offsets(%dma_start3A_465 : memref<64xi32, #tpu.memory_space<vmem>>) semaphore(%arg17 : memref<!tpu.dma_semaphore, #tpu.memory_space<semaphore_mem>>) {add = true}
      %le3A_469 = arith.constant 78 : i32
      %le3A_470 = arith.cmpi sle, %scan3A_226, %le3A_469 : i32
      %convert_element_type3A_471 = arith.extui %le3A_470 : i1 to i32
      %cond3A_472 = arith.constant 0 : i32
      %cond3A_473 = arith.cmpi ne, %convert_element_type3A_471, %cond3A_472 : i32
      scf.if %cond3A_473 {
        %add3A_474 = arith.constant 2 : i32
        %add3A_475 = arith.addi %add3A_351, %add3A_474 : i32
        %mul3A_476 = arith.constant 160 : i32
        %mul3A_477 = arith.muli %add3A, %mul3A_476 : i32
        %add3A_478 = arith.addi %mul3A_477, %add3A_475 : i32
        %dma_wait3A_479 = arith.constant 1 : i32
        %dma_wait3A_480 = arith.constant 0 : i32
        %dma_wait3A_481 = arith.constant 0 : i32
        %dma_wait3A_482 = tpu.memref_slice %arg7[%dma_wait3A_479, %dma_wait3A_480, %dma_wait3A_481] : memref<2x1x128xi32, #tpu.memory_space<vmem>> -> memref<1x1x128xi32, #tpu.memory_space<vmem>>
        %dma_wait3A_483 = tpu.memref_squeeze %dma_wait3A_482 : memref<1x1x128xi32, #tpu.memory_space<vmem>> -> memref<128xi32, #tpu.memory_space<vmem>>
        %dma_wait3A_484 = arith.constant 0 : i32
        %dma_wait3A_485 = tpu.memref_slice %arg4[%add3A_478, %dma_wait3A_484] : memref<5120x128xi32, #tpu.memory_space<hbm>> -> memref<1x128xi32, #tpu.memory_space<hbm>>
        %dma_wait3A_486 = tpu.memref_squeeze %dma_wait3A_485 : memref<1x128xi32, #tpu.memory_space<hbm>> -> memref<128xi32, #tpu.memory_space<hbm>>
        %dma_wait3A_487 = arith.constant 0 : i32
        %dma_wait3A_488 = tpu.memref_slice %arg7[%dma_wait3A_479, %dma_wait3A_480, %dma_wait3A_487] : memref<2x1x128xi32, #tpu.memory_space<vmem>> -> memref<1x1x128xi32, #tpu.memory_space<vmem>>
        %dma_wait3A_489 = tpu.memref_squeeze %dma_wait3A_488 : memref<1x1x128xi32, #tpu.memory_space<vmem>> -> memref<128xi32, #tpu.memory_space<vmem>>
        %dma_wait3A_490 = arith.constant 0 : i32
        %dma_wait3A_491 = tpu.memref_slice %arg4[%add3A_478, %dma_wait3A_490] : memref<5120x128xi32, #tpu.memory_space<hbm>> -> memref<1x128xi32, #tpu.memory_space<hbm>>
        %dma_wait3A_492 = tpu.memref_squeeze %dma_wait3A_491 : memref<1x128xi32, #tpu.memory_space<hbm>> -> memref<128xi32, #tpu.memory_space<hbm>>
        tpu.wait_dma2 semaphore(%arg19 : memref<!tpu.dma_semaphore, #tpu.memory_space<semaphore_mem>>) src(%dma_wait3A_492 : memref<128xi32, #tpu.memory_space<hbm>>) dst(%dma_wait3A_489 : memref<128xi32, #tpu.memory_space<vmem>>)
        %add3A_493 = arith.constant 2 : i32
        %add3A_494 = arith.addi %add3A_351, %add3A_493 : i32
        %dma_start3A_495 = arith.constant 1 : i32
        %dma_start3A_496 = arith.constant 0 : i32
        %dma_start3A_497 = arith.constant 1 : i32
        %dma_start3A_498 = arith.constant 0 : i32
        %dma_start3A_499 = arith.constant 0 : i32
        %dma_start3A_500 = tpu.memref_slice %arg9[%dma_start3A_497, %dma_start3A_498, %dma_start3A_499] : memref<2x64x128xf32, #tpu.memory_space<vmem>> -> memref<1x64x128xf32, #tpu.memory_space<vmem>>
        %dma_start3A_501 = tpu.memref_squeeze %dma_start3A_500 : memref<1x64x128xf32, #tpu.memory_space<vmem>> -> memref<64x128xf32, #tpu.memory_space<vmem>>
        %dma_start3A_502 = arith.constant 0 : i32
        %dma_start3A_503 = tpu.memref_slice %arg7[%dma_start3A_495, %dma_start3A_496, %dma_start3A_502] : memref<2x1x128xi32, #tpu.memory_space<vmem>> -> memref<1x1x64xi32, #tpu.memory_space<vmem>>
        %dma_start3A_504 = tpu.memref_squeeze %dma_start3A_503 : memref<1x1x64xi32, #tpu.memory_space<vmem>> -> memref<64xi32, #tpu.memory_space<vmem>>
        %dma_start3A_505 = arith.constant 0 : i32
        %dma_start3A_506 = arith.constant 0 : i32
        %dma_start3A_507 = tpu.memref_slice %arg2[%dma_start3A_505, %dma_start3A_506] : memref<10000x128xf32, #tpu.memory_space<hbm>> -> memref<10000x128xf32, #tpu.memory_space<hbm>>
        tpu.enqueue_indirect_dma source(%dma_start3A_507 : memref<10000x128xf32, #tpu.memory_space<hbm>>) target(%dma_start3A_501 : memref<64x128xf32, #tpu.memory_space<vmem>>) offsets(%dma_start3A_504 : memref<64xi32, #tpu.memory_space<vmem>>) semaphore(%arg13 : memref<!tpu.dma_semaphore, #tpu.memory_space<semaphore_mem>>)
        %add3A_508 = arith.constant 2 : i32
        %add3A_509 = arith.addi %add3A_351, %add3A_508 : i32
        %mul3A_510 = arith.constant 10240 : i32
        %mul3A_511 = arith.muli %add3A, %mul3A_510 : i32
        %mul3A_512 = arith.constant 64 : i32
        %mul3A_513 = arith.muli %add3A_509, %mul3A_512 : i32
        %add3A_514 = arith.addi %mul3A_511, %mul3A_513 : i32
        %dma_start3A_515 = arith.constant 1 : i32
        %dma_start3A_516 = arith.constant 0 : i32
        %dma_start3A_517 = arith.constant 0 : i32
        %dma_start3A_518 = tpu.memref_slice %arg10[%dma_start3A_515, %dma_start3A_516, %dma_start3A_517] : memref<2x64x128xf32, #tpu.memory_space<vmem>> -> memref<1x64x128xf32, #tpu.memory_space<vmem>>
        %dma_start3A_519 = tpu.memref_squeeze %dma_start3A_518 : memref<1x64x128xf32, #tpu.memory_space<vmem>> -> memref<64x128xf32, #tpu.memory_space<vmem>>
        %dma_start3A_520 = arith.constant 0 : i32
        %dma_start3A_521 = tpu.memref_slice %arg3[%add3A_514, %dma_start3A_520] : memref<328000x128xf32, #tpu.memory_space<hbm>> -> memref<64x128xf32, #tpu.memory_space<hbm>>
        %dma_start3A_522 = arith.constant 0 : i32
        %dma_start3A_523 = arith.constant 0 : i32
        %dma_start3A_524 = tpu.memref_slice %arg10[%dma_start3A_515, %dma_start3A_522, %dma_start3A_523] : memref<2x64x128xf32, #tpu.memory_space<vmem>> -> memref<1x64x128xf32, #tpu.memory_space<vmem>>
        %dma_start3A_525 = tpu.memref_squeeze %dma_start3A_524 : memref<1x64x128xf32, #tpu.memory_space<vmem>> -> memref<64x128xf32, #tpu.memory_space<vmem>>
        %dma_start3A_526 = arith.constant 0 : i32
        %dma_start3A_527 = tpu.memref_slice %arg3[%add3A_514, %dma_start3A_526] : memref<328000x128xf32, #tpu.memory_space<hbm>> -> memref<64x128xf32, #tpu.memory_space<hbm>>
        tpu.enqueue_dma source(%dma_start3A_527 : memref<64x128xf32, #tpu.memory_space<hbm>>) target(%dma_start3A_525 : memref<64x128xf32, #tpu.memory_space<vmem>>) target_semaphore(%arg15 : memref<!tpu.dma_semaphore, #tpu.memory_space<semaphore_mem>>)
      } else {
      }
    }
    %scan3A_191 = arith.constant 80 : i32
    %dma_wait3A_192 = arith.constant 0 : i32
    %dma_wait3A_193 = arith.constant 0 : i32
    %dma_wait3A_194 = arith.constant 0 : i32
    %dma_wait3A_195 = arith.constant 0 : i32
    %dma_wait3A_196 = arith.constant 0 : i32
    %dma_wait3A_197 = tpu.memref_slice %arg11[%dma_wait3A_192, %dma_wait3A_195, %dma_wait3A_196] : memref<2x64x128xf32, #tpu.memory_space<vmem>> -> memref<1x64x128xf32, #tpu.memory_space<vmem>>
    %dma_wait3A_198 = tpu.memref_squeeze %dma_wait3A_197 : memref<1x64x128xf32, #tpu.memory_space<vmem>> -> memref<64x128xf32, #tpu.memory_space<vmem>>
    %dma_wait3A_199 = arith.constant 0 : i32
    %dma_wait3A_200 = tpu.memref_slice %arg8[%dma_wait3A_193, %dma_wait3A_194, %dma_wait3A_199] : memref<2x1x64xi32, #tpu.memory_space<vmem>> -> memref<1x1x64xi32, #tpu.memory_space<vmem>>
    %dma_wait3A_201 = tpu.memref_squeeze %dma_wait3A_200 : memref<1x1x64xi32, #tpu.memory_space<vmem>> -> memref<64xi32, #tpu.memory_space<vmem>>
    %dma_wait3A_202 = arith.constant 0 : i32
    %dma_wait3A_203 = arith.constant 0 : i32
    %dma_wait3A_204 = tpu.memref_slice %arg20[%dma_wait3A_202, %dma_wait3A_203] : memref<10112x128xf32, #tpu.memory_space<vmem_shared>> -> memref<10112x128xf32, #tpu.memory_space<vmem_shared>>
    tpu.wait_indirect_dma semaphore(%arg16 : memref<!tpu.dma_semaphore, #tpu.memory_space<semaphore_mem>>) src(%dma_wait3A_198 : memref<64x128xf32, #tpu.memory_space<vmem>>) dst(%dma_wait3A_204 : memref<10112x128xf32, #tpu.memory_space<vmem_shared>>)
    %dma_wait3A_205 = arith.constant 1 : i32
    %dma_wait3A_206 = arith.constant 1 : i32
    %dma_wait3A_207 = arith.constant 0 : i32
    %dma_wait3A_208 = arith.constant 0 : i32
    %dma_wait3A_209 = arith.constant 0 : i32
    %dma_wait3A_210 = tpu.memref_slice %arg11[%dma_wait3A_205, %dma_wait3A_208, %dma_wait3A_209] : memref<2x64x128xf32, #tpu.memory_space<vmem>> -> memref<1x64x128xf32, #tpu.memory_space<vmem>>
    %dma_wait3A_211 = tpu.memref_squeeze %dma_wait3A_210 : memref<1x64x128xf32, #tpu.memory_space<vmem>> -> memref<64x128xf32, #tpu.memory_space<vmem>>
    %dma_wait3A_212 = arith.constant 0 : i32
    %dma_wait3A_213 = tpu.memref_slice %arg8[%dma_wait3A_206, %dma_wait3A_207, %dma_wait3A_212] : memref<2x1x64xi32, #tpu.memory_space<vmem>> -> memref<1x1x64xi32, #tpu.memory_space<vmem>>
    %dma_wait3A_214 = tpu.memref_squeeze %dma_wait3A_213 : memref<1x1x64xi32, #tpu.memory_space<vmem>> -> memref<64xi32, #tpu.memory_space<vmem>>
    %dma_wait3A_215 = arith.constant 0 : i32
    %dma_wait3A_216 = arith.constant 0 : i32
    %dma_wait3A_217 = tpu.memref_slice %arg20[%dma_wait3A_215, %dma_wait3A_216] : memref<10112x128xf32, #tpu.memory_space<vmem_shared>> -> memref<10112x128xf32, #tpu.memory_space<vmem_shared>>
    tpu.wait_indirect_dma semaphore(%arg17 : memref<!tpu.dma_semaphore, #tpu.memory_space<semaphore_mem>>) src(%dma_wait3A_211 : memref<64x128xf32, #tpu.memory_space<vmem>>) dst(%dma_wait3A_217 : memref<10112x128xf32, #tpu.memory_space<vmem_shared>>)
    %barrier3A_218 = arith.constant 0 : index
    tpu.barrier barrier_id(%barrier3A_218)
    %eq3A = arith.constant 0 : i32
    %eq3A_219 = arith.cmpi eq, %arg0, %eq3A : i32
    %convert_element_type3A = arith.extui %eq3A_219 : i1 to i32
    %cond3A = arith.constant 0 : i32
    %cond3A_220 = arith.cmpi ne, %convert_element_type3A, %cond3A : i32
    scf.if %cond3A_220 {
      %mul3A_226 = arith.constant 632 : i32
      %mul3A_227 = arith.muli %arg1, %mul3A_226 : i32
      %mul3A_228 = arith.constant 632 : i32
      %mul3A_229 = arith.muli %arg1, %mul3A_228 : i32
      "tpu.region"() ({
        %run_scoped3A_230 = tpu.sem_alloc : memref<!tpu.dma_semaphore, #tpu.memory_space<semaphore_mem>>
        %dma_start3A_231 = arith.constant 0 : i32
        %dma_start3A_232 = tpu.memref_slice %arg5[%mul3A_229, %dma_start3A_231] : memref<10112x128xf32, #tpu.memory_space<hbm>> -> memref<632x128xf32, #tpu.memory_space<hbm>>
        %dma_start3A_233 = arith.constant 0 : i32
        %dma_start3A_234 = tpu.memref_slice %arg20[%mul3A_227, %dma_start3A_233] : memref<10112x128xf32, #tpu.memory_space<vmem_shared>> -> memref<632x128xf32, #tpu.memory_space<vmem_shared>>
        tpu.enqueue_dma source(%dma_start3A_234 : memref<632x128xf32, #tpu.memory_space<vmem_shared>>) target(%dma_start3A_232 : memref<632x128xf32, #tpu.memory_space<hbm>>) target_semaphore(%run_scoped3A_230 : memref<!tpu.dma_semaphore, #tpu.memory_space<semaphore_mem>>)
        %dma_wait3A_235 = arith.constant 0 : i32
        %dma_wait3A_236 = tpu.memref_slice %arg5[%mul3A_229, %dma_wait3A_235] : memref<10112x128xf32, #tpu.memory_space<hbm>> -> memref<632x128xf32, #tpu.memory_space<hbm>>
        %dma_wait3A_237 = arith.constant 0 : i32
        %dma_wait3A_238 = tpu.memref_slice %arg20[%mul3A_227, %dma_wait3A_237] : memref<10112x128xf32, #tpu.memory_space<vmem_shared>> -> memref<632x128xf32, #tpu.memory_space<vmem_shared>>
        tpu.wait_dma2 semaphore(%run_scoped3A_230 : memref<!tpu.dma_semaphore, #tpu.memory_space<semaphore_mem>>) src(%dma_wait3A_238 : memref<632x128xf32, #tpu.memory_space<vmem_shared>>) dst(%dma_wait3A_236 : memref<632x128xf32, #tpu.memory_space<hbm>>)
        tpu.yield
      }) : () -> ()
    } else {
    }
    %eq3A_221 = arith.constant 1 : i32
    %eq3A_222 = arith.cmpi eq, %arg0, %eq3A_221 : i32
    %convert_element_type3A_223 = arith.extui %eq3A_222 : i1 to i32
    %cond3A_224 = arith.constant 0 : i32
    %cond3A_225 = arith.cmpi ne, %convert_element_type3A_223, %cond3A_224 : i32
    scf.if %cond3A_225 {
      %mul3A_226 = arith.constant 632 : i32
      %mul3A_227 = arith.muli %arg1, %mul3A_226 : i32
      %mul3A_228 = arith.constant 632 : i32
      %mul3A_229 = arith.muli %arg1, %mul3A_228 : i32
      "tpu.region"() ({
        %run_scoped3A_230 = tpu.sem_alloc : memref<!tpu.dma_semaphore, #tpu.memory_space<semaphore_mem>>
        %dma_start3A_231 = arith.constant 0 : i32
        %dma_start3A_232 = tpu.memref_slice %arg6[%mul3A_229, %dma_start3A_231] : memref<10112x128xf32, #tpu.memory_space<hbm>> -> memref<632x128xf32, #tpu.memory_space<hbm>>
        %dma_start3A_233 = arith.constant 0 : i32
        %dma_start3A_234 = tpu.memref_slice %arg20[%mul3A_227, %dma_start3A_233] : memref<10112x128xf32, #tpu.memory_space<vmem_shared>> -> memref<632x128xf32, #tpu.memory_space<vmem_shared>>
        tpu.enqueue_dma source(%dma_start3A_234 : memref<632x128xf32, #tpu.memory_space<vmem_shared>>) target(%dma_start3A_232 : memref<632x128xf32, #tpu.memory_space<hbm>>) target_semaphore(%run_scoped3A_230 : memref<!tpu.dma_semaphore, #tpu.memory_space<semaphore_mem>>)
        %dma_wait3A_235 = arith.constant 0 : i32
        %dma_wait3A_236 = tpu.memref_slice %arg6[%mul3A_229, %dma_wait3A_235] : memref<10112x128xf32, #tpu.memory_space<hbm>> -> memref<632x128xf32, #tpu.memory_space<hbm>>
        %dma_wait3A_237 = arith.constant 0 : i32
        %dma_wait3A_238 = tpu.memref_slice %arg20[%mul3A_227, %dma_wait3A_237] : memref<10112x128xf32, #tpu.memory_space<vmem_shared>> -> memref<632x128xf32, #tpu.memory_space<vmem_shared>>
        tpu.wait_dma2 semaphore(%run_scoped3A_230 : memref<!tpu.dma_semaphore, #tpu.memory_space<semaphore_mem>>) src(%dma_wait3A_238 : memref<632x128xf32, #tpu.memory_space<vmem_shared>>) dst(%dma_wait3A_236 : memref<632x128xf32, #tpu.memory_space<hbm>>)
        tpu.yield
      }) : () -> ()
    } else {
    }
    return
  }
}

module attributes {stable_mosaic.version = 14 : i64} {
  func.func @_proj_edge_body(%arg0: i32, %arg1: memref<8000x16xf32, #tpu.memory_space<vmem>>, %arg2: memref<16x128xf32, #tpu.memory_space<vmem>>, %arg3: memref<1x128xf32, #tpu.memory_space<vmem>>, %arg4: memref<1x128xf32, #tpu.memory_space<vmem>>, %arg5: memref<8000x128xf32, #tpu.memory_space<vmem>>) attributes {dimension_semantics = [#tpu.dimension_semantics<arbitrary>], iteration_bounds = array<i64: 41>, scalar_prefetch = 0 : i64, scratch_operands = 0 : i64, tpu.core_type = #tpu.core_type<tc>, window_params = [{transform_indices = @transform_0, window_bounds = array<i64: 8000, 16>}, {pipeline_mode = #tpu.pipeline_mode<synchronous>, transform_indices = @transform_1, window_bounds = array<i64: 16, 128>}, {pipeline_mode = #tpu.pipeline_mode<synchronous>, transform_indices = @transform_2, window_bounds = array<i64: 1, 128>}, {pipeline_mode = #tpu.pipeline_mode<synchronous>, transform_indices = @transform_3, window_bounds = array<i64: 1, 128>}, {transform_indices = @transform_4, window_bounds = array<i64: 8000, 128>}]} {
    %get3A = arith.constant 0 : index
    %get3A_0 = arith.constant 0 : index
    %get3A_1 = vector.load %arg1[%get3A, %get3A_0] : memref<8000x16xf32, #tpu.memory_space<vmem>>, vector<8000x16xf32>
    %get3A_2 = arith.constant 0 : index
    %get3A_3 = arith.constant 0 : index
    %get3A_4 = vector.load %arg2[%get3A_2, %get3A_3] : memref<16x128xf32, #tpu.memory_space<vmem>>, vector<16x128xf32>
    %dot_general3A = arith.constant dense<0.000000e+00> : vector<8000x128xf32>
    %dot_general3A_5 = tpu.matmul %get3A_1, %get3A_4, %dot_general3A {dimension_numbers = #tpu.dot_dimension_numbers<[1], [0], [0], [1], [0, 0, 1, 1], [], []>, transpose_lhs_hint = false} : vector<8000x16xf32>, vector<16x128xf32>, vector<8000x128xf32> -> vector<8000x128xf32>
    %reduce_sum3A = arith.constant dense<0.000000e+00> : vector<8000xf32>
    %reduce_sum3A_6 = vector.multi_reduction <add>, %dot_general3A_5, %reduce_sum3A [1] : vector<8000x128xf32> to vector<8000xf32>
    %broadcast_in_dim3A = vector.shape_cast %reduce_sum3A_6 : vector<8000xf32> to vector<8000x1xf32>
    %div3A = arith.constant 1.280000e+02 : f32
    %div3A_7 = vector.broadcast %div3A : f32 to vector<8000x1xf32>
    %div3A_8 = arith.divf %broadcast_in_dim3A, %div3A_7 : vector<8000x1xf32>
    %sub3A = vector.broadcast %div3A_8 : vector<8000x1xf32> to vector<8000x128xf32>
    %sub3A_9 = arith.subf %dot_general3A_5, %sub3A : vector<8000x128xf32>
    %integer_pow3A = arith.mulf %sub3A_9, %sub3A_9 : vector<8000x128xf32>
    %reduce_sum3A_10 = arith.constant dense<0.000000e+00> : vector<8000xf32>
    %reduce_sum3A_11 = vector.multi_reduction <add>, %integer_pow3A, %reduce_sum3A_10 [1] : vector<8000x128xf32> to vector<8000xf32>
    %broadcast_in_dim3A_12 = vector.shape_cast %reduce_sum3A_11 : vector<8000xf32> to vector<8000x1xf32>
    %div3A_13 = arith.constant 1.280000e+02 : f32
    %div3A_14 = vector.broadcast %div3A_13 : f32 to vector<8000x1xf32>
    %div3A_15 = arith.divf %broadcast_in_dim3A_12, %div3A_14 : vector<8000x1xf32>
    %sub3A_16 = vector.broadcast %div3A_8 : vector<8000x1xf32> to vector<8000x128xf32>
    %sub3A_17 = arith.subf %dot_general3A_5, %sub3A_16 : vector<8000x128xf32>
    %add3A = arith.constant 9.99999974E-6 : f32
    %add3A_18 = vector.broadcast %add3A : f32 to vector<8000x1xf32>
    %add3A_19 = arith.addf %div3A_15, %add3A_18 : vector<8000x1xf32>
    %rsqrt3A = math.rsqrt %add3A_19 : vector<8000x1xf32>
    %mul3A = vector.broadcast %rsqrt3A : vector<8000x1xf32> to vector<8000x128xf32>
    %mul3A_20 = arith.mulf %sub3A_17, %mul3A : vector<8000x128xf32>
    %get3A_21 = arith.constant 0 : index
    %get3A_22 = arith.constant 0 : index
    %get3A_23 = vector.load %arg3[%get3A_21, %get3A_22] : memref<1x128xf32, #tpu.memory_space<vmem>>, vector<1x128xf32>
    %mul3A_24 = vector.broadcast %get3A_23 : vector<1x128xf32> to vector<8000x128xf32>
    %mul3A_25 = arith.mulf %mul3A_20, %mul3A_24 : vector<8000x128xf32>
    %get3A_26 = arith.constant 0 : index
    %get3A_27 = arith.constant 0 : index
    %get3A_28 = vector.load %arg4[%get3A_26, %get3A_27] : memref<1x128xf32, #tpu.memory_space<vmem>>, vector<1x128xf32>
    %add3A_29 = vector.broadcast %get3A_28 : vector<1x128xf32> to vector<8000x128xf32>
    %add3A_30 = arith.addf %mul3A_25, %add3A_29 : vector<8000x128xf32>
    %exp3A = math.exp %add3A_30 : vector<8000x128xf32>
    %swap3A = arith.constant 0 : index
    %swap3A_31 = arith.constant 0 : index
    %swap3A_32 = vector.load %arg5[%swap3A, %swap3A_31] : memref<8000x128xf32, #tpu.memory_space<vmem>>, vector<8000x128xf32>
    tpu.vector_store %arg5[%swap3A, %swap3A_31], %exp3A {strides = array<i32>} : memref<8000x128xf32, #tpu.memory_space<vmem>>, vector<8000x128xf32>,
    return
  }
  func.func @transform_0(%arg0: i32) -> (i32, i32) {
    %min3A = arith.constant 39 : i32
    %min3A_0 = arith.minsi %arg0, %min3A : i32
    %c0_i32 = arith.constant 0 : i32
    %c0_i32_1 = arith.constant 0 : i32
    return %min3A_0, %c0_i32 : i32, i32
  }
  func.func @transform_1(%arg0: i32) -> (i32, i32) {
    %c0_i32 = arith.constant 0 : i32
    %c0_i32_0 = arith.constant 0 : i32
    %c0_i32_1 = arith.constant 0 : i32
    return %c0_i32, %c0_i32_0 : i32, i32
  }
  func.func @transform_2(%arg0: i32) -> (i32, i32) {
    %c0_i32 = arith.constant 0 : i32
    %c0_i32_0 = arith.constant 0 : i32
    %c0_i32_1 = arith.constant 0 : i32
    return %c0_i32, %c0_i32_0 : i32, i32
  }
  func.func @transform_3(%arg0: i32) -> (i32, i32) {
    %c0_i32 = arith.constant 0 : i32
    %c0_i32_0 = arith.constant 0 : i32
    %c0_i32_1 = arith.constant 0 : i32
    return %c0_i32, %c0_i32_0 : i32, i32
  }
  func.func @transform_4(%arg0: i32) -> (i32, i32) {
    %c0_i32 = arith.constant 0 : i32
    %c0_i32_0 = arith.constant 0 : i32
    return %arg0, %c0_i32 : i32, i32
  }
}

module attributes {stable_mosaic.version = 14 : i64} {
  func.func @_proj_node_body(%arg0: i32, %arg1: memref<1000x128xf32, #tpu.memory_space<vmem>>, %arg2: memref<128x128xf32, #tpu.memory_space<vmem>>, %arg3: memref<1x128xf32, #tpu.memory_space<vmem>>, %arg4: memref<1x128xf32, #tpu.memory_space<vmem>>, %arg5: memref<1000x128xf32, #tpu.memory_space<vmem>>) attributes {dimension_semantics = [#tpu.dimension_semantics<arbitrary>], iteration_bounds = array<i64: 10>, scalar_prefetch = 0 : i64, scratch_operands = 0 : i64, tpu.core_type = #tpu.core_type<tc>, window_params = [{transform_indices = @transform_0, window_bounds = array<i64: 1000, 128>}, {pipeline_mode = #tpu.pipeline_mode<synchronous>, transform_indices = @transform_1, window_bounds = array<i64: 128, 128>}, {pipeline_mode = #tpu.pipeline_mode<synchronous>, transform_indices = @transform_2, window_bounds = array<i64: 1, 128>}, {pipeline_mode = #tpu.pipeline_mode<synchronous>, transform_indices = @transform_3, window_bounds = array<i64: 1, 128>}, {transform_indices = @transform_4, window_bounds = array<i64: 1000, 128>}]} {
    %get3A = arith.constant 0 : index
    %get3A_0 = arith.constant 0 : index
    %get3A_1 = vector.load %arg1[%get3A, %get3A_0] : memref<1000x128xf32, #tpu.memory_space<vmem>>, vector<1000x128xf32>
    %get3A_2 = arith.constant 0 : index
    %get3A_3 = arith.constant 0 : index
    %get3A_4 = vector.load %arg2[%get3A_2, %get3A_3] : memref<128x128xf32, #tpu.memory_space<vmem>>, vector<128x128xf32>
    %dot_general3A = arith.constant dense<0.000000e+00> : vector<1000x128xf32>
    %dot_general3A_5 = tpu.matmul %get3A_1, %get3A_4, %dot_general3A {dimension_numbers = #tpu.dot_dimension_numbers<[1], [0], [0], [1], [0, 0, 1, 1], [], []>, transpose_lhs_hint = false} : vector<1000x128xf32>, vector<128x128xf32>, vector<1000x128xf32> -> vector<1000x128xf32>
    %mul3A = arith.constant 5.000000e-01 : f32
    %mul3A_6 = vector.broadcast %mul3A : f32 to vector<1000x128xf32>
    %mul3A_7 = arith.mulf %mul3A_6, %dot_general3A_5 : vector<1000x128xf32>
    %mul3A_8 = arith.constant 0.707106769 : f32
    %mul3A_9 = vector.broadcast %mul3A_8 : f32 to vector<1000x128xf32>
    %mul3A_10 = arith.mulf %dot_general3A_5, %mul3A_9 : vector<1000x128xf32>
    %erf3A = math.erf %mul3A_10 : vector<1000x128xf32>
    %add3A = arith.constant 1.000000e+00 : f32
    %add3A_11 = vector.broadcast %add3A : f32 to vector<1000x128xf32>
    %add3A_12 = arith.addf %add3A_11, %erf3A : vector<1000x128xf32>
    %mul3A_13 = arith.mulf %mul3A_7, %add3A_12 : vector<1000x128xf32>
    %reduce_sum3A = arith.constant dense<0.000000e+00> : vector<1000xf32>
    %reduce_sum3A_14 = vector.multi_reduction <add>, %mul3A_13, %reduce_sum3A [1] : vector<1000x128xf32> to vector<1000xf32>
    %broadcast_in_dim3A = vector.shape_cast %reduce_sum3A_14 : vector<1000xf32> to vector<1000x1xf32>
    %div3A = arith.constant 1.280000e+02 : f32
    %div3A_15 = vector.broadcast %div3A : f32 to vector<1000x1xf32>
    %div3A_16 = arith.divf %broadcast_in_dim3A, %div3A_15 : vector<1000x1xf32>
    %sub3A = vector.broadcast %div3A_16 : vector<1000x1xf32> to vector<1000x128xf32>
    %sub3A_17 = arith.subf %mul3A_13, %sub3A : vector<1000x128xf32>
    %integer_pow3A = arith.mulf %sub3A_17, %sub3A_17 : vector<1000x128xf32>
    %reduce_sum3A_18 = arith.constant dense<0.000000e+00> : vector<1000xf32>
    %reduce_sum3A_19 = vector.multi_reduction <add>, %integer_pow3A, %reduce_sum3A_18 [1] : vector<1000x128xf32> to vector<1000xf32>
    %broadcast_in_dim3A_20 = vector.shape_cast %reduce_sum3A_19 : vector<1000xf32> to vector<1000x1xf32>
    %div3A_21 = arith.constant 1.280000e+02 : f32
    %div3A_22 = vector.broadcast %div3A_21 : f32 to vector<1000x1xf32>
    %div3A_23 = arith.divf %broadcast_in_dim3A_20, %div3A_22 : vector<1000x1xf32>
    %sub3A_24 = vector.broadcast %div3A_16 : vector<1000x1xf32> to vector<1000x128xf32>
    %sub3A_25 = arith.subf %mul3A_13, %sub3A_24 : vector<1000x128xf32>
    %add3A_26 = arith.constant 9.99999974E-6 : f32
    %add3A_27 = vector.broadcast %add3A_26 : f32 to vector<1000x1xf32>
    %add3A_28 = arith.addf %div3A_23, %add3A_27 : vector<1000x1xf32>
    %rsqrt3A = math.rsqrt %add3A_28 : vector<1000x1xf32>
    %mul3A_29 = vector.broadcast %rsqrt3A : vector<1000x1xf32> to vector<1000x128xf32>
    %mul3A_30 = arith.mulf %sub3A_25, %mul3A_29 : vector<1000x128xf32>
    %get3A_31 = arith.constant 0 : index
    %get3A_32 = arith.constant 0 : index
    %get3A_33 = vector.load %arg3[%get3A_31, %get3A_32] : memref<1x128xf32, #tpu.memory_space<vmem>>, vector<1x128xf32>
    %mul3A_34 = vector.broadcast %get3A_33 : vector<1x128xf32> to vector<1000x128xf32>
    %mul3A_35 = arith.mulf %mul3A_30, %mul3A_34 : vector<1000x128xf32>
    %get3A_36 = arith.constant 0 : index
    %get3A_37 = arith.constant 0 : index
    %get3A_38 = vector.load %arg4[%get3A_36, %get3A_37] : memref<1x128xf32, #tpu.memory_space<vmem>>, vector<1x128xf32>
    %add3A_39 = vector.broadcast %get3A_38 : vector<1x128xf32> to vector<1000x128xf32>
    %add3A_40 = arith.addf %mul3A_35, %add3A_39 : vector<1000x128xf32>
    %swap3A = arith.constant 0 : index
    %swap3A_41 = arith.constant 0 : index
    %swap3A_42 = vector.load %arg5[%swap3A, %swap3A_41] : memref<1000x128xf32, #tpu.memory_space<vmem>>, vector<1000x128xf32>
    tpu.vector_store %arg5[%swap3A, %swap3A_41], %add3A_40 {strides = array<i32>} : memref<1000x128xf32, #tpu.memory_space<vmem>>, vector<1000x128xf32>,
    return
  }
  func.func @transform_0(%arg0: i32) -> (i32, i32) {
    %c0_i32 = arith.constant 0 : i32
    %c0_i32_0 = arith.constant 0 : i32
    return %arg0, %c0_i32 : i32, i32
  }
  func.func @transform_1(%arg0: i32) -> (i32, i32) {
    %c0_i32 = arith.constant 0 : i32
    %c0_i32_0 = arith.constant 0 : i32
    %c0_i32_1 = arith.constant 0 : i32
    return %c0_i32, %c0_i32_0 : i32, i32
  }
  func.func @transform_2(%arg0: i32) -> (i32, i32) {
    %c0_i32 = arith.constant 0 : i32
    %c0_i32_0 = arith.constant 0 : i32
    %c0_i32_1 = arith.constant 0 : i32
    return %c0_i32, %c0_i32_0 : i32, i32
  }
  func.func @transform_3(%arg0: i32) -> (i32, i32) {
    %c0_i32 = arith.constant 0 : i32
    %c0_i32_0 = arith.constant 0 : i32
    %c0_i32_1 = arith.constant 0 : i32
    return %c0_i32, %c0_i32_0 : i32, i32
  }
  func.func @transform_4(%arg0: i32) -> (i32, i32) {
    %c0_i32 = arith.constant 0 : i32
    %c0_i32_0 = arith.constant 0 : i32
    return %arg0, %c0_i32 : i32, i32
  }
}

module attributes {stable_mosaic.version = 14 : i64} {
  func.func @_proj_out_body(%arg0: i32, %arg1: memref<1000x128xf32, #tpu.memory_space<vmem>>, %arg2: memref<1000x128xf32, #tpu.memory_space<vmem>>, %arg3: memref<128x32xf32, #tpu.memory_space<vmem>>, %arg4: memref<1x32xf32, #tpu.memory_space<vmem>>, %arg5: memref<1x32xf32, #tpu.memory_space<vmem>>, %arg6: memref<1000x32xf32, #tpu.memory_space<vmem>>) attributes {dimension_semantics = [#tpu.dimension_semantics<arbitrary>], iteration_bounds = array<i64: 10>, scalar_prefetch = 0 : i64, scratch_operands = 0 : i64, tpu.core_type = #tpu.core_type<tc>, window_params = [{transform_indices = @transform_0, window_bounds = array<i64: 1000, 128>}, {transform_indices = @transform_1, window_bounds = array<i64: 1000, 128>}, {pipeline_mode = #tpu.pipeline_mode<synchronous>, transform_indices = @transform_2, window_bounds = array<i64: 128, 32>}, {pipeline_mode = #tpu.pipeline_mode<synchronous>, transform_indices = @transform_3, window_bounds = array<i64: 1, 32>}, {pipeline_mode = #tpu.pipeline_mode<synchronous>, transform_indices = @transform_4, window_bounds = array<i64: 1, 32>}, {transform_indices = @transform_5, window_bounds = array<i64: 1000, 32>}]} {
    %get3A = arith.constant 0 : index
    %get3A_0 = arith.constant 0 : index
    %get3A_1 = vector.load %arg1[%get3A, %get3A_0] : memref<1000x128xf32, #tpu.memory_space<vmem>>, vector<1000x128xf32>
    %get3A_2 = arith.constant 0 : index
    %get3A_3 = arith.constant 0 : index
    %get3A_4 = vector.load %arg2[%get3A_2, %get3A_3] : memref<1000x128xf32, #tpu.memory_space<vmem>>, vector<1000x128xf32>
    %add3A = arith.addf %get3A_1, %get3A_4 : vector<1000x128xf32>
    %get3A_5 = arith.constant 0 : index
    %get3A_6 = arith.constant 0 : index
    %get3A_7 = vector.load %arg3[%get3A_5, %get3A_6] : memref<128x32xf32, #tpu.memory_space<vmem>>, vector<128x32xf32>
    %dot_general3A = arith.constant dense<0.000000e+00> : vector<1000x32xf32>
    %dot_general3A_8 = tpu.matmul %add3A, %get3A_7, %dot_general3A {dimension_numbers = #tpu.dot_dimension_numbers<[1], [0], [0], [1], [0, 0, 1, 1], [], []>, transpose_lhs_hint = false} : vector<1000x128xf32>, vector<128x32xf32>, vector<1000x32xf32> -> vector<1000x32xf32>
    %mul3A = arith.constant 5.000000e-01 : f32
    %mul3A_9 = vector.broadcast %mul3A : f32 to vector<1000x32xf32>
    %mul3A_10 = arith.mulf %mul3A_9, %dot_general3A_8 : vector<1000x32xf32>
    %mul3A_11 = arith.constant 0.707106769 : f32
    %mul3A_12 = vector.broadcast %mul3A_11 : f32 to vector<1000x32xf32>
    %mul3A_13 = arith.mulf %dot_general3A_8, %mul3A_12 : vector<1000x32xf32>
    %erf3A = math.erf %mul3A_13 : vector<1000x32xf32>
    %add3A_14 = arith.constant 1.000000e+00 : f32
    %add3A_15 = vector.broadcast %add3A_14 : f32 to vector<1000x32xf32>
    %add3A_16 = arith.addf %add3A_15, %erf3A : vector<1000x32xf32>
    %mul3A_17 = arith.mulf %mul3A_10, %add3A_16 : vector<1000x32xf32>
    %reduce_sum3A = arith.constant dense<0.000000e+00> : vector<1000xf32>
    %reduce_sum3A_18 = vector.multi_reduction <add>, %mul3A_17, %reduce_sum3A [1] : vector<1000x32xf32> to vector<1000xf32>
    %broadcast_in_dim3A = vector.shape_cast %reduce_sum3A_18 : vector<1000xf32> to vector<1000x1xf32>
    %div3A = arith.constant 3.200000e+01 : f32
    %div3A_19 = vector.broadcast %div3A : f32 to vector<1000x1xf32>
    %div3A_20 = arith.divf %broadcast_in_dim3A, %div3A_19 : vector<1000x1xf32>
    %sub3A = vector.broadcast %div3A_20 : vector<1000x1xf32> to vector<1000x32xf32>
    %sub3A_21 = arith.subf %mul3A_17, %sub3A : vector<1000x32xf32>
    %integer_pow3A = arith.mulf %sub3A_21, %sub3A_21 : vector<1000x32xf32>
    %reduce_sum3A_22 = arith.constant dense<0.000000e+00> : vector<1000xf32>
    %reduce_sum3A_23 = vector.multi_reduction <add>, %integer_pow3A, %reduce_sum3A_22 [1] : vector<1000x32xf32> to vector<1000xf32>
    %broadcast_in_dim3A_24 = vector.shape_cast %reduce_sum3A_23 : vector<1000xf32> to vector<1000x1xf32>
    %div3A_25 = arith.constant 3.200000e+01 : f32
    %div3A_26 = vector.broadcast %div3A_25 : f32 to vector<1000x1xf32>
    %div3A_27 = arith.divf %broadcast_in_dim3A_24, %div3A_26 : vector<1000x1xf32>
    %sub3A_28 = vector.broadcast %div3A_20 : vector<1000x1xf32> to vector<1000x32xf32>
    %sub3A_29 = arith.subf %mul3A_17, %sub3A_28 : vector<1000x32xf32>
    %add3A_30 = arith.constant 9.99999974E-6 : f32
    %add3A_31 = vector.broadcast %add3A_30 : f32 to vector<1000x1xf32>
    %add3A_32 = arith.addf %div3A_27, %add3A_31 : vector<1000x1xf32>
    %rsqrt3A = math.rsqrt %add3A_32 : vector<1000x1xf32>
    %mul3A_33 = vector.broadcast %rsqrt3A : vector<1000x1xf32> to vector<1000x32xf32>
    %mul3A_34 = arith.mulf %sub3A_29, %mul3A_33 : vector<1000x32xf32>
    %get3A_35 = arith.constant 0 : index
    %get3A_36 = arith.constant 0 : index
    %get3A_37 = vector.load %arg4[%get3A_35, %get3A_36] : memref<1x32xf32, #tpu.memory_space<vmem>>, vector<1x32xf32>
    %mul3A_38 = vector.broadcast %get3A_37 : vector<1x32xf32> to vector<1000x32xf32>
    %mul3A_39 = arith.mulf %mul3A_34, %mul3A_38 : vector<1000x32xf32>
    %get3A_40 = arith.constant 0 : index
    %get3A_41 = arith.constant 0 : index
    %get3A_42 = vector.load %arg5[%get3A_40, %get3A_41] : memref<1x32xf32, #tpu.memory_space<vmem>>, vector<1x32xf32>
    %add3A_43 = vector.broadcast %get3A_42 : vector<1x32xf32> to vector<1000x32xf32>
    %add3A_44 = arith.addf %mul3A_39, %add3A_43 : vector<1000x32xf32>
    %swap3A = arith.constant 0 : index
    %swap3A_45 = arith.constant 0 : index
    %swap3A_46 = vector.load %arg6[%swap3A, %swap3A_45] : memref<1000x32xf32, #tpu.memory_space<vmem>>, vector<1000x32xf32>
    tpu.vector_store %arg6[%swap3A, %swap3A_45], %add3A_44 {strides = array<i32>} : memref<1000x32xf32, #tpu.memory_space<vmem>>, vector<1000x32xf32>,
    return
  }
  func.func @transform_0(%arg0: i32) -> (i32, i32) {
    %c0_i32 = arith.constant 0 : i32
    %c0_i32_0 = arith.constant 0 : i32
    return %arg0, %c0_i32 : i32, i32
  }
  func.func @transform_1(%arg0: i32) -> (i32, i32) {
    %c0_i32 = arith.constant 0 : i32
    %c0_i32_0 = arith.constant 0 : i32
    return %arg0, %c0_i32 : i32, i32
  }
  func.func @transform_2(%arg0: i32) -> (i32, i32) {
    %c0_i32 = arith.constant 0 : i32
    %c0_i32_0 = arith.constant 0 : i32
    %c0_i32_1 = arith.constant 0 : i32
    return %c0_i32, %c0_i32_0 : i32, i32
  }
  func.func @transform_3(%arg0: i32) -> (i32, i32) {
    %c0_i32 = arith.constant 0 : i32
    %c0_i32_0 = arith.constant 0 : i32
    %c0_i32_1 = arith.constant 0 : i32
    return %c0_i32, %c0_i32_0 : i32, i32
  }
  func.func @transform_4(%arg0: i32) -> (i32, i32) {
    %c0_i32 = arith.constant 0 : i32
    %c0_i32_0 = arith.constant 0 : i32
    %c0_i32_1 = arith.constant 0 : i32
    return %c0_i32, %c0_i32_0 : i32, i32
  }
  func.func @transform_5(%arg0: i32) -> (i32, i32) {
    %c0_i32 = arith.constant 0 : i32
    %c0_i32_0 = arith.constant 0 : i32
    return %arg0, %c0_i32 : i32, i32
  }
}

</mosaic_0001>

<sc_bundles>
// kernel: kernel.6.cloned.1.call-start
scs
__scs_entry_jumppad:
0x0: {  	(pc) =	sbr.rel $0x88, $3  }
0x1: {  	(tag) =	ssettag $0x0;
	lr =	simm.s32 $0x1  }
0x2: {  	[smem:$0x3F95] =	sst lr;
	_ =	strace $0xD0000000  }
0x3: {  	_ = 	snop  }
0x4: {  	_ = 	snop  }
0x5: {  	_ = 	snop  }
0x6: {  	_ = 	snop  }
0x7: {  	_ = 	snop  }
__scs_overlays_trampoline_lowered:
0x8: {  	[smem:$0x3FA4] =	sst s0  }
0x9: {  	[smem:$0x3FA5] =	sst s1  }
0xa: {  	[smem:$0x3FA6] =	sst s2  }
0xb: {  	[smem:$0x3FA7] =	sst s3  }
0xc: {  	[smem:$0x3FA8] =	sst s4  }
0xd: {  	[smem:$0x3FA9] =	sst s5  }
0xe: {  	[smem:$0x3FAA] =	sst s6  }
0xf: {  	[smem:$0x3FAB] =	sst s7  }
0x10: {  	[smem:$0x3FAC] =	sst s8  }
0x11: {  	[smem:$0x3FAD] =	sst s9;
	s0 =	simm.s32 @!p0 $0x0  }
0x12: {  	s1 =	sld [smem:$0x3F93];
	s0 =	simm.s32 @p0 $0x1  }
0x13: {  	[smem:$0x3FAE] =	sst s0;
	s0 =	simm.s32 @!p1 $0x0  }
0x14: {  	s2 =	sld [smem:$0x3F92];
	s0 =	simm.s32 @p1 $0x1  }
0x15: {  	[smem:$0x3FAF] =	sst s0;
	s0 =	simm.s32 @!p2 $0x0  }
0x16: {  	s3 =	sld [smem:$0x3FDB];
	s0 =	simm.s32 @p2 $0x1  }
0x17: {  	s4 =	simm.s32 $0x1BF5;
	[smem:$0x3FB1] =	sst s0  }
0x18: {  	s0 =	sld [smem:$0x3F94];
	_ =	swait.ge [sflag:s4], $0x0  }
0x19: {  	s7 =	sld [smem:$0x3F95]  }
0x1a: {  	s8 =	sadd.s32 $0xFFFFE003, lr  }
0x1b: {  	s9 =	sadd.s32 $0xFFFFFEF7, lr;
	s5 =	simm.s32 $0xFFFFFFFF;
	p2 =	slt.u32 s8, $0xFFFFF086  }
0x1c: {  	p1 =	slt.u32 s9, $0xF7A;
	s5 =	simm.s32 @!p2 $0x0  }
0x1d: {  	s5 =	simm.s32 @p1 $0x1;
	p0 =	seq.s32 s7, s2  }
0x1e: {  	s7 =	smul.u32 @!p0 $0xF7A, s2;
	p2 =	seq.s32 @!p0 s5, $0x0  }
0x1f: {  	s9 =	smul.u32 $0xF7A, s1;
	s8 =	simm.s32 @!p0 $0x1BF5;
	p2 =	por !p2, p0  }
0x20: {  	[sflag:s8] =	ssyncset.s32 @!p0 $0xFFFFF086;
	s6 =	sadd.s32 @!p0 s3, s7;
	s7 =	simm.s32 @!p0 $0x108  }
0x21: {  	s3 =	sadd.s32 s3, s9;
	s6 =	sadd.s32 @!p0 $0x88, s6;
	s7 =	simm.s32 @p2 $0x1082  }
0x22: {  	[simem:s7], [sflag:s8] =	dma.local @!p0 [hbm:s6], $0xF7A  }
0x23: {  	s9 =	sor.u32 $0xD0000000, s2;
	s6 =	simm.s32 $0x108;
	_ =	swait.ge @!p0 [sflag:s8], $0x0  }
0x24: {  	s3 =	sadd.s32 $0x88, s3;
	s6 =	simm.s32 @!p1 $0x1082;
	[sflag:s4] =	ssyncset.s32 $0xFFFFF086  }
0x25: {  	[simem:s6], [sflag:s4] =	dma.local [hbm:s3], $0xF7A  }
0x26: {  	[smem:$0x3F95] =	sst s1;
	(tag) =	ssettag s2;
	_ =	strace s9  }
0x27: {  	s1 =	sld [smem:$0x3FA5]  }
0x28: {  	s2 =	sld [smem:$0x3FA6]  }
0x29: {  	s4 =	sld [smem:$0x3FA8]  }
0x2a: {  	p0 =	seq.s32 s5, $0x0;
	s5 =	sld [smem:$0x3FA9]  }
0x2b: {  	s6 =	sld [smem:$0x3FAA]  }
0x2c: {  	s7 =	sld [smem:$0x3FAB]  }
0x2d: {  	s3 =	simm.s32 $0x108;
	s8 =	sld [smem:$0x3FAC]  }
0x2e: {  	s3 =	simm.s32 @!p0 $0x1082;
	s9 =	sld [smem:$0x3FAD]  }
0x2f: {  	lr =	sadd.s32 s0, s3;
	s0 =	sld [smem:$0x3FA4]  }
0x30: {  	s3 =	sld [smem:$0x3FA7]  }
0x31: {  	[smem:$0x3FB0] =	sst s10  }
0x32: {  	s10 =	sld [smem:$0x3FAE];
	_ =	sdelay $0x3  }
0x33: {  	p0 =	seq.s32 s10, $0x1;
	s10 =	sld [smem:$0x3FB0];
	_ =	sdelay $0x3  }
0x34: {  	[smem:$0x3FB0] =	sst s10  }
0x35: {  	s10 =	sld [smem:$0x3FAF];
	_ =	sdelay $0x3  }
0x36: {  	p1 =	seq.s32 s10, $0x1;
	s10 =	sld [smem:$0x3FB0];
	_ =	sdelay $0x3  }
0x37: {  	[smem:$0x3FB0] =	sst s10  }
0x38: {  	s10 =	sld [smem:$0x3FB1]  }
0x39: {  	_ = 	snop;
	(pc) =	sbr.ind lr, $3  }
0x3a: {  	_ = 	snop  }
0x3b: {  	_ = 	snop  }
0x3c: {  	p2 =	seq.s32 s10, $0x1;
	s10 =	sld [smem:$0x3FB0]  }
0x3d: {  	_ =	shalt  }
0x3e: {  	_ =	shalt  }
0x3f: {  	_ =	shalt  }
0x40: {  	_ =	shalt  }
0x41: {  	_ =	shalt  }
0x42: {  	_ =	shalt  }
0x43: {  	_ =	shalt  }
0x44: {  	_ =	shalt  }
0x45: {  	_ =	shalt  }
0x46: {  	_ =	shalt  }
0x47: {  	_ =	shalt  }
0x48: {  	_ =	shalt  }
0x49: {  	_ =	shalt  }
0x4a: {  	_ =	shalt  }
0x4b: {  	_ =	shalt  }
0x4c: {  	_ =	shalt  }
0x4d: {  	_ =	shalt  }
0x4e: {  	_ =	shalt  }
0x4f: {  	_ =	shalt  }
0x50: {  	_ =	shalt  }
0x51: {  	_ =	shalt  }
0x52: {  	_ =	shalt  }
0x53: {  	_ =	shalt  }
0x54: {  	_ =	shalt  }
0x55: {  	_ =	shalt  }
0x56: {  	_ =	shalt  }
0x57: {  	_ =	shalt  }
0x58: {  	_ =	shalt  }
0x59: {  	_ =	shalt  }
0x5a: {  	_ =	shalt  }
0x5b: {  	_ =	shalt  }
0x5c: {  	_ =	shalt  }
0x5d: {  	_ =	shalt  }
0x5e: {  	_ =	shalt  }
0x5f: {  	_ =	shalt  }
0x60: {  	_ =	shalt  }
0x61: {  	_ =	shalt  }
0x62: {  	_ =	shalt  }
0x63: {  	_ =	shalt  }
0x64: {  	_ =	shalt  }
0x65: {  	_ =	shalt  }
0x66: {  	_ =	shalt  }
0x67: {  	_ =	shalt  }
0x68: {  	_ =	shalt  }
0x69: {  	_ =	shalt  }
0x6a: {  	_ =	shalt  }
0x6b: {  	_ =	shalt  }
0x6c: {  	_ =	shalt  }
0x6d: {  	_ =	shalt  }
0x6e: {  	_ =	shalt  }
0x6f: {  	_ =	shalt  }
0x70: {  	_ =	shalt  }
0x71: {  	_ =	shalt  }
0x72: {  	_ =	shalt  }
0x73: {  	_ =	shalt  }
0x74: {  	_ =	shalt  }
0x75: {  	_ =	shalt  }
0x76: {  	_ =	shalt  }
0x77: {  	_ =	shalt  }
0x78: {  	_ =	shalt  }
0x79: {  	_ =	shalt  }
0x7a: {  	_ =	shalt  }
0x7b: {  	_ =	shalt  }
0x7c: {  	_ =	shalt  }
0x7d: {  	_ =	shalt  }
0x7e: {  	_ =	shalt  }
0x7f: {  	_ =	shalt  }
0x80: {  	_ =	shalt  }
0x81: {  	_ =	shalt  }
0x82: {  	_ =	shalt  }
0x83: {  	_ =	shalt  }
0x84: {  	_ =	shalt  }
0x85: {  	_ =	shalt  }
0x86: {  	_ =	shalt  }
0x87: {  	_ =	shalt  }
.Lfunc_end0:
.L_simem_size_0:
called_computation_lowered:
.L_overlay_start_0:
0x88: {  	s2 =	sld [smem:$0x3FD9]  }
0x89: {  	s3 =	sld [smem:$0x3FFE];
	_ =	sdelay $0x1  }
0x8a: {  	s1 =	srdreg.scid  }
0x8b: {  	s0 =	sand.u32 $0x1, s1  }
0x8c: {  	s16 =	sshll.u32 s0, $0xA;
	s2 =	sadd.s32 s3, s2  }
0x8d: {  	s2 =	sadd.s32 s2, s16  }
0x8e: {  	[smem:$0x3FBC] =	sst s2  }
0x8f: {  	_ = 	snop  }
0x90: {  	(tm) =	ssettm $0x1  }
0x91: {  	s17 =	sld [smem:$0x3FFB];
	_ =	sdelay $0x3  }
0x92: {  	_ =	strace s17  }
0x93: {  	s2 =	sld [smem:$0x3FFC];
	_ =	sdelay $0x3  }
0x94: {  	_ =	strace s2  }
0x95: {  	s2 =	sld [smem:$0x3FFD];
	_ =	sdelay $0x3  }
0x96: {  	_ =	strace s2  }
0x97: {  	_ =	strace $0x8FFFFFFF  }
0x98: {  	s18 =	sld [smem:$0x3FDB];
	_ =	sdelay $0x1  }
0x99: {  	s19 =	simm.s32 $_scs_section_size  }
0x9a: {  	s4 =	simm.s32 $_size__tile_overlayer_lowered;
	s5 =	simm.s32 $_tile_overlayer_lowered  }
0x9b: {  	s22 =	simm.s32 $0x1BFF;
	s21 =	sshll.u32 s5, $0x1;
	s2 =	sadd.s32 s19, s18  }
0x9c: {  	s6 =	simm.s32 $0x0;
	s20 =	sshll.u32 s4, $0x1;
	s4 =	sadd.s32 s21, s2  }
0x9d: {  	[timem:s6], [sflag:s22] =	dma.local [hbm:s4], s20  }
0x9e: {  	_ =	swait.ge [sflag:s22], s20  }
0x9f: {  	s3 =	ssub.s32 $0x0, s20;
	[sflag:s22] =	ssyncset.done $0x0  }
0xa0: {  	[sflag:s22] =	ssyncadd.s32 s3;
	_ =	sdelay $0x1  }
0xa1: {  	s23 =	simm.s32 $0x1B8B  }
0xa2: {  	_ =	swait.ge [sflag:s23], $0x1  }
0xa3: {  	[sflag:s23] =	ssyncset.done $0x0  }
0xa4: {  	s25 =	simm.s32 $0x1B8E;
	s24 =	sld [smem:$0x3FFE];
	[sflag:s23] =	ssyncadd.s32 $0xFFFFFFFF  }
0xa5: {  	s26 =	simm.s32 $execute0_lowered;
	[smem:$0x3FD2] =	sst s25  }
0xa6: {  	s4 =	sshll.u32 s26, $0x1;
	_ =	strace $0x80000046;
	[dreg:$0x1] =	wrdreg $0xFFFFFFFF  }
0xa7: {  	s28 =	simm.s32 $_size_execute0_lowered;
	s2 =	sadd.s32 s2, s4;
	[dreg:$0x0] =	wrdreg $0x0  }
0xa8: {  	s4 =	sshll.u32 s28, $0x1;
	[dreg:$0x2] =	wrdreg s2  }
0xa9: {  	[dreg:$0x3] =	wrdreg s4  }
0xaa: {  	[dreg:$0x4] =	wrdreg $0xC0  }
0xab: {  	_ =	task [dreg:s6], $0x5FFFF  }
0xac: {  	[dreg:$0x1] =	wrdreg $0xFFFFFFFF  }
0xad: {  	[dreg:$0x0] =	wrdreg $0x60  }
0xae: {  	[dreg:$0x2] =	wrdreg s24  }
0xaf: {  	[dreg:$0x3] =	wrdreg $0xC2000  }
0xb0: {  	[dreg:$0x4] =	wrdreg $0x9  }
0xb1: {  	_ =	task.clear_ibuf [dreg:s6], $0x5FFFF;
	_ =	strace $0x90000046  }
0xb2: {  	s29 =	simm.s32 $0x9;
	_ =	strace $0x80000048  }
0xb3: {  	_ =	swait.ge [sflag:s29], $0x1  }
0xb4: {  	[sflag:s29] =	ssyncadd.s32 $0xFFFFFFFF  }
0xb5: {  	_ =	strace $0x90000048  }
0xb6: {  	_ =	sfence  }
0xb7: {  	s30 =	sld [smem:$0x0];
	_ =	sdelay $0x2  }
0xb8: {  	s31 =	sshll.u32 s1, $0xD;
	s1 =	sshrl.u32 s1, $0x2  }
0xb9: {  	s3 =	sand.u32 $0x4000, s31;
	s1 =	sadd.s32 s1, s30  }
0xba: {  	s0 =	sor.u32 s3, s0;
	s1 =	sshll.u32 s1, $0x11  }
0xbb: {  	s0 =	sor.u32 s1, s0  }
0xbc: {  	s0 =	sadd.s32 $0x8F2B, s0  }
0xbd: {  	[sflag:s0] =	ssyncadd.remote.s32 $0x1  }
0xbe: {  	_ =	sfence.sel $0xFFFF  }
0xbf: {  	[dreg:$0x0] =	wrdreg $0xFFFFFFFF;
	(pc) =	sbr.abs _section_cstart, $3  }
0xc0: {  	[dreg:$0x1] =	wrdreg $0xFFFFFFFF  }
0xc1: {  	_ =	task.clear_ibuf [dreg:s6], $0x2FFFF;
	_ =	strace $0x9FFFFFFF  }
0xc2: {  	(tm) =	ssettm $0x7FFFFFFF  }
0xc3: {  	_ =	shalt  }
tec
execute0_lowered:
.L_overlay_start_1:
0x0: {  	(tag) =	ssettag $0x1  }
0x1: {  	s0 =	srdreg.scid  }
0x2: {  	s10 =	stileid.u32;
	s1 =	rddreg [dreg:$0x0]  }
0x3: {  	s2 =	rddreg [dreg:$0x1];
	s4 =	simm.s32 $0x0;
	s29 =	simm.s32 $0x40  }
0x4: {  	s31 =	simm.s32 $0x80;
	s11 =	simm.s32 $0x2;
	s12 =	simm.s32 $0x4  }
0x5: {  	s0 =	sand.u32 $0x1, s0;
	s3 =	sshll.u32 s10, $0x1;
	s6 =	smul.u32 $0x4F000, s10  }
0x6: {  	[smem:$0x7FF] =	sst s4;
	s4 =	sadd.s32 $0x2200, s1;
	s30 =	smul.u32 $0x2780, s10  }
0x7: {  	s10 =	simm.s32 $0x8200;
	s3 =	sor.u32 s0, s3;
	_ =	strace $0x80000047  }
0x8: {  	s8 =	ssub.s32 $0x2, s0;
	p0 =	seq.s32 s0, $0x1;
	s0 =	simm.s32 $0x50C00  }
0x9: {  	s5 =	smul.u32 $0x28000, s3;
	s6 =	sshrl.u32 s6, $0x2;
	s9 =	sshrl.u32 s8, $0x1  }
0xa: {  	s19 =	smul.u32 $0xA00, s3;
	s0 =	simm.s32 @!p0 $0x29400;
	s15 =	sadd.s32 s6, s2  }
0xb: {  	s13 =	ssub.s32 s8, s9;
	s14 =	sadd.s32 $0x2000, s15;
	[dreg:$0x3] =	wrdreg s15  }
0xc: {  	s0 =	sadd.s32 s0, s1;
	s16 =	sadd.s32 $0x4000, s15;
	[dreg:$0x4] =	wrdreg s14  }
0xd: {  	s9 =	simm.s32 $0x100;
	s17 =	sadd.s32 $0x6000, s15;
	[dreg:$0x5] =	wrdreg s16  }
0xe: {  	s7 =	sadd.s32 s5, s1;
	s18 =	sadd.s32 $0x8000, s15;
	[dreg:$0x6] =	wrdreg s17  }
0xf: {  	s5 =	sadd.s32 $0x4E4200, s1;
	s20 =	sadd.s32 $0xA000, s15;
	[dreg:$0x7] =	wrdreg s18  }
0x10: {  	s21 =	sadd.s32 $0xC000, s15;
	s22 =	sadd.s32 $0xE000, s15;
	[dreg:$0x8] =	wrdreg s20  }
0x11: {  	s23 =	sadd.s32 $0x10000, s15;
	s24 =	sadd.s32 $0x12000, s15;
	[dreg:$0x9] =	wrdreg s21  }
0x12: {  	s6 =	smax.u32 s13, $0x1;
	s0 =	sadd.s32 s0, s30;
	[dreg:$0xa] =	wrdreg s22  }
0x13: {  	s1 =	simm.s32 $0x8;
	s13 =	simm.s32 $0x180;
	[dreg:$0xb] =	wrdreg s23  }
0x14: {  	[dreg:$0xc] =	wrdreg s24;
	s8 =	sadd.s32 s5, s19;
	s17 =	smul.u32 $0xA0, s3  }
0x15: {  	s25 =	sadd.s32 $0x4F8200, s7;
	s28 =	sadd.s32 $0x4F8600, s7;
	[dreg:$0x11] =	wrdreg s6  }
.Ltmp0:
0x16: {  	s22 =	sadd.s32 $0x4F8A00, s7;
	[dreg:$0x12] =	wrdreg s0;
	(pc) =	sbr.rel .LBB2_1-.Ltmp0, $4  }
0x17: {  	s23 =	sadd.s32 $0x4F8E00, s7;
	s0 =	simm.s32 $0x6200;
	[dreg:$0xe] =	wrdreg s25  }
0x18: {  	s7 =	simm.s32 $0x1;
	s14 =	simm.s32 $0xA200;
	[dreg:$0xd] =	wrdreg s8  }
0x19: {  	s6 =	simm.s32 $0x0;
	s26 =	sadd.s32 $0x10, s8;
	[dreg:$0x10] =	wrdreg s28  }
0x1a: {  	v0 =	vimm.f32 $0.0e+00;
	s8 =	simm.s32 $0x3;
	[dreg:$0xf] =	wrdreg s26;
	s26 =	simm.s32 $0x9  }
.LBB2_10:
0x1b: {  	s3 =	simm.s32 $0x5  }
0x1c: {  	_ =	swait.ge [sflag:s3], $0x2000  }
0x1d: {  	[sflag:s3] =	ssyncset.done $0x0  }
0x1e: {  	s24 =	simm.s32 $0x6;
	[sflag:s3] =	ssyncadd.s32 $0xFFFFE000  }
0x1f: {  	_ =	swait.ge [sflag:s24], $0x2000  }
0x20: {  	[sflag:s24] =	ssyncset.done $0x0  }
0x21: {  	[sflag:s24] =	ssyncadd.s32 $0xFFFFE000  }
0x22: {  	s25 =	stileid.u32;
	[bflag:$0x0] =	sbarrier.arrive $0xFFFF  }
0x23: {  	s3 =	sshll.u32 s25, $0x6;
	s15 =	rddreg [dreg:$0x3]  }
0x24: {  	s3 =	sor.u32 $0x1C09, s3;
	s16 =	rddreg [dreg:$0x12];
	s6 =	sshrl.u32 s15, $0x3  }
0x25: {  	[hbm:s16], [sflag:s3] =	dma.local [spmem:s6], $0x2780  }
0x26: {  	_ =	swait.ge [sflag:s26], $0x2780  }
0x27: {  	s28 =	rddreg [dreg:$0x13]  }
0x28: {  	s30 =	rddreg [dreg:$0x11];
	s6 =	sadd.s32 $0x1, s28  }
0x29: {  	p0 =	sne.s32 s6, s30  }
.Ltmp1:
0x2a: {  	_ = 	snop;
	(pc) =	sbr.rel @!p0 .LBB2_11-.Ltmp1, $3  }
0x2b: {  	_ =	sdelay $0x1  }
0x2c: {  	[sflag:s26] =	ssyncset.done $0x0  }
0x2d: {  	[sflag:s26] =	ssyncadd.s32 $0xFFFFD880  }
.LBB2_1:
0x2e: {  	[dreg:$0x13] =	wrdreg s6;
	s3 =	simm.s32 $0x0;
	s6 =	simm.s32 $0x200  }
.LBB2_2:
0x2f: {  	p0 =	sne.s32 s6, $0x7E00;
	[tilespmem:s3+$0x270] =	vst v0  }
0x30: {  	[tilespmem:s3+$0x200] =	vst v0  }
0x31: {  	[tilespmem:s3+$0x210] =	vst v0  }
.Ltmp2:
0x32: {  	[tilespmem:s3+$0x220] =	vst v0;
	(pc) =	sbr.rel @p0 .LBB2_2-.Ltmp2, $4  }
0x33: {  	[tilespmem:s3+$0x230] =	vst v0  }
0x34: {  	[tilespmem:s3+$0x240] =	vst v0  }
0x35: {  	[tilespmem:s3+$0x250] =	vst v0  }
0x36: {  	[tilespmem:s3+$0x260] =	vst v0;
	s3 =	sshra.s32 s6, $0x2;
	s6 =	sadd.s32 $0x200, s6  }
0x37: {  	[tilespmem:s3+$0x270] =	vst v0  }
0x38: {  	[tilespmem:s3+$0x200] =	vst v0  }
0x39: {  	[tilespmem:s3+$0x210] =	vst v0  }
0x3a: {  	[tilespmem:s3+$0x220] =	vst v0  }
0x3b: {  	[tilespmem:s3+$0x230] =	vst v0  }
0x3c: {  	[tilespmem:s3+$0x240] =	vst v0  }
0x3d: {  	[tilespmem:s3+$0x250] =	vst v0  }
0x3e: {  	[tilespmem:s3+$0x260] =	vst v0;
	s6 =	simm.s32 $0x200  }
0x3f: {  	[spmem:s15] =	stream.linear.scatter [tilespmem:s6], [sflag:$0x9], $0x2000, $0x38;
	[tilespmem:$0x1FE00] =	vst v63  }
0x40: {  	_ =	swait.ge [sflag:s26], $0x2000  }
0x41: {  	[sflag:s26] =	ssyncset.done $0x0  }
0x42: {  	s19 =	rddreg [dreg:$0x4];
	[sflag:s26] =	ssyncadd.s32 $0xFFFFE000  }
0x43: {  	[spmem:s19] =	stream.linear.scatter [tilespmem:s6], [sflag:$0x9], $0x2000, $0x38;
	[tilespmem:$0x1FE00] =	vst v63  }
0x44: {  	_ =	swait.ge [sflag:s26], $0x2000  }
0x45: {  	[sflag:s26] =	ssyncset.done $0x0  }
0x46: {  	s20 =	rddreg [dreg:$0x5];
	[sflag:s26] =	ssyncadd.s32 $0xFFFFE000  }
0x47: {  	[spmem:s20] =	stream.linear.scatter [tilespmem:s6], [sflag:$0x9], $0x2000, $0x38;
	[tilespmem:$0x1FE00] =	vst v63  }
0x48: {  	_ =	swait.ge [sflag:s26], $0x2000  }
0x49: {  	[sflag:s26] =	ssyncset.done $0x0  }
0x4a: {  	s21 =	rddreg [dreg:$0x6];
	[sflag:s26] =	ssyncadd.s32 $0xFFFFE000  }
0x4b: {  	[spmem:s21] =	stream.linear.scatter [tilespmem:s6], [sflag:$0x9], $0x2000, $0x38;
	[tilespmem:$0x1FE00] =	vst v63  }
0x4c: {  	_ =	swait.ge [sflag:s26], $0x2000  }
0x4d: {  	[sflag:s26] =	ssyncset.done $0x0  }
0x4e: {  	s24 =	rddreg [dreg:$0x7];
	[sflag:s26] =	ssyncadd.s32 $0xFFFFE000  }
0x4f: {  	[spmem:s24] =	stream.linear.scatter [tilespmem:s6], [sflag:$0x9], $0x2000, $0x38;
	[tilespmem:$0x1FE00] =	vst v63  }
0x50: {  	_ =	swait.ge [sflag:s26], $0x2000  }
0x51: {  	[sflag:s26] =	ssyncset.done $0x0  }
0x52: {  	s25 =	rddreg [dreg:$0x8];
	[sflag:s26] =	ssyncadd.s32 $0xFFFFE000  }
0x53: {  	[spmem:s25] =	stream.linear.scatter [tilespmem:s6], [sflag:$0x9], $0x2000, $0x38;
	[tilespmem:$0x1FE00] =	vst v63  }
0x54: {  	_ =	swait.ge [sflag:s26], $0x2000  }
0x55: {  	[sflag:s26] =	ssyncset.done $0x0  }
0x56: {  	s28 =	rddreg [dreg:$0x9];
	[sflag:s26] =	ssyncadd.s32 $0xFFFFE000  }
0x57: {  	[spmem:s28] =	stream.linear.scatter [tilespmem:s6], [sflag:$0x9], $0x2000, $0x38;
	[tilespmem:$0x1FE00] =	vst v63  }
0x58: {  	_ =	swait.ge [sflag:s26], $0x2000  }
0x59: {  	[sflag:s26] =	ssyncset.done $0x0  }
0x5a: {  	s30 =	rddreg [dreg:$0xa];
	[sflag:s26] =	ssyncadd.s32 $0xFFFFE000  }
0x5b: {  	[spmem:s30] =	stream.linear.scatter [tilespmem:s6], [sflag:$0x9], $0x2000, $0x38;
	[tilespmem:$0x1FE00] =	vst v63  }
0x5c: {  	_ =	swait.ge [sflag:s26], $0x2000  }
0x5d: {  	[sflag:s26] =	ssyncset.done $0x0  }
0x5e: {  	s15 =	rddreg [dreg:$0xb];
	[sflag:s26] =	ssyncadd.s32 $0xFFFFE000  }
0x5f: {  	[spmem:s15] =	stream.linear.scatter [tilespmem:s6], [sflag:$0x9], $0x2000, $0x38;
	[tilespmem:$0x1FE00] =	vst v63  }
0x60: {  	_ =	swait.ge [sflag:s26], $0x2000  }
0x61: {  	[sflag:s26] =	ssyncset.done $0x0  }
0x62: {  	s16 =	rddreg [dreg:$0xc];
	[sflag:s26] =	ssyncadd.s32 $0xFFFFE000  }
0x63: {  	[spmem:s16] =	stream.linear.scatter [tilespmem:s6], [sflag:$0x9], $0x1C00, $0x38;
	[tilespmem:$0x1FE00] =	vst v63  }
0x64: {  	_ =	swait.ge [sflag:s26], $0x1C00  }
0x65: {  	[sflag:s26] =	ssyncset.done $0x0  }
0x66: {  	[sflag:s26] =	ssyncadd.s32 $0xFFFFE400  }
0x67: {  	[bflag:$0x0] =	sbarrier.arrive $0xFFFF  }
0x68: {  	s19 =	simm.s32 $0x7;
	s20 =	simm.s32 $0x0;
	s18 =	rddreg [dreg:$0xd]  }
0x69: {  	[tilespmem:s20], [sflag:$0x7] =	stream.linear.gather [hbm4b:s18+s20], $0x80, $0x38;
	[tilespmem:$0x1FE00] =	vst v63  }
0x6a: {  	_ =	swait.ge [sflag:s19], $0x80  }
0x6b: {  	[sflag:s19] =	ssyncset.done $0x0  }
0x6c: {  	[sflag:s19] =	ssyncadd.s32 $0xFFFFFF80  }
0x6d: {  	[tilespmem:s6], [sflag:$0x1] =	stream.indirect.gather [hbm4b:s4+s29], $0x80, s20, s29, $0xb8;
	[tilespmem:$0x1FE00] =	vst v63  }
0x6e: {  	s24 =	simm.s32 $0x4200;
	s21 =	rddreg [dreg:$0xe]  }
0x6f: {  	[tilespmem:s24], [sflag:$0x3] =	stream.linear.gather [hbm4b:s21+s20], $0x2000, $0x38;
	[tilespmem:$0x1FE00] =	vst v63  }
0x70: {  	s25 =	rddreg [dreg:$0xf]  }
0x71: {  	[tilespmem:s31], [sflag:$0x8] =	stream.linear.gather [hbm4b:s25+s20], $0x80, $0x38;
	[tilespmem:$0x1FE00] =	vst v63  }
0x72: {  	_ =	swait.ge [sflag:s1], $0x80  }
0x73: {  	[sflag:s1] =	ssyncset.done $0x0  }
0x74: {  	s28 =	simm.s32 $0x2200;
	[sflag:s1] =	ssyncadd.s32 $0xFFFFFF80  }
0x75: {  	[tilespmem:s28], [sflag:$0x2] =	stream.indirect.gather [hbm4b:s4+s29], $0x80, s31, s29, $0xb8;
	[tilespmem:$0x1FE00] =	vst v63  }
0x76: {  	s30 =	rddreg [dreg:$0x10]  }
0x77: {  	[tilespmem:s0], [sflag:$0x4] =	stream.linear.gather [hbm4b:s30+s20], $0x2000, $0x38;
	[tilespmem:$0x1FE00] =	vst v63  }
.LBB2_4:
0x78: {  	_ =	swait.ge [sflag:s7], $0x2000  }
0x79: {  	[sflag:s7] =	ssyncset.done $0x0  }
0x7a: {  	[sflag:s7] =	ssyncadd.s32 $0xFFFFE000  }
0x7b: {  	_ =	swait.ge [sflag:s8], $0x2000  }
0x7c: {  	p1 =	seq.s32 s20, $0x0;
	[sflag:s8] =	ssyncset.done $0x0  }
0x7d: {  	s3 =	simm.s32 @!p1 $0x5;
	[sflag:s8] =	ssyncadd.s32 $0xFFFFE000  }
0x7e: {  	_ =	swait.ge @!p1 [sflag:s3], $0x2000  }
0x7f: {  	[sflag:s3] =	ssyncset.done @!p1 $0x0  }
0x80: {  	[sflag:s3] =	ssyncadd.s32 @!p1 $0xFFFFE000  }
0x81: {  	v1 =	vld [tilespmem:$0x40]  }
0x82: {  	v2 =	vld [tilespmem:$0x50]  }
0x83: {  	v3 =	vld [tilespmem:$0x60]  }
0x84: {  	s21 =	sshll.u32 s20, $0x1;
	p0 =	seq.s32 s20, $0x4F;
	v4 =	vld [tilespmem:$0x70]  }
0x85: {  	s3 =	sadd.s32 @!p0 $0x2, s21  }
0x86: {  	s6 =	sadd.s32 @!p0 s17, s3;
	s3 =	sshll.u32 @!p0 s3, $0x4;
	[tilespmem:$0x100] =	vst v1  }
0x87: {  	s6 =	sshll.u32 @!p0 s6, $0x4;
	s3 =	sand.u32 @!p0 $0x60, s3;
	[tilespmem:$0x110] =	vst v2  }
0x88: {  	s6 =	sand.u32 @!p0 $0xFFFFF80, s6;
	s3 =	sadd.s32 @!p0 s5, s3;
	[tilespmem:$0x120] =	vst v3  }
0x89: {  	s3 =	sadd.s32 @!p0 s6, s3;
	s6 =	simm.s32 @!p0 $0x0;
	[tilespmem:$0x130] =	vst v4  }
0x8a: {  	[tilespmem:s6], [sflag:$0x7] =	stream.linear.gather @!p0 [hbm4b:s3+s6], $0x80, $0x38;
	[tilespmem:$0x1FE00] =	vst v63  }
0x8b: {  	s3 =	simm.s32 $0x280  }
0x8c: {  	s19 =	simm.s32 $0x4280;
	v1 =	vld [tilespmem:s3+$0x0]  }
0x8d: {  	v2 =	vld [tilespmem:s19+$0x0];
	_ =	sdelay $0x4  }
0x8e: {  	v1 =	vmul.f32 v2, v1  }
0x8f: {  	s24 =	simm.s32 $0x8280  }
0x90: {  	[tilespmem:s24+$0x0] =	vst v1  }
0x91: {  	v1 =	vld [tilespmem:s3+$0x10]  }
0x92: {  	v2 =	vld [tilespmem:s19+$0x10]  }
0x93: {  	v3 =	vld [tilespmem:s19+$0xFFFFFF80]  }
0x94: {  	v4 =	vld [tilespmem:s3+$0xFFFFFF80];
	_ =	sdelay $0x2  }
0x95: {  	v1 =	vmul.f32 v2, v1;
	_ =	sdelay $0x1  }
0x96: {  	[tilespmem:s24+$0x10] =	vst v1;
	v1 =	vmul.f32 v3, v4  }
0x97: {  	v2 =	vld [tilespmem:s3+$0x20]  }
0x98: {  	v3 =	vld [tilespmem:s19+$0x20];
	[tilespmem:s24+$0xFFFFFF80] =	vst v1  }
0x99: {  	v1 =	vld [tilespmem:s3+$0xFFFFFF90]  }
0x9a: {  	v4 =	vld [tilespmem:s19+$0xFFFFFF90];
	_ =	sdelay $0x2  }
0x9b: {  	v2 =	vmul.f32 v3, v2;
	_ =	sdelay $0x1  }
0x9c: {  	[tilespmem:s24+$0x20] =	vst v2;
	v1 =	vmul.f32 v4, v1  }
0x9d: {  	v2 =	vld [tilespmem:s3+$0x30]  }
0x9e: {  	v3 =	vld [tilespmem:s19+$0x30];
	[tilespmem:s24+$0xFFFFFF90] =	vst v1  }
0x9f: {  	v1 =	vld [tilespmem:s3+$0xFFFFFFA0]  }
0xa0: {  	s28 =	simm.s32 $0x380;
	v4 =	vld [tilespmem:s19+$0xFFFFFFA0]  }
0xa1: {  	s15 =	simm.s32 $0x4380;
	v5 =	vld [tilespmem:s28+$0x0]  }
0xa2: {  	v6 =	vld [tilespmem:s15+$0x0]  }
0xa3: {  	v7 =	vld [tilespmem:s28+$0xFFFFFF80];
	v2 =	vmul.f32 v3, v2  }
0xa4: {  	v3 =	vld [tilespmem:s15+$0xFFFFFF80]  }
0xa5: {  	[tilespmem:s24+$0x30] =	vst v2;
	v1 =	vmul.f32 v4, v1  }
0xa6: {  	v2 =	vld [tilespmem:s3+$0x40]  }
0xa7: {  	v4 =	vld [tilespmem:s19+$0x40];
	[tilespmem:s24+$0xFFFFFFA0] =	vst v1;
	v1 =	vmul.f32 v6, v5  }
0xa8: {  	s16 =	simm.s32 $0x8380;
	v5 =	vld [tilespmem:s3+$0xFFFFFFB0]  }
0xa9: {  	v6 =	vld [tilespmem:s19+$0xFFFFFFB0];
	v3 =	vmul.f32 v3, v7;
	[tilespmem:s16+$0x0] =	vst v1  }
0xaa: {  	v1 =	vld [tilespmem:s28+$0x10]  }
0xab: {  	[tilespmem:s16+$0xFFFFFF80] =	vst v3;
	v3 =	vld [tilespmem:s15+$0x10]  }
0xac: {  	v2 =	vmul.f32 v4, v2;
	v4 =	vld [tilespmem:s28+$0xFFFFFF90]  }
0xad: {  	v7 =	vld [tilespmem:s15+$0xFFFFFF90]  }
0xae: {  	[tilespmem:s24+$0x40] =	vst v2;
	v2 =	vmul.f32 v6, v5  }
0xaf: {  	v5 =	vld [tilespmem:s3+$0x50]  }
0xb0: {  	v6 =	vld [tilespmem:s19+$0x50];
	[tilespmem:s24+$0xFFFFFFB0] =	vst v2;
	v1 =	vmul.f32 v3, v1  }
0xb1: {  	v2 =	vld [tilespmem:s3+$0xFFFFFFC0]  }
0xb2: {  	v3 =	vld [tilespmem:s19+$0xFFFFFFC0];
	v4 =	vmul.f32 v7, v4;
	[tilespmem:s16+$0x10] =	vst v1  }
0xb3: {  	v1 =	vld [tilespmem:s28+$0x20]  }
0xb4: {  	[tilespmem:s16+$0xFFFFFF90] =	vst v4;
	v4 =	vld [tilespmem:s15+$0x20]  }
0xb5: {  	v5 =	vmul.f32 v6, v5;
	v6 =	vld [tilespmem:s28+$0xFFFFFFA0]  }
0xb6: {  	v7 =	vld [tilespmem:s15+$0xFFFFFFA0]  }
0xb7: {  	s25 =	simm.s32 $0x4480  }
0xb8: {  	v9 =	vld [tilespmem:s25+$0x0];
	[tilespmem:s24+$0x50] =	vst v5  }
0xb9: {  	v2 =	vmul.f32 v3, v2;
	v3 =	vld [tilespmem:s3+$0x60];
	v1 =	vmul.f32 v4, v1  }
0xba: {  	s18 =	simm.s32 $0x480;
	v5 =	vld [tilespmem:s19+$0x60]  }
0xbb: {  	v10 =	vld [tilespmem:s18+$0xFFFFFF80];
	v6 =	vmul.f32 v7, v6;
	[tilespmem:s16+$0x20] =	vst v1  }
0xbc: {  	[tilespmem:s24+$0xFFFFFFC0] =	vst v2;
	v1 =	vld [tilespmem:s28+$0x30]  }
0xbd: {  	[tilespmem:s16+$0xFFFFFFA0] =	vst v6;
	v6 =	vld [tilespmem:s15+$0x30]  }
0xbe: {  	v2 =	vld [tilespmem:s3+$0xFFFFFFD0]  }
0xbf: {  	v4 =	vld [tilespmem:s19+$0xFFFFFFD0];
	v3 =	vmul.f32 v5, v3  }
0xc0: {  	v7 =	vld [tilespmem:s18+$0x0]  }
0xc1: {  	v5 =	vld [tilespmem:s28+$0xFFFFFFB0];
	[tilespmem:s24+$0x60] =	vst v3  }
0xc2: {  	v3 =	vld [tilespmem:s3+$0x70];
	v1 =	vmul.f32 v6, v1  }
0xc3: {  	v8 =	vld [tilespmem:s19+$0x70]  }
0xc4: {  	v6 =	vld [tilespmem:s25+$0xFFFFFF80];
	[tilespmem:s16+$0x30] =	vst v1  }
0xc5: {  	v1 =	vmul.f32 v4, v2;
	v2 =	vld [tilespmem:s28+$0x40]  }
0xc6: {  	v4 =	vld [tilespmem:s15+$0x40]  }
0xc7: {  	[tilespmem:s24+$0xFFFFFFD0] =	vst v1;
	v1 =	vmul.f32 v9, v7;
	v7 =	vld [tilespmem:s15+$0xFFFFFFB0]  }
0xc8: {  	s6 =	simm.s32 $0x8480;
	v9 =	vld [tilespmem:s3+$0xFFFFFFE0]  }
0xc9: {  	v6 =	vmul.f32 v6, v10;
	[tilespmem:s6+$0x0] =	vst v1;
	v1 =	vld [tilespmem:s19+$0xFFFFFFE0]  }
0xca: {  	v10 =	vld [tilespmem:s18+$0x10]  }
0xcb: {  	[tilespmem:s6+$0xFFFFFF80] =	vst v6;
	v6 =	vld [tilespmem:s25+$0x10];
	v2 =	vmul.f32 v4, v2  }
0xcc: {  	v4 =	vld [tilespmem:s18+$0xFFFFFF90]  }
0xcd: {  	v5 =	vmul.f32 v7, v5;
	v7 =	vld [tilespmem:s25+$0xFFFFFF90];
	[tilespmem:s16+$0x40] =	vst v2  }
0xce: {  	v2 =	vld [tilespmem:s28+$0x50]  }
0xcf: {  	[tilespmem:s16+$0xFFFFFFB0] =	vst v5;
	v1 =	vmul.f32 v1, v9;
	v5 =	vld [tilespmem:s15+$0x50]  }
0xd0: {  	v6 =	vmul.f32 v6, v10;
	v9 =	vld [tilespmem:s28+$0xFFFFFFC0]  }
0xd1: {  	v10 =	vld [tilespmem:s15+$0xFFFFFFC0];
	[tilespmem:s24+$0xFFFFFFE0] =	vst v1  }
0xd2: {  	v4 =	vmul.f32 v7, v4;
	[tilespmem:s6+$0x10] =	vst v6;
	v1 =	vld [tilespmem:s3+$0xFFFFFFF0]  }
0xd3: {  	v6 =	vld [tilespmem:s18+$0x20]  }
0xd4: {  	[tilespmem:s6+$0xFFFFFF90] =	vst v4;
	v4 =	vld [tilespmem:s25+$0x20];
	v2 =	vmul.f32 v5, v2  }
0xd5: {  	v7 =	vld [tilespmem:s18+$0xFFFFFFA0]  }
0xd6: {  	v11 =	vld [tilespmem:s25+$0xFFFFFFA0];
	v5 =	vmul.f32 v10, v9;
	[tilespmem:s16+$0x50] =	vst v2  }
0xd7: {  	v9 =	vld [tilespmem:s28+$0x60]  }
0xd8: {  	[tilespmem:s16+$0xFFFFFFC0] =	vst v5;
	v10 =	vld [tilespmem:s15+$0x60]  }
0xd9: {  	v5 =	vld [tilespmem:s15+$0xFFFFFFD0];
	v2 =	vmul.f32 v4, v6  }
0xda: {  	v4 =	vld [tilespmem:s28+$0xFFFFFFD0]  }
0xdb: {  	v6 =	vmul.f32 v11, v7;
	[tilespmem:s6+$0x20] =	vst v2;
	v2 =	vld [tilespmem:s19+$0xFFFFFFF0]  }
0xdc: {  	v3 =	vmul.f32 v8, v3;
	v7 =	vld [tilespmem:s18+$0x30]  }
0xdd: {  	[tilespmem:s6+$0xFFFFFFA0] =	vst v6;
	v8 =	vld [tilespmem:s25+$0x30];
	v6 =	vmul.f32 v10, v9  }
0xde: {  	s30 =	simm.s32 $0x580;
	[tilespmem:s24+$0x70] =	vst v3;
	s3 =	simm.s32 $0x4;
	s19 =	simm.s32 $0x4480;
	v3 =	vld [tilespmem:s18+$0xFFFFFFB0]  }
.LBB2_5:
0xdf: {  	v9 =	vld [tilespmem:s30+$0x0];
	v4 =	vmul.f32 v5, v4;
	[tilespmem:s16+$0x60] =	vst v6  }
0xe0: {  	v5 =	vld [tilespmem:s28+$0x70];
	v1 =	vmul.f32 v2, v1  }
0xe1: {  	s25 =	sadd.s32 $0x100, s25;
	[tilespmem:s16+$0xFFFFFFD0] =	vst v4;
	v2 =	vld [tilespmem:s15+$0x70]  }
0xe2: {  	v4 =	vld [tilespmem:s25+$0x0];
	v6 =	vmul.f32 v8, v7;
	[tilespmem:s24+$0xFFFFFFF0] =	vst v1;
	s24 =	smov.u32 s16;
	s16 =	smov.u32 s6  }
0xe3: {  	v1 =	vld [tilespmem:s25+$0xFFFFFF80]  }
0xe4: {  	v7 =	vld [tilespmem:s30+$0xFFFFFF80];
	[tilespmem:s6+$0x30] =	vst v6  }
0xe5: {  	v6 =	vld [tilespmem:s18+$0x40]  }
0xe6: {  	v8 =	vld [tilespmem:s19+$0x40];
	v2 =	vmul.f32 v2, v5  }
0xe7: {  	v4 =	vmul.f32 v4, v9;
	v5 =	vld [tilespmem:s19+$0xFFFFFFB0]  }
0xe8: {  	s6 =	sadd.s32 $0x100, s6;
	v9 =	vld [tilespmem:s28+$0xFFFFFFE0];
	[tilespmem:s24+$0x70] =	vst v2  }
0xe9: {  	s3 =	sadd.s32 $0x2, s3;
	v1 =	vmul.f32 v1, v7;
	[tilespmem:s6+$0x0] =	vst v4;
	v2 =	vld [tilespmem:s15+$0xFFFFFFE0]  }
0xea: {  	p2 =	slt.u32 s3, $0x3E;
	v4 =	vld [tilespmem:s30+$0x10]  }
0xeb: {  	[tilespmem:s6+$0xFFFFFF80] =	vst v1;
	v1 =	vld [tilespmem:s25+$0x10];
	v6 =	vmul.f32 v8, v6  }
0xec: {  	v7 =	vld [tilespmem:s30+$0xFFFFFF90];
	v3 =	vmul.f32 v5, v3  }
0xed: {  	v5 =	vld [tilespmem:s25+$0xFFFFFF90];
	[tilespmem:s16+$0x40] =	vst v6  }
0xee: {  	[tilespmem:s16+$0xFFFFFFB0] =	vst v3;
	v3 =	vld [tilespmem:s18+$0x50];
	v2 =	vmul.f32 v2, v9  }
0xef: {  	v6 =	vld [tilespmem:s19+$0x50]  }
0xf0: {  	v1 =	vmul.f32 v1, v4;
	v4 =	vld [tilespmem:s18+$0xFFFFFFC0];
	[tilespmem:s24+$0xFFFFFFE0] =	vst v2  }
0xf1: {  	v2 =	vld [tilespmem:s19+$0xFFFFFFC0]  }
0xf2: {  	v5 =	vmul.f32 v5, v7;
	[tilespmem:s6+$0x10] =	vst v1;
	v1 =	vld [tilespmem:s28+$0xFFFFFFF0];
	s28 =	smov.u32 s18;
	s18 =	smov.u32 s30  }
0xf3: {  	v7 =	vld [tilespmem:s30+$0x20]  }
0xf4: {  	[tilespmem:s6+$0xFFFFFF90] =	vst v5;
	v5 =	vld [tilespmem:s25+$0x20];
	v3 =	vmul.f32 v6, v3  }
0xf5: {  	v6 =	vld [tilespmem:s30+$0xFFFFFFA0]  }
0xf6: {  	v8 =	vld [tilespmem:s25+$0xFFFFFFA0];
	v2 =	vmul.f32 v2, v4;
	[tilespmem:s16+$0x50] =	vst v3  }
0xf7: {  	v3 =	vld [tilespmem:s28+$0x60]  }
0xf8: {  	[tilespmem:s16+$0xFFFFFFC0] =	vst v2;
	v9 =	vld [tilespmem:s19+$0x60]  }
0xf9: {  	v2 =	vmul.f32 v5, v7;
	v4 =	vld [tilespmem:s28+$0xFFFFFFD0]  }
.Ltmp3:
0xfa: {  	v5 =	vld [tilespmem:s19+$0xFFFFFFD0];
	(pc) =	sbr.rel @p2 .LBB2_5-.Ltmp3, $4  }
0xfb: {  	v6 =	vmul.f32 v8, v6;
	[tilespmem:s6+$0x20] =	vst v2;
	v2 =	vld [tilespmem:s15+$0xFFFFFFF0];
	s15 =	smov.u32 s19;
	s19 =	smov.u32 s25  }
0xfc: {  	v7 =	vld [tilespmem:s30+$0x30]  }
0xfd: {  	[tilespmem:s6+$0xFFFFFFA0] =	vst v6;
	v8 =	vld [tilespmem:s25+$0x30];
	v6 =	vmul.f32 v9, v3  }
0xfe: {  	s30 =	sadd.s32 $0x100, s30;
	v3 =	vld [tilespmem:s18+$0xFFFFFFB0]  }
0xff: {  	v9 =	vld [tilespmem:s19+$0xFFFFFFB0];
	_ =	sdelay $0x2  }
0x100: {  	v7 =	vmul.f32 v8, v7;
	_ =	sdelay $0x1  }
0x101: {  	[tilespmem:s6+$0x30] =	vst v7;
	v3 =	vmul.f32 v9, v3  }
0x102: {  	v7 =	vld [tilespmem:s18+$0x40]  }
0x103: {  	v8 =	vld [tilespmem:s19+$0x40];
	[tilespmem:s6+$0xFFFFFFB0] =	vst v3  }
0x104: {  	v3 =	vld [tilespmem:s18+$0xFFFFFFC0]  }
0x105: {  	v9 =	vld [tilespmem:s19+$0xFFFFFFC0];
	_ =	sdelay $0x2  }
0x106: {  	v7 =	vmul.f32 v8, v7;
	_ =	sdelay $0x1  }
0x107: {  	[tilespmem:s6+$0x40] =	vst v7;
	v3 =	vmul.f32 v9, v3  }
0x108: {  	v7 =	vld [tilespmem:s18+$0x50]  }
0x109: {  	v8 =	vld [tilespmem:s19+$0x50];
	[tilespmem:s6+$0xFFFFFFC0] =	vst v3  }
0x10a: {  	v3 =	vld [tilespmem:s18+$0xFFFFFFD0]  }
0x10b: {  	v9 =	vld [tilespmem:s19+$0xFFFFFFD0]  }
0x10c: {  	v4 =	vmul.f32 v5, v4;
	_ =	sdelay $0x1  }
0x10d: {  	[tilespmem:s16+$0xFFFFFFD0] =	vst v4;
	v4 =	vmul.f32 v8, v7  }
0x10e: {  	v5 =	vld [tilespmem:s28+$0xFFFFFFE0]  }
0x10f: {  	v7 =	vld [tilespmem:s15+$0xFFFFFFE0];
	[tilespmem:s6+$0x50] =	vst v4;
	v3 =	vmul.f32 v9, v3  }
0x110: {  	v4 =	vld [tilespmem:s18+$0x60]  }
0x111: {  	v8 =	vld [tilespmem:s19+$0x60];
	[tilespmem:s6+$0xFFFFFFD0] =	vst v3  }
0x112: {  	v3 =	vld [tilespmem:s18+$0xFFFFFFE0]  }
0x113: {  	v9 =	vld [tilespmem:s19+$0xFFFFFFE0]  }
0x114: {  	[tilespmem:s16+$0x60] =	vst v6;
	v5 =	vmul.f32 v7, v5  }
0x115: {  	v6 =	vld [tilespmem:s28+$0x70]  }
0x116: {  	v7 =	vld [tilespmem:s15+$0x70];
	[tilespmem:s16+$0xFFFFFFE0] =	vst v5;
	v4 =	vmul.f32 v8, v4  }
0x117: {  	v5 =	vld [tilespmem:s28+$0xFFFFFFF0]  }
0x118: {  	v8 =	vld [tilespmem:s15+$0xFFFFFFF0];
	[tilespmem:s6+$0x60] =	vst v4;
	v3 =	vmul.f32 v9, v3  }
0x119: {  	v4 =	vld [tilespmem:s18+$0x70]  }
0x11a: {  	v9 =	vld [tilespmem:s19+$0x70];
	[tilespmem:s6+$0xFFFFFFE0] =	vst v3  }
0x11b: {  	v3 =	vld [tilespmem:s18+$0xFFFFFFF0]  }
0x11c: {  	v10 =	vld [tilespmem:s19+$0xFFFFFFF0]  }
0x11d: {  	v1 =	vmul.f32 v2, v1  }
0x11e: {  	v2 =	vmul.f32 v7, v6  }
0x11f: {  	[tilespmem:s24+$0xFFFFFFF0] =	vst v1;
	v1 =	vmul.f32 v8, v5  }
0x120: {  	[tilespmem:s16+$0x70] =	vst v2;
	v2 =	vmul.f32 v9, v4  }
0x121: {  	[tilespmem:s16+$0xFFFFFFF0] =	vst v1;
	v1 =	vmul.f32 v10, v3  }
0x122: {  	[tilespmem:s6+$0x70] =	vst v2  }
0x123: {  	s3 =	simm.s32 @!p0 $0x7;
	[tilespmem:s6+$0xFFFFFFF0] =	vst v1  }
0x124: {  	[spmem:s2] =	stream.indirect.scatter.add.f32 [tilespmem:s10], [sflag:$0x5], $0x80, s9, s29, $0xb8;
	[tilespmem:$0x1FE00] =	vst v63  }
0x125: {  	_ =	swait.ge @!p0 [sflag:s3], $0x80  }
0x126: {  	s15 =	simm.s32 @!p0 $0x200;
	[sflag:s3] =	ssyncset.done @!p0 $0x0  }
0x127: {  	s6 =	simm.s32 @!p0 $0x0;
	[sflag:s3] =	ssyncadd.s32 @!p0 $0xFFFFFF80;
	s3 =	simm.s32 @!p0 $0x40  }
0x128: {  	[tilespmem:s15], [sflag:$0x1] =	stream.indirect.gather @!p0 [hbm4b:s4+s3], $0x80, s6, s3, $0xb8;
	[tilespmem:$0x1FE00] =	vst v63  }
0x129: {  	s3 =	sshll.u32 @!p0 s20, $0xB  }
0x12a: {  	s15 =	simm.s32 @!p0 $0x4200;
	s3 =	sadd.s32 @!p0 s22, s3  }
0x12b: {  	[tilespmem:s15], [sflag:$0x3] =	stream.linear.gather @!p0 [hbm4b:s3+s6], $0x2000, $0x38;
	[tilespmem:$0x1FE00] =	vst v63  }
0x12c: {  	_ =	swait.ge [sflag:s11], $0x2000  }
0x12d: {  	[sflag:s11] =	ssyncset.done $0x0  }
0x12e: {  	[sflag:s11] =	ssyncadd.s32 $0xFFFFE000  }
0x12f: {  	_ =	swait.ge [sflag:s12], $0x2000  }
0x130: {  	[sflag:s12] =	ssyncset.done $0x0  }
0x131: {  	s3 =	simm.s32 @!p1 $0x6;
	[sflag:s12] =	ssyncadd.s32 $0xFFFFE000  }
0x132: {  	_ =	swait.ge @!p1 [sflag:s3], $0x2000  }
0x133: {  	[sflag:s3] =	ssyncset.done @!p1 $0x0  }
0x134: {  	[sflag:s3] =	ssyncadd.s32 @!p1 $0xFFFFE000  }
0x135: {  	v1 =	vld [tilespmem:$0xC0]  }
0x136: {  	v2 =	vld [tilespmem:$0xD0]  }
0x137: {  	v3 =	vld [tilespmem:$0xE0]  }
0x138: {  	v4 =	vld [tilespmem:$0xF0]  }
0x139: {  	s3 =	sadd.s32 @!p0 $0x3, s21  }
0x13a: {  	s15 =	sadd.s32 @!p0 s17, s3;
	s3 =	sshll.u32 @!p0 s3, $0x4;
	[tilespmem:$0x180] =	vst v1  }
0x13b: {  	s15 =	sshll.u32 @!p0 s15, $0x4;
	s3 =	sand.u32 @!p0 $0x70, s3;
	[tilespmem:$0x190] =	vst v2  }
0x13c: {  	s15 =	sand.u32 @!p0 $0xFFFFF80, s15;
	s3 =	sadd.s32 @!p0 s5, s3;
	[tilespmem:$0x1A0] =	vst v3  }
0x13d: {  	s19 =	simm.s32 $0x22F0;
	s3 =	sadd.s32 @!p0 s15, s3;
	s15 =	simm.s32 @!p0 $0x80;
	[tilespmem:$0x1B0] =	vst v4  }
0x13e: {  	[tilespmem:s15], [sflag:$0x8] =	stream.linear.gather @!p0 [hbm4b:s3+s6], $0x80, $0x38;
	[tilespmem:$0x1FE00] =	vst v63  }
0x13f: {  	s30 =	simm.s32 $0x62F0;
	v1 =	vld [tilespmem:s19+$0xFFFFFF90]  }
0x140: {  	v2 =	vld [tilespmem:s30+$0xFFFFFF90];
	_ =	sdelay $0x4  }
0x141: {  	v1 =	vmul.f32 v2, v1  }
0x142: {  	s21 =	simm.s32 $0xA2F0  }
0x143: {  	[tilespmem:s21+$0xFFFFFF90] =	vst v1  }
0x144: {  	v1 =	vld [tilespmem:s19+$0xFFFFFFA0]  }
0x145: {  	v2 =	vld [tilespmem:s30+$0xFFFFFFA0]  }
0x146: {  	v3 =	vld [tilespmem:s30+$0xFFFFFF10]  }
0x147: {  	v4 =	vld [tilespmem:s19+$0xFFFFFF10];
	_ =	sdelay $0x2  }
0x148: {  	v1 =	vmul.f32 v2, v1;
	_ =	sdelay $0x1  }
0x149: {  	[tilespmem:s21+$0xFFFFFFA0] =	vst v1;
	v1 =	vmul.f32 v3, v4  }
0x14a: {  	v2 =	vld [tilespmem:s19+$0xFFFFFFB0]  }
0x14b: {  	v3 =	vld [tilespmem:s30+$0xFFFFFFB0];
	[tilespmem:s21+$0xFFFFFF10] =	vst v1  }
0x14c: {  	v1 =	vld [tilespmem:s19+$0xFFFFFF20]  }
0x14d: {  	v4 =	vld [tilespmem:s30+$0xFFFFFF20];
	_ =	sdelay $0x2  }
0x14e: {  	v2 =	vmul.f32 v3, v2;
	_ =	sdelay $0x1  }
0x14f: {  	[tilespmem:s21+$0xFFFFFFB0] =	vst v2;
	v1 =	vmul.f32 v4, v1  }
0x150: {  	v2 =	vld [tilespmem:s19+$0xFFFFFFC0]  }
0x151: {  	v3 =	vld [tilespmem:s30+$0xFFFFFFC0];
	[tilespmem:s21+$0xFFFFFF20] =	vst v1  }
0x152: {  	v1 =	vld [tilespmem:s19+$0xFFFFFF30]  }
0x153: {  	s24 =	simm.s32 $0x23F0;
	v4 =	vld [tilespmem:s30+$0xFFFFFF30]  }
0x154: {  	s15 =	simm.s32 $0x63F0;
	v5 =	vld [tilespmem:s24+$0xFFFFFF90]  }
0x155: {  	v6 =	vld [tilespmem:s15+$0xFFFFFF90]  }
0x156: {  	v7 =	vld [tilespmem:s24+$0xFFFFFF10];
	v2 =	vmul.f32 v3, v2  }
0x157: {  	v3 =	vld [tilespmem:s15+$0xFFFFFF10]  }
0x158: {  	[tilespmem:s21+$0xFFFFFFC0] =	vst v2;
	v1 =	vmul.f32 v4, v1  }
0x159: {  	v2 =	vld [tilespmem:s19+$0xFFFFFFD0]  }
0x15a: {  	v4 =	vld [tilespmem:s30+$0xFFFFFFD0];
	[tilespmem:s21+$0xFFFFFF30] =	vst v1;
	v1 =	vmul.f32 v6, v5  }
0x15b: {  	s16 =	simm.s32 $0xA3F0;
	v5 =	vld [tilespmem:s19+$0xFFFFFF40]  }
0x15c: {  	v6 =	vld [tilespmem:s30+$0xFFFFFF40];
	v3 =	vmul.f32 v3, v7;
	[tilespmem:s16+$0xFFFFFF90] =	vst v1  }
0x15d: {  	v1 =	vld [tilespmem:s24+$0xFFFFFFA0]  }
0x15e: {  	[tilespmem:s16+$0xFFFFFF10] =	vst v3;
	v3 =	vld [tilespmem:s15+$0xFFFFFFA0]  }
0x15f: {  	v2 =	vmul.f32 v4, v2;
	v4 =	vld [tilespmem:s24+$0xFFFFFF20]  }
0x160: {  	v7 =	vld [tilespmem:s15+$0xFFFFFF20]  }
0x161: {  	[tilespmem:s21+$0xFFFFFFD0] =	vst v2;
	v2 =	vmul.f32 v6, v5  }
0x162: {  	v5 =	vld [tilespmem:s19+$0xFFFFFFE0]  }
0x163: {  	v6 =	vld [tilespmem:s30+$0xFFFFFFE0];
	[tilespmem:s21+$0xFFFFFF40] =	vst v2;
	v1 =	vmul.f32 v3, v1  }
0x164: {  	v2 =	vld [tilespmem:s19+$0xFFFFFF50]  }
0x165: {  	v3 =	vld [tilespmem:s30+$0xFFFFFF50];
	v4 =	vmul.f32 v7, v4;
	[tilespmem:s16+$0xFFFFFFA0] =	vst v1  }
0x166: {  	v1 =	vld [tilespmem:s24+$0xFFFFFFB0]  }
0x167: {  	[tilespmem:s16+$0xFFFFFF20] =	vst v4;
	v4 =	vld [tilespmem:s15+$0xFFFFFFB0]  }
0x168: {  	v5 =	vmul.f32 v6, v5;
	v6 =	vld [tilespmem:s24+$0xFFFFFF30]  }
0x169: {  	v7 =	vld [tilespmem:s15+$0xFFFFFF30]  }
0x16a: {  	s25 =	simm.s32 $0x64F0  }
0x16b: {  	v9 =	vld [tilespmem:s25+$0xFFFFFF90];
	[tilespmem:s21+$0xFFFFFFE0] =	vst v5  }
0x16c: {  	v2 =	vmul.f32 v3, v2;
	v3 =	vld [tilespmem:s19+$0xFFFFFFF0];
	v1 =	vmul.f32 v4, v1  }
0x16d: {  	s18 =	simm.s32 $0x24F0;
	v5 =	vld [tilespmem:s30+$0xFFFFFFF0]  }
0x16e: {  	v10 =	vld [tilespmem:s18+$0xFFFFFF10];
	v6 =	vmul.f32 v7, v6;
	[tilespmem:s16+$0xFFFFFFB0] =	vst v1  }
0x16f: {  	[tilespmem:s21+$0xFFFFFF50] =	vst v2;
	v1 =	vld [tilespmem:s24+$0xFFFFFFC0]  }
0x170: {  	[tilespmem:s16+$0xFFFFFF30] =	vst v6;
	v6 =	vld [tilespmem:s15+$0xFFFFFFC0]  }
0x171: {  	v2 =	vld [tilespmem:s19+$0xFFFFFF60]  }
0x172: {  	v4 =	vld [tilespmem:s30+$0xFFFFFF60];
	v3 =	vmul.f32 v5, v3  }
0x173: {  	v7 =	vld [tilespmem:s18+$0xFFFFFF90]  }
0x174: {  	v5 =	vld [tilespmem:s24+$0xFFFFFF40];
	[tilespmem:s21+$0xFFFFFFF0] =	vst v3  }
0x175: {  	v3 =	vld [tilespmem:s19+$0x0];
	v1 =	vmul.f32 v6, v1  }
0x176: {  	v8 =	vld [tilespmem:s30+$0x0]  }
0x177: {  	v6 =	vld [tilespmem:s25+$0xFFFFFF10];
	[tilespmem:s16+$0xFFFFFFC0] =	vst v1  }
0x178: {  	v1 =	vmul.f32 v4, v2;
	v2 =	vld [tilespmem:s24+$0xFFFFFFD0]  }
0x179: {  	v4 =	vld [tilespmem:s15+$0xFFFFFFD0]  }
0x17a: {  	[tilespmem:s21+$0xFFFFFF60] =	vst v1;
	v1 =	vmul.f32 v9, v7;
	v7 =	vld [tilespmem:s15+$0xFFFFFF40]  }
0x17b: {  	s6 =	simm.s32 $0xA4F0;
	v9 =	vld [tilespmem:s19+$0xFFFFFF70]  }
0x17c: {  	v6 =	vmul.f32 v6, v10;
	[tilespmem:s6+$0xFFFFFF90] =	vst v1;
	v1 =	vld [tilespmem:s30+$0xFFFFFF70]  }
0x17d: {  	v10 =	vld [tilespmem:s18+$0xFFFFFFA0]  }
0x17e: {  	[tilespmem:s6+$0xFFFFFF10] =	vst v6;
	v6 =	vld [tilespmem:s25+$0xFFFFFFA0];
	v2 =	vmul.f32 v4, v2  }
0x17f: {  	v4 =	vld [tilespmem:s18+$0xFFFFFF20]  }
0x180: {  	v5 =	vmul.f32 v7, v5;
	v7 =	vld [tilespmem:s25+$0xFFFFFF20];
	[tilespmem:s16+$0xFFFFFFD0] =	vst v2  }
0x181: {  	v2 =	vld [tilespmem:s24+$0xFFFFFFE0]  }
0x182: {  	[tilespmem:s16+$0xFFFFFF40] =	vst v5;
	v1 =	vmul.f32 v1, v9;
	v5 =	vld [tilespmem:s15+$0xFFFFFFE0]  }
0x183: {  	v6 =	vmul.f32 v6, v10;
	v9 =	vld [tilespmem:s24+$0xFFFFFF50]  }
0x184: {  	v10 =	vld [tilespmem:s15+$0xFFFFFF50];
	[tilespmem:s21+$0xFFFFFF70] =	vst v1  }
0x185: {  	v4 =	vmul.f32 v7, v4;
	[tilespmem:s6+$0xFFFFFFA0] =	vst v6;
	v1 =	vld [tilespmem:s19+$0xFFFFFF80]  }
0x186: {  	v6 =	vld [tilespmem:s18+$0xFFFFFFB0]  }
0x187: {  	[tilespmem:s6+$0xFFFFFF20] =	vst v4;
	v4 =	vld [tilespmem:s25+$0xFFFFFFB0];
	v2 =	vmul.f32 v5, v2  }
0x188: {  	v7 =	vld [tilespmem:s18+$0xFFFFFF30]  }
0x189: {  	v11 =	vld [tilespmem:s25+$0xFFFFFF30];
	v5 =	vmul.f32 v10, v9;
	[tilespmem:s16+$0xFFFFFFE0] =	vst v2  }
0x18a: {  	v9 =	vld [tilespmem:s24+$0xFFFFFFF0]  }
0x18b: {  	[tilespmem:s16+$0xFFFFFF50] =	vst v5;
	v10 =	vld [tilespmem:s15+$0xFFFFFFF0]  }
0x18c: {  	v5 =	vld [tilespmem:s15+$0xFFFFFF60];
	v2 =	vmul.f32 v4, v6  }
0x18d: {  	v4 =	vld [tilespmem:s24+$0xFFFFFF60]  }
0x18e: {  	v6 =	vmul.f32 v11, v7;
	[tilespmem:s6+$0xFFFFFFB0] =	vst v2;
	v2 =	vld [tilespmem:s30+$0xFFFFFF80]  }
0x18f: {  	v3 =	vmul.f32 v8, v3;
	v7 =	vld [tilespmem:s18+$0xFFFFFFC0]  }
0x190: {  	[tilespmem:s6+$0xFFFFFF30] =	vst v6;
	v8 =	vld [tilespmem:s25+$0xFFFFFFC0];
	v6 =	vmul.f32 v10, v9  }
0x191: {  	s28 =	simm.s32 $0x25F0;
	s3 =	simm.s32 $0x4;
	[tilespmem:s21+$0x0] =	vst v3;
	s19 =	simm.s32 $0x64F0;
	v3 =	vld [tilespmem:s18+$0xFFFFFF40]  }
.LBB2_7:
0x192: {  	v9 =	vld [tilespmem:s28+$0xFFFFFF90];
	v4 =	vmul.f32 v5, v4;
	[tilespmem:s16+$0xFFFFFFF0] =	vst v6  }
0x193: {  	v5 =	vld [tilespmem:s24+$0x0];
	v1 =	vmul.f32 v2, v1  }
0x194: {  	s25 =	sadd.s32 $0x100, s25;
	[tilespmem:s16+$0xFFFFFF60] =	vst v4;
	v2 =	vld [tilespmem:s15+$0x0]  }
0x195: {  	v4 =	vld [tilespmem:s25+$0xFFFFFF90];
	v6 =	vmul.f32 v8, v7;
	[tilespmem:s21+$0xFFFFFF80] =	vst v1;
	s21 =	smov.u32 s16;
	s16 =	smov.u32 s6  }
0x196: {  	v1 =	vld [tilespmem:s25+$0xFFFFFF10]  }
0x197: {  	v7 =	vld [tilespmem:s28+$0xFFFFFF10];
	[tilespmem:s6+$0xFFFFFFC0] =	vst v6  }
0x198: {  	v6 =	vld [tilespmem:s18+$0xFFFFFFD0]  }
0x199: {  	v8 =	vld [tilespmem:s19+$0xFFFFFFD0];
	v2 =	vmul.f32 v2, v5  }
0x19a: {  	v4 =	vmul.f32 v4, v9;
	v5 =	vld [tilespmem:s19+$0xFFFFFF40]  }
0x19b: {  	s6 =	sadd.s32 $0x100, s6;
	v9 =	vld [tilespmem:s24+$0xFFFFFF70];
	[tilespmem:s21+$0x0] =	vst v2  }
0x19c: {  	s3 =	sadd.s32 $0x2, s3;
	v1 =	vmul.f32 v1, v7;
	[tilespmem:s6+$0xFFFFFF90] =	vst v4;
	v2 =	vld [tilespmem:s15+$0xFFFFFF70]  }
0x19d: {  	p1 =	slt.u32 s3, $0x3E;
	v4 =	vld [tilespmem:s28+$0xFFFFFFA0]  }
0x19e: {  	[tilespmem:s6+$0xFFFFFF10] =	vst v1;
	v1 =	vld [tilespmem:s25+$0xFFFFFFA0];
	v6 =	vmul.f32 v8, v6  }
0x19f: {  	v7 =	vld [tilespmem:s28+$0xFFFFFF20];
	v3 =	vmul.f32 v5, v3  }
0x1a0: {  	v5 =	vld [tilespmem:s25+$0xFFFFFF20];
	[tilespmem:s16+$0xFFFFFFD0] =	vst v6  }
0x1a1: {  	[tilespmem:s16+$0xFFFFFF40] =	vst v3;
	v3 =	vld [tilespmem:s18+$0xFFFFFFE0];
	v2 =	vmul.f32 v2, v9  }
0x1a2: {  	v6 =	vld [tilespmem:s19+$0xFFFFFFE0]  }
0x1a3: {  	v1 =	vmul.f32 v1, v4;
	v4 =	vld [tilespmem:s18+$0xFFFFFF50];
	[tilespmem:s21+$0xFFFFFF70] =	vst v2  }
0x1a4: {  	v2 =	vld [tilespmem:s19+$0xFFFFFF50]  }
0x1a5: {  	v5 =	vmul.f32 v5, v7;
	[tilespmem:s6+$0xFFFFFFA0] =	vst v1;
	v1 =	vld [tilespmem:s24+$0xFFFFFF80];
	s24 =	smov.u32 s18;
	s18 =	smov.u32 s28  }
0x1a6: {  	v7 =	vld [tilespmem:s28+$0xFFFFFFB0]  }
0x1a7: {  	[tilespmem:s6+$0xFFFFFF20] =	vst v5;
	v5 =	vld [tilespmem:s25+$0xFFFFFFB0];
	v3 =	vmul.f32 v6, v3  }
0x1a8: {  	v6 =	vld [tilespmem:s28+$0xFFFFFF30]  }
0x1a9: {  	v8 =	vld [tilespmem:s25+$0xFFFFFF30];
	v2 =	vmul.f32 v2, v4;
	[tilespmem:s16+$0xFFFFFFE0] =	vst v3  }
0x1aa: {  	v3 =	vld [tilespmem:s24+$0xFFFFFFF0]  }
0x1ab: {  	[tilespmem:s16+$0xFFFFFF50] =	vst v2;
	v9 =	vld [tilespmem:s19+$0xFFFFFFF0]  }
0x1ac: {  	v2 =	vmul.f32 v5, v7;
	v4 =	vld [tilespmem:s24+$0xFFFFFF60]  }
.Ltmp4:
0x1ad: {  	v5 =	vld [tilespmem:s19+$0xFFFFFF60];
	(pc) =	sbr.rel @p1 .LBB2_7-.Ltmp4, $4  }
0x1ae: {  	v6 =	vmul.f32 v8, v6;
	[tilespmem:s6+$0xFFFFFFB0] =	vst v2;
	v2 =	vld [tilespmem:s15+$0xFFFFFF80];
	s15 =	smov.u32 s19;
	s19 =	smov.u32 s25  }
0x1af: {  	v7 =	vld [tilespmem:s28+$0xFFFFFFC0]  }
0x1b0: {  	[tilespmem:s6+$0xFFFFFF30] =	vst v6;
	v8 =	vld [tilespmem:s25+$0xFFFFFFC0];
	v6 =	vmul.f32 v9, v3  }
0x1b1: {  	s28 =	sadd.s32 $0x100, s28;
	v3 =	vld [tilespmem:s18+$0xFFFFFF40]  }
0x1b2: {  	v9 =	vld [tilespmem:s19+$0xFFFFFF40];
	_ =	sdelay $0x2  }
0x1b3: {  	v7 =	vmul.f32 v8, v7;
	_ =	sdelay $0x1  }
0x1b4: {  	[tilespmem:s6+$0xFFFFFFC0] =	vst v7;
	v3 =	vmul.f32 v9, v3  }
0x1b5: {  	v7 =	vld [tilespmem:s18+$0xFFFFFFD0]  }
0x1b6: {  	v52 =	vld [tilespmem:s19+$0xFFFFFFD0];
	[tilespmem:s6+$0xFFFFFF40] =	vst v3  }
0x1b7: {  	v3 =	vld [tilespmem:s18+$0xFFFFFF50]  }
0x1b8: {  	v53 =	vld [tilespmem:s19+$0xFFFFFF50];
	_ =	sdelay $0x2  }
0x1b9: {  	v7 =	vmul.f32 v52, v7;
	_ =	sdelay $0x1  }
0x1ba: {  	[tilespmem:s6+$0xFFFFFFD0] =	vst v7;
	v3 =	vmul.f32 v53, v3  }
0x1bb: {  	v7 =	vld [tilespmem:s18+$0xFFFFFFE0]  }
0x1bc: {  	v54 =	vld [tilespmem:s19+$0xFFFFFFE0];
	[tilespmem:s6+$0xFFFFFF50] =	vst v3  }
0x1bd: {  	v3 =	vld [tilespmem:s18+$0xFFFFFF60]  }
0x1be: {  	v55 =	vld [tilespmem:s19+$0xFFFFFF60]  }
0x1bf: {  	v4 =	vmul.f32 v5, v4;
	_ =	sdelay $0x1  }
0x1c0: {  	[tilespmem:s16+$0xFFFFFF60] =	vst v4;
	v56 =	vmul.f32 v54, v7  }
0x1c1: {  	v57 =	vld [tilespmem:s24+$0xFFFFFF70]  }
0x1c2: {  	v58 =	vld [tilespmem:s15+$0xFFFFFF70];
	[tilespmem:s6+$0xFFFFFFE0] =	vst v56;
	v3 =	vmul.f32 v55, v3  }
0x1c3: {  	v4 =	vld [tilespmem:s18+$0xFFFFFFF0]  }
0x1c4: {  	v59 =	vld [tilespmem:s19+$0xFFFFFFF0];
	[tilespmem:s6+$0xFFFFFF60] =	vst v3  }
0x1c5: {  	v3 =	vld [tilespmem:s18+$0xFFFFFF70]  }
0x1c6: {  	v60 =	vld [tilespmem:s19+$0xFFFFFF70]  }
0x1c7: {  	[tilespmem:s16+$0xFFFFFFF0] =	vst v6;
	v5 =	vmul.f32 v58, v57  }
0x1c8: {  	v6 =	vld [tilespmem:s24+$0x0]  }
0x1c9: {  	v61 =	vld [tilespmem:s15+$0x0];
	[tilespmem:s16+$0xFFFFFF70] =	vst v5;
	v4 =	vmul.f32 v59, v4  }
0x1ca: {  	v5 =	vld [tilespmem:s24+$0xFFFFFF80]  }
0x1cb: {  	v62 =	vld [tilespmem:s15+$0xFFFFFF80];
	[tilespmem:s6+$0xFFFFFFF0] =	vst v4;
	v3 =	vmul.f32 v60, v3  }
0x1cc: {  	v4 =	vld [tilespmem:s18+$0x0]  }
0x1cd: {  	v63 =	vld [tilespmem:s19+$0x0];
	[tilespmem:s6+$0xFFFFFF70] =	vst v3  }
0x1ce: {  	v3 =	vld [tilespmem:s18+$0xFFFFFF80]  }
0x1cf: {  	v10 =	vld [tilespmem:s19+$0xFFFFFF80]  }
0x1d0: {  	v1 =	vmul.f32 v2, v1  }
0x1d1: {  	v2 =	vmul.f32 v61, v6  }
0x1d2: {  	[tilespmem:s21+$0xFFFFFF80] =	vst v1;
	v1 =	vmul.f32 v62, v5  }
.Ltmp5:
0x1d3: {  	[tilespmem:s16+$0x0] =	vst v2;
	v2 =	vmul.f32 v63, v4;
	(pc) =	sbr.rel @p0 .LBB2_10-.Ltmp5, $4  }
0x1d4: {  	[tilespmem:s16+$0xFFFFFF80] =	vst v1;
	v1 =	vmul.f32 v10, v3  }
0x1d5: {  	[tilespmem:s6+$0x0] =	vst v2  }
0x1d6: {  	[tilespmem:s6+$0xFFFFFF80] =	vst v1  }
0x1d7: {  	[spmem:s2] =	stream.indirect.scatter.add.f32 [tilespmem:s14], [sflag:$0x6], $0x80, s13, s29, $0xb8;
	[tilespmem:$0x1FE00] =	vst v63  }
0x1d8: {  	_ =	swait.ge [sflag:s1], $0x80  }
.Ltmp6:
0x1d9: {  	[sflag:s1] =	ssyncset.done $0x0;
	(pc) =	sbr.rel .LBB2_4-.Ltmp6, $4  }
0x1da: {  	s3 =	simm.s32 $0x2200;
	s30 =	sshll.u32 s20, $0xB;
	[sflag:s1] =	ssyncadd.s32 $0xFFFFFF80  }
0x1db: {  	[tilespmem:s3], [sflag:$0x2] =	stream.indirect.gather [hbm4b:s4+s29], $0x80, s31, s29, $0xb8;
	[tilespmem:$0x1FE00] =	vst v63  }
0x1dc: {  	s6 =	simm.s32 $0x0;
	s20 =	sadd.s32 $0x1, s20;
	s3 =	sadd.s32 s23, s30  }
0x1dd: {  	[tilespmem:s0], [sflag:$0x4] =	stream.linear.gather [hbm4b:s3+s6], $0x2000, $0x38;
	[tilespmem:$0x1FE00] =	vst v63  }
.LBB2_11:
0x1de: {  	_ =	sfence.sel $0x180000  }
0x1df: {  	[bflag:$0x0] =	sbarrier.arrive $0xFFFF  }
0x1e0: {  	_ =	strace $0x90000047  }
0x1e1: {  	s0 =	stileid.u32;
	[bflag:$0x2] =	sbarrier.arrive $0xFFFF  }
0x1e2: {  	p0 =	sne.s32 s0, $0x0;
	s0 =	rddreg [dreg:$0x2]  }
0x1e3: {  	s0 =	sadd.s32 @!p0 $0x100000, s0  }
0x1e4: {  	[sflag:s0] =	ssyncadd.tile.s32 @!p0 $0x1;
	_ =	shalt  }
.Lfunc_end2:
_tile_overlayer_lowered:
.L_overlay_start_2:
0x1e5: {  	(tag) =	ssettag $0x2  }
0x1e6: {  	s0 =	rddreg [dreg:$0x0];
	s2 =	stileid.u32  }
0x1e7: {  	s1 =	rddreg [dreg:$0x1];
	p0 =	sne.s32 s2, $0x0  }
0x1e8: {  	s3 =	rddreg [dreg:$0x2];
	[bflag:$0x3] =	sbarrier.arrive $0xFFFF;
	s2 =	simm.s32 @!p0 $0x1C09  }
0x1e9: {  	[timem:s3], [sflag:s2] =	dma.local @!p0 [hbm:s0], s1  }
0x1ea: {  	s0 =	simm.s32 @!p0 $0x9  }
0x1eb: {  	_ =	swait.ge @!p0 [sflag:s0], s1  }
0x1ec: {  	s1 =	ssub.s32 @!p0 $0x0, s1;
	[sflag:s0] =	ssyncset.done @!p0 $0x0  }
0x1ed: {  	[sflag:s0] =	ssyncadd.s32 @!p0 s1  }
0x1ee: {  	[bflag:$0x3] =	sbarrier.arrive $0xFFFF  }
0x1ef: {  	_ =	shalt  }

</sc_bundles>
